<compile_context>
chip_gen: v7x
topology: tpu7x:2x2x1
jax: 0.10.2.dev20260603
libtpu: 0.0.44.dev20260713+nightly
codegen_flags: <defaults>
</compile_context>

<pallas_src>
import jax
import jax.numpy as jnp
from jax.experimental import pallas as pl
from jax.experimental.pallas import tpu as pltpu
from jax.experimental.pallas import tpu_sc as plsc

E = 64
D = 768
H = 768
T = 2048
TTI = 32
MM = 128
TPAD = T + E * TTI + MM
CHUNK = 256
HALF = D // 2
SCW = 128


def _router_meta_kernel(x_ref, wg_ref, pos2_ref, pos_ref, pt_ref, ntl_ref,
                        w_ref):
    x = x_ref[...]
    wg = wg_ref[...]
    logits = jnp.dot(x, wg, preferred_element_type=jnp.float32)
    m = jnp.max(logits, axis=1, keepdims=True)
    p = jnp.exp(logits - m)
    s = jnp.sum(p, axis=1, keepdims=True)
    probs = p / s
    top = jnp.max(probs, axis=1, keepdims=True)
    w = top / (top + 1e-9)

    eq = (probs == top).astype(jnp.float32)
    row_ee = jax.lax.broadcasted_iota(jnp.int32, (E, E), 0)
    col_ee = jax.lax.broadcasted_iota(jnp.int32, (E, E), 1)
    le = (row_ee <= col_ee).astype(jnp.float32)
    cs = jnp.dot(eq, le, preferred_element_type=jnp.float32)
    onehot = eq * (cs == 1.0).astype(jnp.float32)

    counts = jnp.sum(onehot, axis=0, keepdims=True)
    pc = jnp.ceil(counts / TTI) * TTI
    lt = (row_ee < col_ee).astype(jnp.float32)
    poff = jnp.dot(pc, lt, preferred_element_type=jnp.float32)

    tri = (jax.lax.broadcasted_iota(jnp.int32, (CHUNK, CHUNK), 1)
           <= jax.lax.broadcasted_iota(jnp.int32, (CHUNK, CHUNK), 0)
           ).astype(jnp.float32)
    carry = jnp.zeros((1, E), dtype=jnp.float32)
    pos_parts = []
    for k in range(T // CHUNK):
        ob = onehot[k * CHUNK:(k + 1) * CHUNK, :]
        rb = jnp.dot(tri, ob, preferred_element_type=jnp.float32) + carry
        carry = rb[CHUNK - 1:CHUNK, :]
        posb = jnp.sum((rb - 1.0 + poff) * ob, axis=1)
        pos_parts.append(posb)
    pos = jnp.concatenate(pos_parts, axis=0)
    posi = pos.astype(jnp.int32)
    pos_ref[0, :] = posi
    pos2_ref[...] = jnp.concatenate(
        [(2 * posi)[:, None], (2 * posi + 1)[:, None]], axis=1)

    pt_ref[0, :] = poff[0].astype(jnp.int32)
    ntl_ref[0, :] = jnp.ceil(pc[0] / MM).astype(jnp.int32)

    w_ref[...] = jnp.broadcast_to(w, (T, 128))


def _router_meta(x2, wg, interpret=False):
    return pl.pallas_call(
        _router_meta_kernel,
        out_shape=[
            jax.ShapeDtypeStruct((T, 2), jnp.int32),
            jax.ShapeDtypeStruct((1, T), jnp.int32),
            jax.ShapeDtypeStruct((1, E), jnp.int32),
            jax.ShapeDtypeStruct((1, E), jnp.int32),
            jax.ShapeDtypeStruct((T, 128), jnp.float32),
        ],
        interpret=interpret,
    )(x2, wg)


def _grouped_ffn_kernel(pt_ref, ntl_ref, xp_ref, ws_ref, b1_ref, b2_ref,
                        w1_hbm, w2_hbm, o_ref, w1buf, w2buf, sem1, sem2):
    def w1copy(e, slot):
        return pltpu.make_async_copy(w1_hbm.at[e], w1buf.at[slot],
                                     sem1.at[slot])

    def w2copy(e, slot):
        return pltpu.make_async_copy(w2_hbm.at[e], w2buf.at[slot],
                                     sem2.at[slot])

    w1copy(0, 0).start()
    w2copy(0, 0).start()

    def expert(e, carry):
        slot = jax.lax.rem(e, 2)
        nslot = jax.lax.rem(e + 1, 2)

        @pl.when(e + 1 < E)
        def _():
            w1copy(e + 1, nslot).start()
            w2copy(e + 1, nslot).start()

        w1copy(e, slot).wait()
        w2copy(e, slot).wait()
        w1 = w1buf[slot].astype(jnp.bfloat16)
        w2 = w2buf[slot].astype(jnp.bfloat16)
        b1 = b1_ref[e]
        b2 = b2_ref[e]
        base = pt_ref[e]

        def sub(k, c):
            rows = pl.ds(pl.multiple_of(base + k * MM, TTI), MM)
            xt = xp_ref[rows, :].astype(jnp.bfloat16)
            h = jnp.dot(xt, w1, preferred_element_type=jnp.float32) + b1
            h = 0.5 * h * (1.0 + jax.lax.erf(h * 0.7071067811865476))
            y = (jnp.dot(h.astype(jnp.bfloat16), w2,
                         preferred_element_type=jnp.float32) + b2)
            o_ref[rows, :] = y * ws_ref[rows, 0:1]
            return c

        jax.lax.fori_loop(0, ntl_ref[e], sub, 0)
        return carry

    jax.lax.fori_loop(0, E, expert, 0)


def _grouped_ffn(pt, ntl, x_pad, ws, W1, b1, W2, b2, interpret=False):
    grid_spec = pltpu.PrefetchScalarGridSpec(
        num_scalar_prefetch=2,
        grid=(1,),
        in_specs=[
            pl.BlockSpec((TPAD, D), lambda i, pt, ntl: (0, 0)),
            pl.BlockSpec((TPAD, 128), lambda i, pt, ntl: (0, 0)),
            pl.BlockSpec((E, 1, H), lambda i, pt, ntl: (0, 0, 0)),
            pl.BlockSpec((E, 1, D), lambda i, pt, ntl: (0, 0, 0)),
            pl.BlockSpec(memory_space=pltpu.MemorySpace.HBM),
            pl.BlockSpec(memory_space=pltpu.MemorySpace.HBM),
        ],
        out_specs=pl.BlockSpec((TPAD, D), lambda i, pt, ntl: (0, 0)),
        scratch_shapes=[
            pltpu.VMEM((2, D, H), jnp.float32),
            pltpu.VMEM((2, H, D), jnp.float32),
            pltpu.SemaphoreType.DMA((2,)),
            pltpu.SemaphoreType.DMA((2,)),
        ],
    )
    return pl.pallas_call(
        _grouped_ffn_kernel,
        grid_spec=grid_spec,
        out_shape=jax.ShapeDtypeStruct((TPAD, D), jnp.float32),
        interpret=interpret,
    )(pt, ntl, x_pad, ws, b1.reshape(E, 1, H), b2.reshape(E, 1, D), W1, W2)


def _sc_scatter(xh, w128, pos2, pos):
    mesh = plsc.VectorSubcoreMesh(core_axis_name="c", subcore_axis_name="s")

    @pl.kernel(
        out_type=[
            jax.ShapeDtypeStruct((2 * TPAD, HALF), jnp.float32),
            jax.ShapeDtypeStruct((TPAD, 128), jnp.float32),
        ],
        mesh=mesh,
        scratch_types=[],
    )
    def kern(x_hbm, w_hbm, i2_hbm, i_hbm, xp_hbm, ws_hbm):
        def xbody(x_vmem, i_vmem):
            pltpu.sync_copy(x_vmem, xp_hbm.at[i_vmem.at[0]])

        pltpu.emit_pipeline(
            xbody,
            grid=(2 * T // SCW,),
            in_specs=[
                pl.BlockSpec((SCW, HALF), lambda i: (i, 0)),
                pl.BlockSpec((1, SCW), lambda i: (0, i)),
            ],
            out_specs=[],
            core_axis_name=("c", "s"),
            dimension_semantics=(pltpu.PARALLEL,),
        )(x_hbm, i2_hbm)

        def wbody(w_vmem, i_vmem):
            pltpu.sync_copy(w_vmem, ws_hbm.at[i_vmem.at[0]])

        pltpu.emit_pipeline(
            wbody,
            grid=(T // SCW,),
            in_specs=[
                pl.BlockSpec((SCW, 128), lambda i: (i, 0)),
                pl.BlockSpec((1, SCW), lambda i: (0, i)),
            ],
            out_specs=[],
            core_axis_name=("c", "s"),
            dimension_semantics=(pltpu.PARALLEL,),
        )(w_hbm, i_hbm)

    return kern(xh, w128, pos2, pos)


def _sc_gather(yh, pos2):
    mesh = plsc.VectorSubcoreMesh(core_axis_name="c", subcore_axis_name="s")

    @pl.kernel(
        out_type=jax.ShapeDtypeStruct((2 * T, HALF), jnp.float32),
        mesh=mesh,
        scratch_types=[],
    )
    def kern(y_hbm, i_hbm, o_hbm):
        def body(i_vmem, o_vmem):
            pltpu.sync_copy(y_hbm.at[i_vmem.at[0]], o_vmem)

        pltpu.emit_pipeline(
            body,
            grid=(2 * T // SCW,),
            in_specs=[pl.BlockSpec((1, SCW), lambda i: (0, i))],
            out_specs=[pl.BlockSpec((SCW, HALF), lambda i: (i, 0))],
            core_axis_name=("c", "s"),
            dimension_semantics=(pltpu.PARALLEL,),
        )(i_hbm, o_hbm)

    return kern(yh, pos2)


def kernel(x, Wg, W1, b1, W2, b2):
    orig_shape = x.shape
    x2 = x.reshape(-1, D)
    pos2, pos, pt, ntl, w128 = _router_meta(x2, Wg)
    x_pad2, ws = _sc_scatter(x2.reshape(2 * T, HALF), w128,
                             pos2.reshape(1, 2 * T), pos)
    y_sorted = _grouped_ffn(pt[0], ntl[0], x_pad2.reshape(TPAD, D), ws,
                            W1, b1, W2, b2)
    out2 = _sc_gather(y_sorted.reshape(2 * TPAD, HALF),
                      pos2.reshape(1, 2 * T))
    return out2.reshape(orig_shape)

# --- scband reference (transcript-rebuilt; emitter-appended) ---
"""Pipeline reference for scband-moe-feed-forward-70832600645641 (READ-ONLY COPY).

The authoritative reference and input builder live on the scoring server;
editing this copy changes nothing except your own understanding.
"""

import jax, jax.numpy as jnp
import numpy as np

E = 64
D = 768
H = 768
TOPK = 1
B = 1
S = 2048


def setup_inputs(seed: int = 0) -> dict:
    key = jax.random.key(seed)
    ks = jax.random.split(key, 6)
    s = 0.02
    x = jax.random.normal(ks[0], (B, S, D), dtype=jnp.float32)
    Wg = jax.random.normal(ks[1], (D, E), dtype=jnp.float32) * s
    W1 = jax.random.normal(ks[2], (E, D, H), dtype=jnp.float32) * s
    b1 = jnp.zeros((E, H), dtype=jnp.float32)
    W2 = jax.random.normal(ks[3], (E, H, D), dtype=jnp.float32) * s
    b2 = jnp.zeros((E, D), dtype=jnp.float32)
    return {"x": x, "Wg": Wg, "W1": W1, "b1": b1, "W2": W2, "b2": b2}


def reference(x, Wg, W1, b1, W2, b2):
    orig_shape = x.shape
    x2 = x.reshape(-1, D)
    T = x2.shape[0]
    # Router: gate linear (no bias) -> softmax -> top-k -> renormalize
    logits = x2 @ Wg
    probs = jax.nn.softmax(logits, axis=-1)
    top_w, top_idx = jax.lax.top_k(probs, TOPK)
    top_w = top_w / (jnp.sum(top_w, axis=-1, keepdims=True) + 1e-9)
    # Dense combine gates: zero for unselected experts. Mathematically
    # equivalent to the torch permute/dispatch/scatter_add pipeline.
    gates = jnp.zeros((T, E), dtype=x2.dtype).at[
        jnp.arange(T)[:, None], top_idx
    ].add(top_w)
    # Experts: FeedForward = Linear(D,H) -> GELU -> (dropout=0) -> Linear(H,D)
    h = jnp.einsum('td,edh->eth', x2, W1) + b1[:, None, :]
    h = jax.nn.gelu(h, approximate=False)
    y = jnp.einsum('eth,ehd->etd', h, W2) + b2[:, None, :]
    out = jnp.einsum('te,etd->td', gates, y)
    return out.reshape(orig_shape)

if __name__ == "__main__":
    import jax
    _d = setup_inputs()
    print(jax.jit(kernel)(*tuple(_d.values())))

</pallas_src>

<mosaic_0001>
#map = affine_map<(d0, d1) -> (0, 0)>
module attributes {stable_mosaic.version = 14 : i64} {
  func.func @kern(%arg0: i32, %arg1: i32, %arg2: memref<8448x384xf32, #tpu.memory_space<hbm>>, %arg3: memref<1x4096xi32, #tpu.memory_space<hbm>>, %arg4: memref<4096x384xf32, #tpu.memory_space<hbm>>) attributes {dimension_semantics = [#tpu.dimension_semantics<core_parallel>, #tpu.dimension_semantics<subcore_parallel>], iteration_bounds = array<i64: 2, 16>, scalar_prefetch = 0 : i64, scratch_operands = 0 : i64, tpu.core_type = #tpu.core_type<sc_vector_subcore>, window_params = [{transform_indices = #map}, {transform_indices = #map}, {transform_indices = #map}]} {
    %mul3A = arith.constant 1 : i32
    %mul3A_0 = arith.muli %arg1, %mul3A : i32
    %add3A = arith.constant 0 : i32
    %add3A_1 = arith.addi %add3A, %mul3A_0 : i32
    %mul3A_2 = arith.constant 16 : i32
    %mul3A_3 = arith.muli %arg0, %mul3A_2 : i32
    %add3A_4 = arith.addi %add3A_1, %mul3A_3 : i32
    %mul3A_5 = arith.constant 1 : i32
    %mul3A_6 = arith.muli %add3A_4, %mul3A_5 : i32
    "tpu.region"() ({
      %run_scoped3A = memref.alloca() : memref<2x1x128xi32, #tpu.memory_space<vmem>>
      %run_scoped3A_7 = tpu.sem_alloc : memref<2x!tpu.dma_semaphore, #tpu.memory_space<semaphore_mem>>
      %run_scoped3A_8 = memref.alloca() : memref<2x128x384xf32, #tpu.memory_space<vmem>>
      %run_scoped3A_9 = tpu.sem_alloc : memref<2x!tpu.dma_semaphore, #tpu.memory_space<semaphore_mem>>
      %add3A_10 = arith.constant 0 : i32
      %add3A_11 = arith.addi %add3A_10, %mul3A_6 : i32
      %select_n3A = arith.constant true
      %select_n3A_12 = arith.constant 0 : i32
      %select_n3A_13 = arith.constant -1 : i32
      %select_n3A_14 = arith.select %select_n3A, %select_n3A_13, %select_n3A_12 : i32
      %eq3A = arith.constant -1 : i32
      %eq3A_15 = arith.cmpi eq, %select_n3A_14, %eq3A : i32
      %select_n3A_16 = arith.constant 0 : i32
      %select_n3A_17 = arith.select %eq3A_15, %select_n3A_16, %select_n3A_14 : i32
      %add3A_18 = arith.constant 0 : i32
      %add3A_19 = arith.addi %add3A_18, %mul3A_6 : i32
      %select_n3A_20 = arith.constant true
      %select_n3A_21 = arith.constant 0 : i32
      %select_n3A_22 = arith.constant 1 : i32
      %select_n3A_23 = arith.select %select_n3A_20, %select_n3A_22, %select_n3A_21 : i32
      %eq3A_24 = arith.constant 1 : i32
      %eq3A_25 = arith.cmpi eq, %select_n3A_23, %eq3A_24 : i32
      %select_n3A_26 = arith.constant 0 : i32
      %select_n3A_27 = arith.select %eq3A_25, %select_n3A_26, %select_n3A_23 : i32
      %add3A_28 = arith.constant 0 : i32
      %add3A_29 = arith.addi %add3A_28, %mul3A_6 : i32
      %select_n3A_30 = arith.constant true
      %select_n3A_31 = arith.constant 0 : i32
      %select_n3A_32 = arith.constant 1 : i32
      %select_n3A_33 = arith.select %select_n3A_30, %select_n3A_32, %select_n3A_31 : i32
      %eq3A_34 = arith.constant 1 : i32
      %eq3A_35 = arith.cmpi eq, %select_n3A_33, %eq3A_34 : i32
      %select_n3A_36 = arith.constant 0 : i32
      %select_n3A_37 = arith.select %eq3A_35, %select_n3A_36, %select_n3A_33 : i32
      %add3A_38 = arith.constant 0 : i32
      %add3A_39 = arith.addi %add3A_38, %mul3A_6 : i32
      "tpu.trace_start"() <{level = 10 : i32, message = "ep_initialize_0"}> : () -> ()
      %rem3A = arith.constant 0 : i32
      %rem3A_40 = arith.constant 2 : i32
      %rem3A_41 = arith.remui %rem3A, %rem3A_40 : i32
      %mul3A_42 = arith.constant 128 : i32
      %mul3A_43 = arith.muli %mul3A_42, %add3A_11 : i32
      %dma_start3A = arith.constant 0 : i32
      %dma_start3A_44 = arith.constant 0 : i32
      %dma_start3A_45 = tpu.memref_slice %run_scoped3A[%rem3A_41, %dma_start3A, %dma_start3A_44] : memref<2x1x128xi32, #tpu.memory_space<vmem>> -> memref<1x1x128xi32, #tpu.memory_space<vmem>>
      %dma_start3A_46 = tpu.memref_squeeze %dma_start3A_45 : memref<1x1x128xi32, #tpu.memory_space<vmem>> -> memref<1x128xi32, #tpu.memory_space<vmem>>
      %dma_start3A_47 = arith.constant 0 : i32
      %dma_start3A_48 = tpu.memref_slice %arg3[%dma_start3A_47, %mul3A_43] : memref<1x4096xi32, #tpu.memory_space<hbm>> -> memref<1x128xi32, #tpu.memory_space<hbm>>
      %dma_start3A_49 = tpu.memref_slice %run_scoped3A_7[%rem3A_41] : memref<2x!tpu.dma_semaphore, #tpu.memory_space<semaphore_mem>> -> memref<1x!tpu.dma_semaphore, #tpu.memory_space<semaphore_mem>>
      %dma_start3A_50 = tpu.memref_squeeze %dma_start3A_49 : memref<1x!tpu.dma_semaphore, #tpu.memory_space<semaphore_mem>> -> memref<!tpu.dma_semaphore, #tpu.memory_space<semaphore_mem>>
      %dma_start3A_51 = arith.constant 0 : i32
      %dma_start3A_52 = arith.constant 0 : i32
      %dma_start3A_53 = tpu.memref_slice %run_scoped3A[%rem3A_41, %dma_start3A_51, %dma_start3A_52] : memref<2x1x128xi32, #tpu.memory_space<vmem>> -> memref<1x1x128xi32, #tpu.memory_space<vmem>>
      %dma_start3A_54 = tpu.memref_squeeze %dma_start3A_53 : memref<1x1x128xi32, #tpu.memory_space<vmem>> -> memref<1x128xi32, #tpu.memory_space<vmem>>
      %dma_start3A_55 = arith.constant 0 : i32
      %dma_start3A_56 = tpu.memref_slice %arg3[%dma_start3A_55, %mul3A_43] : memref<1x4096xi32, #tpu.memory_space<hbm>> -> memref<1x128xi32, #tpu.memory_space<hbm>>
      tpu.enqueue_dma source(%dma_start3A_56 : memref<1x128xi32, #tpu.memory_space<hbm>>) target(%dma_start3A_54 : memref<1x128xi32, #tpu.memory_space<vmem>>) target_semaphore(%dma_start3A_50 : memref<!tpu.dma_semaphore, #tpu.memory_space<semaphore_mem>>)
      %add3A_57 = arith.constant 0 : i32
      %add3A_58 = arith.constant 1 : i32
      %add3A_59 = arith.addi %add3A_57, %add3A_58 : i32
      %select_n3A_60 = arith.constant true
      %select_n3A_61 = arith.constant 0 : i32
      %select_n3A_62 = arith.select %select_n3A_60, %add3A_59, %select_n3A_61 : i32
      "tpu.trace_stop"() : () -> ()
      %scan3A = arith.constant 0 : i32
      %scan3A_63 = arith.constant 0 : i32
      %scan3A_64 = arith.constant 0 : i32
      %scan3A_65 = arith.constant 0 : i32
      %scan3A_66 = arith.constant 0 : i32
      %eq3A_67 = arith.constant 0 : i32
      %eq3A_68 = arith.cmpi eq, %scan3A_66, %eq3A_67 : i32
      %eq3A_69 = arith.constant 0 : i32
      %eq3A_70 = arith.cmpi eq, %scan3A_66, %eq3A_69 : i32
      %add3A_71 = arith.constant 0 : i32
      %add3A_72 = arith.addi %add3A_71, %mul3A_6 : i32
      %select_n3A_73 = arith.constant true
      %select_n3A_74 = arith.constant 0 : i32
      %select_n3A_75 = arith.constant -1 : i32
      %select_n3A_76 = arith.select %select_n3A_73, %select_n3A_75, %select_n3A_74 : i32
      %eq3A_77 = arith.constant -1 : i32
      %eq3A_78 = arith.cmpi eq, %select_n3A_76, %eq3A_77 : i32
      %select_n3A_79 = arith.constant 0 : i32
      %select_n3A_80 = arith.select %eq3A_78, %select_n3A_79, %select_n3A_76 : i32
      %add3A_81 = arith.constant 0 : i32
      %add3A_82 = arith.addi %add3A_81, %mul3A_6 : i32
      %select_n3A_83 = arith.constant true
      %select_n3A_84 = arith.constant 0 : i32
      %select_n3A_85 = arith.constant 1 : i32
      %select_n3A_86 = arith.select %select_n3A_83, %select_n3A_85, %select_n3A_84 : i32
      %eq3A_87 = arith.constant 1 : i32
      %eq3A_88 = arith.cmpi eq, %select_n3A_86, %eq3A_87 : i32
      %select_n3A_89 = arith.constant 0 : i32
      %select_n3A_90 = arith.select %eq3A_88, %select_n3A_89, %select_n3A_86 : i32
      %add3A_91 = arith.constant 0 : i32
      %add3A_92 = arith.addi %add3A_91, %mul3A_6 : i32
      %select_n3A_93 = arith.constant true
      %select_n3A_94 = arith.constant 0 : i32
      %select_n3A_95 = arith.constant 1 : i32
      %select_n3A_96 = arith.select %select_n3A_93, %select_n3A_95, %select_n3A_94 : i32
      %eq3A_97 = arith.constant 1 : i32
      %eq3A_98 = arith.cmpi eq, %select_n3A_96, %eq3A_97 : i32
      %select_n3A_99 = arith.constant 0 : i32
      %select_n3A_100 = arith.select %eq3A_98, %select_n3A_99, %select_n3A_96 : i32
      %add3A_101 = arith.constant 0 : i32
      %add3A_102 = arith.addi %add3A_101, %mul3A_6 : i32
      %ne3A = arith.cmpi ne, %add3A_72, %add3A_92 : i32
      %or3A = arith.constant false
      %or3A_103 = arith.ori %or3A, %ne3A : i1
      %ge3A = arith.constant 0 : i32
      %ge3A_104 = arith.cmpi sge, %scan3A_66, %ge3A : i32
      %not3A = arith.constant true
      %not3A_105 = arith.xori %ge3A_104, %not3A : i1
      %and3A = arith.andi %or3A_103, %not3A_105 : i1
      %convert_element_type3A = arith.extui %and3A : i1 to i32
      %cond3A = arith.constant 0 : i32
      %cond3A_106 = arith.cmpi ne, %convert_element_type3A, %cond3A : i32
      scf.if %cond3A_106 {
        "tpu.trace_start"() <{level = 10 : i32, message = "ep_copy_in"}> : () -> ()
        %rem3A_266 = arith.constant 2 : i32
        %rem3A_267 = arith.remui %select_n3A_62, %rem3A_266 : i32
        %mul3A_268 = arith.constant 128 : i32
        %mul3A_269 = arith.muli %mul3A_268, %add3A_92 : i32
        %dma_start3A_270 = arith.constant 0 : i32
        %dma_start3A_271 = arith.constant 0 : i32
        %dma_start3A_272 = tpu.memref_slice %run_scoped3A[%rem3A_267, %dma_start3A_270, %dma_start3A_271] : memref<2x1x128xi32, #tpu.memory_space<vmem>> -> memref<1x1x128xi32, #tpu.memory_space<vmem>>
        %dma_start3A_273 = tpu.memref_squeeze %dma_start3A_272 : memref<1x1x128xi32, #tpu.memory_space<vmem>> -> memref<1x128xi32, #tpu.memory_space<vmem>>
        %dma_start3A_274 = arith.constant 0 : i32
        %dma_start3A_275 = tpu.memref_slice %arg3[%dma_start3A_274, %mul3A_269] : memref<1x4096xi32, #tpu.memory_space<hbm>> -> memref<1x128xi32, #tpu.memory_space<hbm>>
        %dma_start3A_276 = tpu.memref_slice %run_scoped3A_7[%rem3A_267] : memref<2x!tpu.dma_semaphore, #tpu.memory_space<semaphore_mem>> -> memref<1x!tpu.dma_semaphore, #tpu.memory_space<semaphore_mem>>
        %dma_start3A_277 = tpu.memref_squeeze %dma_start3A_276 : memref<1x!tpu.dma_semaphore, #tpu.memory_space<semaphore_mem>> -> memref<!tpu.dma_semaphore, #tpu.memory_space<semaphore_mem>>
        %dma_start3A_278 = arith.constant 0 : i32
        %dma_start3A_279 = arith.constant 0 : i32
        %dma_start3A_280 = tpu.memref_slice %run_scoped3A[%rem3A_267, %dma_start3A_278, %dma_start3A_279] : memref<2x1x128xi32, #tpu.memory_space<vmem>> -> memref<1x1x128xi32, #tpu.memory_space<vmem>>
        %dma_start3A_281 = tpu.memref_squeeze %dma_start3A_280 : memref<1x1x128xi32, #tpu.memory_space<vmem>> -> memref<1x128xi32, #tpu.memory_space<vmem>>
        %dma_start3A_282 = arith.constant 0 : i32
        %dma_start3A_283 = tpu.memref_slice %arg3[%dma_start3A_282, %mul3A_269] : memref<1x4096xi32, #tpu.memory_space<hbm>> -> memref<1x128xi32, #tpu.memory_space<hbm>>
        tpu.enqueue_dma source(%dma_start3A_283 : memref<1x128xi32, #tpu.memory_space<hbm>>) target(%dma_start3A_281 : memref<1x128xi32, #tpu.memory_space<vmem>>) target_semaphore(%dma_start3A_277 : memref<!tpu.dma_semaphore, #tpu.memory_space<semaphore_mem>>)
        "tpu.trace_stop"() : () -> ()
      } else {
      }
      %and3A_107 = arith.constant true
      %and3A_108 = arith.andi %and3A, %and3A_107 : i1
      %add3A_109 = arith.constant 1 : i32
      %add3A_110 = arith.addi %select_n3A_62, %add3A_109 : i32
      %select_n3A_111 = arith.select %and3A_108, %add3A_110, %select_n3A_62 : i32
      %ne3A_112 = arith.cmpi ne, %add3A_72, %add3A_92 : i32
      %or3A_113 = arith.constant false
      %or3A_114 = arith.ori %or3A_113, %ne3A_112 : i1
      %or3A_115 = arith.constant false
      %or3A_116 = arith.ori %or3A_114, %or3A_115 : i1
      %ge3A_117 = arith.constant 0 : i32
      %ge3A_118 = arith.cmpi sge, %scan3A_66, %ge3A_117 : i32
      %not3A_119 = arith.constant true
      %not3A_120 = arith.xori %ge3A_118, %not3A_119 : i1
      %and3A_121 = arith.andi %or3A_116, %not3A_120 : i1
      %ne3A_122 = arith.cmpi ne, %add3A_72, %add3A_82 : i32
      %or3A_123 = arith.constant false
      %or3A_124 = arith.ori %or3A_123, %ne3A_122 : i1
      %or3A_125 = arith.ori %or3A_124, %eq3A_68 : i1
      %convert_element_type3A_126 = arith.extui %or3A_125 : i1 to i32
      %cond3A_127 = arith.constant 0 : i32
      %cond3A_128 = arith.cmpi ne, %convert_element_type3A_126, %cond3A_127 : i32
      scf.if %cond3A_128 {
        "tpu.trace_start"() <{level = 10 : i32, message = "ep_wait_in"}> : () -> ()
        %mul3A_266 = arith.constant 128 : i32
        %mul3A_267 = arith.muli %mul3A_266, %add3A_72 : i32
        %rem3A_268 = arith.constant 2 : i32
        %rem3A_269 = arith.remui %scan3A, %rem3A_268 : i32
        %dma_wait3A_270 = arith.constant 0 : i32
        %dma_wait3A_271 = arith.constant 0 : i32
        %dma_wait3A_272 = tpu.memref_slice %run_scoped3A[%rem3A_269, %dma_wait3A_270, %dma_wait3A_271] : memref<2x1x128xi32, #tpu.memory_space<vmem>> -> memref<1x1x128xi32, #tpu.memory_space<vmem>>
        %dma_wait3A_273 = tpu.memref_squeeze %dma_wait3A_272 : memref<1x1x128xi32, #tpu.memory_space<vmem>> -> memref<1x128xi32, #tpu.memory_space<vmem>>
        %dma_wait3A_274 = arith.constant 0 : i32
        %dma_wait3A_275 = tpu.memref_slice %arg3[%dma_wait3A_274, %mul3A_267] : memref<1x4096xi32, #tpu.memory_space<hbm>> -> memref<1x128xi32, #tpu.memory_space<hbm>>
        %dma_wait3A_276 = tpu.memref_slice %run_scoped3A_7[%rem3A_269] : memref<2x!tpu.dma_semaphore, #tpu.memory_space<semaphore_mem>> -> memref<1x!tpu.dma_semaphore, #tpu.memory_space<semaphore_mem>>
        %dma_wait3A_277 = tpu.memref_squeeze %dma_wait3A_276 : memref<1x!tpu.dma_semaphore, #tpu.memory_space<semaphore_mem>> -> memref<!tpu.dma_semaphore, #tpu.memory_space<semaphore_mem>>
        %dma_wait3A_278 = arith.constant 0 : i32
        %dma_wait3A_279 = arith.constant 0 : i32
        %dma_wait3A_280 = tpu.memref_slice %run_scoped3A[%rem3A_269, %dma_wait3A_278, %dma_wait3A_279] : memref<2x1x128xi32, #tpu.memory_space<vmem>> -> memref<1x1x128xi32, #tpu.memory_space<vmem>>
        %dma_wait3A_281 = tpu.memref_squeeze %dma_wait3A_280 : memref<1x1x128xi32, #tpu.memory_space<vmem>> -> memref<1x128xi32, #tpu.memory_space<vmem>>
        %dma_wait3A_282 = arith.constant 0 : i32
        %dma_wait3A_283 = tpu.memref_slice %arg3[%dma_wait3A_282, %mul3A_267] : memref<1x4096xi32, #tpu.memory_space<hbm>> -> memref<1x128xi32, #tpu.memory_space<hbm>>
        tpu.wait_dma2 semaphore(%dma_wait3A_277 : memref<!tpu.dma_semaphore, #tpu.memory_space<semaphore_mem>>) src(%dma_wait3A_283 : memref<1x128xi32, #tpu.memory_space<hbm>>) dst(%dma_wait3A_281 : memref<1x128xi32, #tpu.memory_space<vmem>>)
        "tpu.trace_stop"() : () -> ()
      } else {
      }
      %ne3A_129 = arith.cmpi ne, %add3A_72, %add3A_82 : i32
      %or3A_130 = arith.constant false
      %or3A_131 = arith.ori %or3A_130, %ne3A_129 : i1
      %or3A_132 = arith.constant false
      %or3A_133 = arith.ori %or3A_131, %or3A_132 : i1
      %or3A_134 = arith.ori %or3A_133, %eq3A_68 : i1
      %convert_element_type3A_135 = arith.extui %or3A_134 : i1 to i32
      %cond3A_136 = arith.constant 0 : i32
      %cond3A_137 = arith.cmpi ne, %convert_element_type3A_135, %cond3A_136 : i32
      scf.if %cond3A_137 {
      } else {
      }
      %rem3A_138 = arith.constant 2 : i32
      %rem3A_139 = arith.remui %scan3A, %rem3A_138 : i32
      %rem3A_140 = arith.constant 2 : i32
      %rem3A_141 = arith.remui %scan3A_63, %rem3A_140 : i32
      %run_scoped3A_142 = arith.constant 0 : i32
      "tpu.trace_start"() <{level = 10 : i32, message = "ep_run_kernel"}> : () -> ()
      "tpu.region"() ({
        %run_scoped3A_266 = tpu.sem_alloc : memref<!tpu.dma_semaphore, #tpu.memory_space<semaphore_mem>>
        %dma_start3A_267 = arith.constant 0 : i32
        %dma_start3A_268 = arith.constant 0 : i32
        %dma_start3A_269 = tpu.memref_slice %run_scoped3A_8[%rem3A_141, %dma_start3A_267, %dma_start3A_268] : memref<2x128x384xf32, #tpu.memory_space<vmem>> -> memref<1x128x384xf32, #tpu.memory_space<vmem>>
        %dma_start3A_270 = tpu.memref_squeeze %dma_start3A_269 : memref<1x128x384xf32, #tpu.memory_space<vmem>> -> memref<128x384xf32, #tpu.memory_space<vmem>>
        %dma_start3A_271 = arith.constant 0 : i32
        %dma_start3A_272 = arith.constant 0 : i32
        %dma_start3A_273 = tpu.memref_slice %run_scoped3A[%rem3A_139, %dma_start3A_271, %dma_start3A_272] : memref<2x1x128xi32, #tpu.memory_space<vmem>> -> memref<1x1x128xi32, #tpu.memory_space<vmem>>
        %dma_start3A_274 = tpu.memref_squeeze %dma_start3A_273 : memref<1x1x128xi32, #tpu.memory_space<vmem>> -> memref<1x128xi32, #tpu.memory_space<vmem>>
        %dma_start3A_275 = arith.constant 0 : i32
        %dma_start3A_276 = tpu.memref_slice %dma_start3A_274[%run_scoped3A_142, %dma_start3A_275] : memref<1x128xi32, #tpu.memory_space<vmem>> -> memref<1x128xi32, #tpu.memory_space<vmem>>
        %dma_start3A_277 = tpu.memref_squeeze %dma_start3A_276 : memref<1x128xi32, #tpu.memory_space<vmem>> -> memref<128xi32, #tpu.memory_space<vmem>>
        %dma_start3A_278 = arith.constant 0 : i32
        %dma_start3A_279 = arith.constant 0 : i32
        %dma_start3A_280 = tpu.memref_slice %arg2[%dma_start3A_278, %dma_start3A_279] : memref<8448x384xf32, #tpu.memory_space<hbm>> -> memref<8448x384xf32, #tpu.memory_space<hbm>>
        tpu.enqueue_indirect_dma source(%dma_start3A_280 : memref<8448x384xf32, #tpu.memory_space<hbm>>) target(%dma_start3A_270 : memref<128x384xf32, #tpu.memory_space<vmem>>) offsets(%dma_start3A_277 : memref<128xi32, #tpu.memory_space<vmem>>) semaphore(%run_scoped3A_266 : memref<!tpu.dma_semaphore, #tpu.memory_space<semaphore_mem>>)
        %dma_wait3A_281 = arith.constant 0 : i32
        %dma_wait3A_282 = arith.constant 0 : i32
        %dma_wait3A_283 = tpu.memref_slice %run_scoped3A_8[%rem3A_141, %dma_wait3A_281, %dma_wait3A_282] : memref<2x128x384xf32, #tpu.memory_space<vmem>> -> memref<1x128x384xf32, #tpu.memory_space<vmem>>
        %dma_wait3A_284 = tpu.memref_squeeze %dma_wait3A_283 : memref<1x128x384xf32, #tpu.memory_space<vmem>> -> memref<128x384xf32, #tpu.memory_space<vmem>>
        %dma_wait3A_285 = arith.constant 0 : i32
        %dma_wait3A_286 = arith.constant 0 : i32
        %dma_wait3A_287 = tpu.memref_slice %run_scoped3A[%rem3A_139, %dma_wait3A_285, %dma_wait3A_286] : memref<2x1x128xi32, #tpu.memory_space<vmem>> -> memref<1x1x128xi32, #tpu.memory_space<vmem>>
        %dma_wait3A_288 = tpu.memref_squeeze %dma_wait3A_287 : memref<1x1x128xi32, #tpu.memory_space<vmem>> -> memref<1x128xi32, #tpu.memory_space<vmem>>
        %dma_wait3A_289 = arith.constant 0 : i32
        %dma_wait3A_290 = tpu.memref_slice %dma_wait3A_288[%run_scoped3A_142, %dma_wait3A_289] : memref<1x128xi32, #tpu.memory_space<vmem>> -> memref<1x128xi32, #tpu.memory_space<vmem>>
        %dma_wait3A_291 = tpu.memref_squeeze %dma_wait3A_290 : memref<1x128xi32, #tpu.memory_space<vmem>> -> memref<128xi32, #tpu.memory_space<vmem>>
        %dma_wait3A_292 = arith.constant 0 : i32
        %dma_wait3A_293 = arith.constant 0 : i32
        %dma_wait3A_294 = tpu.memref_slice %arg2[%dma_wait3A_292, %dma_wait3A_293] : memref<8448x384xf32, #tpu.memory_space<hbm>> -> memref<8448x384xf32, #tpu.memory_space<hbm>>
        tpu.wait_indirect_dma semaphore(%run_scoped3A_266 : memref<!tpu.dma_semaphore, #tpu.memory_space<semaphore_mem>>) src(%dma_wait3A_294 : memref<8448x384xf32, #tpu.memory_space<hbm>>) dst(%dma_wait3A_284 : memref<128x384xf32, #tpu.memory_space<vmem>>)
        tpu.yield
      }) : () -> ()
      "tpu.trace_stop"() : () -> ()
      %ne3A_143 = arith.cmpi ne, %add3A_72, %add3A_92 : i32
      %or3A_144 = arith.constant false
      %or3A_145 = arith.ori %or3A_144, %ne3A_143 : i1
      %or3A_146 = arith.ori %or3A_145, %eq3A_70 : i1
      %convert_element_type3A_147 = arith.extui %or3A_146 : i1 to i32
      %cond3A_148 = arith.constant 0 : i32
      %cond3A_149 = arith.cmpi ne, %convert_element_type3A_147, %cond3A_148 : i32
      scf.if %cond3A_149 {
      } else {
      }
      %and3A_150 = arith.constant false
      %and3A_151 = arith.andi %or3A_146, %and3A_150 : i1
      %ne3A_152 = arith.cmpi ne, %add3A_72, %add3A_92 : i32
      %or3A_153 = arith.constant false
      %or3A_154 = arith.ori %or3A_153, %ne3A_152 : i1
      %or3A_155 = arith.constant false
      %or3A_156 = arith.ori %or3A_154, %or3A_155 : i1
      %or3A_157 = arith.ori %or3A_156, %eq3A_70 : i1
      %convert_element_type3A_158 = arith.extui %or3A_157 : i1 to i32
      %cond3A_159 = arith.constant 0 : i32
      %cond3A_160 = arith.cmpi ne, %convert_element_type3A_158, %cond3A_159 : i32
      scf.if %cond3A_160 {
        "tpu.trace_start"() <{level = 10 : i32, message = "ep_copy_out"}> : () -> ()
        %rem3A_266 = arith.constant 2 : i32
        %rem3A_267 = arith.remui %scan3A_63, %rem3A_266 : i32
        %mul3A_268 = arith.constant 128 : i32
        %mul3A_269 = arith.muli %mul3A_268, %add3A_72 : i32
        %dma_start3A_270 = arith.constant 0 : i32
        %dma_start3A_271 = arith.constant 0 : i32
        %dma_start3A_272 = tpu.memref_slice %run_scoped3A_8[%rem3A_267, %dma_start3A_270, %dma_start3A_271] : memref<2x128x384xf32, #tpu.memory_space<vmem>> -> memref<1x128x384xf32, #tpu.memory_space<vmem>>
        %dma_start3A_273 = tpu.memref_squeeze %dma_start3A_272 : memref<1x128x384xf32, #tpu.memory_space<vmem>> -> memref<128x384xf32, #tpu.memory_space<vmem>>
        %dma_start3A_274 = arith.constant 0 : i32
        %dma_start3A_275 = tpu.memref_slice %arg4[%mul3A_269, %dma_start3A_274] : memref<4096x384xf32, #tpu.memory_space<hbm>> -> memref<128x384xf32, #tpu.memory_space<hbm>>
        %dma_start3A_276 = tpu.memref_slice %run_scoped3A_9[%rem3A_267] : memref<2x!tpu.dma_semaphore, #tpu.memory_space<semaphore_mem>> -> memref<1x!tpu.dma_semaphore, #tpu.memory_space<semaphore_mem>>
        %dma_start3A_277 = tpu.memref_squeeze %dma_start3A_276 : memref<1x!tpu.dma_semaphore, #tpu.memory_space<semaphore_mem>> -> memref<!tpu.dma_semaphore, #tpu.memory_space<semaphore_mem>>
        %dma_start3A_278 = arith.constant 0 : i32
        %dma_start3A_279 = tpu.memref_slice %arg4[%mul3A_269, %dma_start3A_278] : memref<4096x384xf32, #tpu.memory_space<hbm>> -> memref<128x384xf32, #tpu.memory_space<hbm>>
        %dma_start3A_280 = arith.constant 0 : i32
        %dma_start3A_281 = arith.constant 0 : i32
        %dma_start3A_282 = tpu.memref_slice %run_scoped3A_8[%rem3A_267, %dma_start3A_280, %dma_start3A_281] : memref<2x128x384xf32, #tpu.memory_space<vmem>> -> memref<1x128x384xf32, #tpu.memory_space<vmem>>
        %dma_start3A_283 = tpu.memref_squeeze %dma_start3A_282 : memref<1x128x384xf32, #tpu.memory_space<vmem>> -> memref<128x384xf32, #tpu.memory_space<vmem>>
        tpu.enqueue_dma source(%dma_start3A_283 : memref<128x384xf32, #tpu.memory_space<vmem>>) target(%dma_start3A_279 : memref<128x384xf32, #tpu.memory_space<hbm>>) target_semaphore(%dma_start3A_277 : memref<!tpu.dma_semaphore, #tpu.memory_space<semaphore_mem>>)
        "tpu.trace_stop"() : () -> ()
      } else {
      }
      %and3A_161 = arith.constant true
      %and3A_162 = arith.andi %or3A_157, %and3A_161 : i1
      %add3A_163 = arith.constant 1 : i32
      %add3A_164 = arith.addi %scan3A_63, %add3A_163 : i32
      %select_n3A_165 = arith.select %and3A_162, %add3A_164, %scan3A_63 : i32
      %ne3A_166 = arith.cmpi ne, %add3A_72, %add3A_82 : i32
      %or3A_167 = arith.constant false
      %or3A_168 = arith.ori %or3A_167, %ne3A_166 : i1
      %not3A_169 = arith.constant true
      %not3A_170 = arith.xori %eq3A_68, %not3A_169 : i1
      %and3A_171 = arith.andi %or3A_168, %not3A_170 : i1
      %convert_element_type3A_172 = arith.extui %and3A_171 : i1 to i32
      %cond3A_173 = arith.constant 0 : i32
      %cond3A_174 = arith.cmpi ne, %convert_element_type3A_172, %cond3A_173 : i32
      scf.if %cond3A_174 {
      } else {
      }
      %and3A_175 = arith.constant false
      %and3A_176 = arith.andi %and3A_171, %and3A_175 : i1
      %ne3A_177 = arith.cmpi ne, %add3A_72, %add3A_82 : i32
      %or3A_178 = arith.constant false
      %or3A_179 = arith.ori %or3A_178, %ne3A_177 : i1
      %or3A_180 = arith.constant false
      %or3A_181 = arith.ori %or3A_179, %or3A_180 : i1
      %not3A_182 = arith.constant true
      %not3A_183 = arith.xori %eq3A_68, %not3A_182 : i1
      %and3A_184 = arith.andi %or3A_181, %not3A_183 : i1
      %convert_element_type3A_185 = arith.extui %and3A_184 : i1 to i32
      %cond3A_186 = arith.constant 0 : i32
      %cond3A_187 = arith.cmpi ne, %convert_element_type3A_185, %cond3A_186 : i32
      scf.if %cond3A_187 {
        "tpu.trace_start"() <{level = 10 : i32, message = "ep_wait_out"}> : () -> ()
        %rem3A_266 = arith.constant 2 : i32
        %rem3A_267 = arith.remui %scan3A_64, %rem3A_266 : i32
        %mul3A_268 = arith.constant 128 : i32
        %mul3A_269 = arith.muli %mul3A_268, %add3A_82 : i32
        %dma_wait3A_270 = arith.constant 0 : i32
        %dma_wait3A_271 = arith.constant 0 : i32
        %dma_wait3A_272 = tpu.memref_slice %run_scoped3A_8[%rem3A_267, %dma_wait3A_270, %dma_wait3A_271] : memref<2x128x384xf32, #tpu.memory_space<vmem>> -> memref<1x128x384xf32, #tpu.memory_space<vmem>>
        %dma_wait3A_273 = tpu.memref_squeeze %dma_wait3A_272 : memref<1x128x384xf32, #tpu.memory_space<vmem>> -> memref<128x384xf32, #tpu.memory_space<vmem>>
        %dma_wait3A_274 = arith.constant 0 : i32
        %dma_wait3A_275 = tpu.memref_slice %arg4[%mul3A_269, %dma_wait3A_274] : memref<4096x384xf32, #tpu.memory_space<hbm>> -> memref<128x384xf32, #tpu.memory_space<hbm>>
        %dma_wait3A_276 = tpu.memref_slice %run_scoped3A_9[%rem3A_267] : memref<2x!tpu.dma_semaphore, #tpu.memory_space<semaphore_mem>> -> memref<1x!tpu.dma_semaphore, #tpu.memory_space<semaphore_mem>>
        %dma_wait3A_277 = tpu.memref_squeeze %dma_wait3A_276 : memref<1x!tpu.dma_semaphore, #tpu.memory_space<semaphore_mem>> -> memref<!tpu.dma_semaphore, #tpu.memory_space<semaphore_mem>>
        %dma_wait3A_278 = arith.constant 0 : i32
        %dma_wait3A_279 = tpu.memref_slice %arg4[%mul3A_269, %dma_wait3A_278] : memref<4096x384xf32, #tpu.memory_space<hbm>> -> memref<128x384xf32, #tpu.memory_space<hbm>>
        %dma_wait3A_280 = arith.constant 0 : i32
        %dma_wait3A_281 = arith.constant 0 : i32
        %dma_wait3A_282 = tpu.memref_slice %run_scoped3A_8[%rem3A_267, %dma_wait3A_280, %dma_wait3A_281] : memref<2x128x384xf32, #tpu.memory_space<vmem>> -> memref<1x128x384xf32, #tpu.memory_space<vmem>>
        %dma_wait3A_283 = tpu.memref_squeeze %dma_wait3A_282 : memref<1x128x384xf32, #tpu.memory_space<vmem>> -> memref<128x384xf32, #tpu.memory_space<vmem>>
        tpu.wait_dma2 semaphore(%dma_wait3A_277 : memref<!tpu.dma_semaphore, #tpu.memory_space<semaphore_mem>>) src(%dma_wait3A_283 : memref<128x384xf32, #tpu.memory_space<vmem>>) dst(%dma_wait3A_279 : memref<128x384xf32, #tpu.memory_space<hbm>>)
        "tpu.trace_stop"() : () -> ()
      } else {
      }
      %and3A_188 = arith.constant true
      %and3A_189 = arith.andi %and3A_184, %and3A_188 : i1
      %add3A_190 = arith.constant 1 : i32
      %add3A_191 = arith.addi %scan3A_64, %add3A_190 : i32
      %select_n3A_192 = arith.select %and3A_189, %add3A_191, %scan3A_64 : i32
      %ne3A_193 = arith.cmpi ne, %add3A_72, %add3A_92 : i32
      %or3A_194 = arith.constant false
      %or3A_195 = arith.ori %or3A_194, %ne3A_193 : i1
      %or3A_196 = arith.ori %or3A_195, %eq3A_70 : i1
      %add3A_197 = arith.constant 1 : i32
      %add3A_198 = arith.addi %scan3A, %add3A_197 : i32
      %select_n3A_199 = arith.select %or3A_196, %add3A_198, %scan3A : i32
      %select_n3A_200 = arith.constant true
      %select_n3A_201 = arith.constant 0 : i32
      %select_n3A_202 = arith.constant 1 : i32
      %select_n3A_203 = arith.select %select_n3A_200, %select_n3A_202, %select_n3A_201 : i32
      %eq3A_204 = arith.constant 1 : i32
      %eq3A_205 = arith.cmpi eq, %select_n3A_203, %eq3A_204 : i32
      %select_n3A_206 = arith.constant 0 : i32
      %select_n3A_207 = arith.select %eq3A_205, %select_n3A_206, %select_n3A_203 : i32
      %scan3A_208 = arith.constant 0 : i32
      %scan3A_209 = arith.constant 1 : i32
      %sub3A = arith.constant 1 : i32
      %sub3A_210 = arith.subi %scan3A_208, %sub3A : i32
      %select_n3A_211 = arith.constant true
      %select_n3A_212 = arith.select %select_n3A_211, %sub3A_210, %scan3A_208 : i32
      %eq3A_213 = arith.constant -1 : i32
      %eq3A_214 = arith.cmpi eq, %select_n3A_212, %eq3A_213 : i32
      %select_n3A_215 = arith.constant 0 : i32
      %select_n3A_216 = arith.select %eq3A_214, %select_n3A_215, %select_n3A_212 : i32
      %add3A_217 = arith.constant 0 : i32
      %add3A_218 = arith.addi %add3A_217, %mul3A_6 : i32
      %select_n3A_219 = arith.constant true
      %select_n3A_220 = arith.constant 0 : i32
      %select_n3A_221 = arith.constant -1 : i32
      %select_n3A_222 = arith.select %select_n3A_219, %select_n3A_221, %select_n3A_220 : i32
      %eq3A_223 = arith.constant -1 : i32
      %eq3A_224 = arith.cmpi eq, %select_n3A_222, %eq3A_223 : i32
      %select_n3A_225 = arith.constant 0 : i32
      %select_n3A_226 = arith.select %eq3A_224, %select_n3A_225, %select_n3A_222 : i32
      %add3A_227 = arith.constant 0 : i32
      %add3A_228 = arith.addi %add3A_227, %mul3A_6 : i32
      %select_n3A_229 = arith.constant true
      %select_n3A_230 = arith.constant 0 : i32
      %select_n3A_231 = arith.constant 1 : i32
      %select_n3A_232 = arith.select %select_n3A_229, %select_n3A_231, %select_n3A_230 : i32
      %eq3A_233 = arith.constant 1 : i32
      %eq3A_234 = arith.cmpi eq, %select_n3A_232, %eq3A_233 : i32
      %select_n3A_235 = arith.constant 0 : i32
      %select_n3A_236 = arith.select %eq3A_234, %select_n3A_235, %select_n3A_232 : i32
      %add3A_237 = arith.constant 0 : i32
      %add3A_238 = arith.addi %add3A_237, %mul3A_6 : i32
      %select_n3A_239 = arith.constant true
      %select_n3A_240 = arith.constant 0 : i32
      %select_n3A_241 = arith.constant 1 : i32
      %select_n3A_242 = arith.select %select_n3A_239, %select_n3A_241, %select_n3A_240 : i32
      %eq3A_243 = arith.constant 1 : i32
      %eq3A_244 = arith.cmpi eq, %select_n3A_242, %eq3A_243 : i32
      %select_n3A_245 = arith.constant 0 : i32
      %select_n3A_246 = arith.select %eq3A_244, %select_n3A_245, %select_n3A_242 : i32
      %add3A_247 = arith.constant 0 : i32
      %add3A_248 = arith.addi %add3A_247, %mul3A_6 : i32
      "tpu.trace_start"() <{level = 10 : i32, message = "ep_finalize"}> : () -> ()
      %rem3A_249 = arith.constant 2 : i32
      %rem3A_250 = arith.remui %select_n3A_192, %rem3A_249 : i32
      %mul3A_251 = arith.constant 128 : i32
      %mul3A_252 = arith.muli %mul3A_251, %add3A_218 : i32
      %dma_wait3A = arith.constant 0 : i32
      %dma_wait3A_253 = arith.constant 0 : i32
      %dma_wait3A_254 = tpu.memref_slice %run_scoped3A_8[%rem3A_250, %dma_wait3A, %dma_wait3A_253] : memref<2x128x384xf32, #tpu.memory_space<vmem>> -> memref<1x128x384xf32, #tpu.memory_space<vmem>>
      %dma_wait3A_255 = tpu.memref_squeeze %dma_wait3A_254 : memref<1x128x384xf32, #tpu.memory_space<vmem>> -> memref<128x384xf32, #tpu.memory_space<vmem>>
      %dma_wait3A_256 = arith.constant 0 : i32
      %dma_wait3A_257 = tpu.memref_slice %arg4[%mul3A_252, %dma_wait3A_256] : memref<4096x384xf32, #tpu.memory_space<hbm>> -> memref<128x384xf32, #tpu.memory_space<hbm>>
      %dma_wait3A_258 = tpu.memref_slice %run_scoped3A_9[%rem3A_250] : memref<2x!tpu.dma_semaphore, #tpu.memory_space<semaphore_mem>> -> memref<1x!tpu.dma_semaphore, #tpu.memory_space<semaphore_mem>>
      %dma_wait3A_259 = tpu.memref_squeeze %dma_wait3A_258 : memref<1x!tpu.dma_semaphore, #tpu.memory_space<semaphore_mem>> -> memref<!tpu.dma_semaphore, #tpu.memory_space<semaphore_mem>>
      %dma_wait3A_260 = arith.constant 0 : i32
      %dma_wait3A_261 = tpu.memref_slice %arg4[%mul3A_252, %dma_wait3A_260] : memref<4096x384xf32, #tpu.memory_space<hbm>> -> memref<128x384xf32, #tpu.memory_space<hbm>>
      %dma_wait3A_262 = arith.constant 0 : i32
      %dma_wait3A_263 = arith.constant 0 : i32
      %dma_wait3A_264 = tpu.memref_slice %run_scoped3A_8[%rem3A_250, %dma_wait3A_262, %dma_wait3A_263] : memref<2x128x384xf32, #tpu.memory_space<vmem>> -> memref<1x128x384xf32, #tpu.memory_space<vmem>>
      %dma_wait3A_265 = tpu.memref_squeeze %dma_wait3A_264 : memref<1x128x384xf32, #tpu.memory_space<vmem>> -> memref<128x384xf32, #tpu.memory_space<vmem>>
      tpu.wait_dma2 semaphore(%dma_wait3A_259 : memref<!tpu.dma_semaphore, #tpu.memory_space<semaphore_mem>>) src(%dma_wait3A_265 : memref<128x384xf32, #tpu.memory_space<vmem>>) dst(%dma_wait3A_261 : memref<128x384xf32, #tpu.memory_space<hbm>>)
      "tpu.trace_stop"() : () -> ()
      tpu.yield
    }) : () -> ()
    return
  }
}

#map = affine_map<(d0, d1) -> (0, 0)>
module attributes {stable_mosaic.version = 14 : i64} {
  func.func @kern(%arg0: i32, %arg1: i32, %arg2: memref<4096x384xf32, #tpu.memory_space<hbm>>, %arg3: memref<2048x128xf32, #tpu.memory_space<hbm>>, %arg4: memref<1x4096xi32, #tpu.memory_space<hbm>>, %arg5: memref<1x2048xi32, #tpu.memory_space<hbm>>, %arg6: memref<8448x384xf32, #tpu.memory_space<hbm>>, %arg7: memref<4224x128xf32, #tpu.memory_space<hbm>>) attributes {dimension_semantics = [#tpu.dimension_semantics<core_parallel>, #tpu.dimension_semantics<subcore_parallel>], iteration_bounds = array<i64: 2, 16>, scalar_prefetch = 0 : i64, scratch_operands = 0 : i64, tpu.core_type = #tpu.core_type<sc_vector_subcore>, window_params = [{transform_indices = #map}, {transform_indices = #map}, {transform_indices = #map}, {transform_indices = #map}, {transform_indices = #map}, {transform_indices = #map}]} {
    %mul3A = arith.constant 1 : i32
    %mul3A_0 = arith.muli %arg1, %mul3A : i32
    %add3A = arith.constant 0 : i32
    %add3A_1 = arith.addi %add3A, %mul3A_0 : i32
    %mul3A_2 = arith.constant 16 : i32
    %mul3A_3 = arith.muli %arg0, %mul3A_2 : i32
    %add3A_4 = arith.addi %add3A_1, %mul3A_3 : i32
    %mul3A_5 = arith.constant 1 : i32
    %mul3A_6 = arith.muli %add3A_4, %mul3A_5 : i32
    "tpu.region"() ({
      %run_scoped3A = memref.alloca() : memref<2x128x384xf32, #tpu.memory_space<vmem>>
      %run_scoped3A_26 = tpu.sem_alloc : memref<2x!tpu.dma_semaphore, #tpu.memory_space<semaphore_mem>>
      %run_scoped3A_27 = memref.alloca() : memref<2x1x128xi32, #tpu.memory_space<vmem>>
      %run_scoped3A_28 = tpu.sem_alloc : memref<2x!tpu.dma_semaphore, #tpu.memory_space<semaphore_mem>>
      %add3A_29 = arith.constant 0 : i32
      %add3A_30 = arith.addi %add3A_29, %mul3A_6 : i32
      %select_n3A_31 = arith.constant true
      %select_n3A_32 = arith.constant 0 : i32
      %select_n3A_33 = arith.constant -1 : i32
      %select_n3A_34 = arith.select %select_n3A_31, %select_n3A_33, %select_n3A_32 : i32
      %eq3A = arith.constant -1 : i32
      %eq3A_35 = arith.cmpi eq, %select_n3A_34, %eq3A : i32
      %select_n3A_36 = arith.constant 0 : i32
      %select_n3A_37 = arith.select %eq3A_35, %select_n3A_36, %select_n3A_34 : i32
      %add3A_38 = arith.constant 0 : i32
      %add3A_39 = arith.addi %add3A_38, %mul3A_6 : i32
      %select_n3A_40 = arith.constant true
      %select_n3A_41 = arith.constant 0 : i32
      %select_n3A_42 = arith.constant 1 : i32
      %select_n3A_43 = arith.select %select_n3A_40, %select_n3A_42, %select_n3A_41 : i32
      %eq3A_44 = arith.constant 1 : i32
      %eq3A_45 = arith.cmpi eq, %select_n3A_43, %eq3A_44 : i32
      %select_n3A_46 = arith.constant 0 : i32
      %select_n3A_47 = arith.select %eq3A_45, %select_n3A_46, %select_n3A_43 : i32
      %add3A_48 = arith.constant 0 : i32
      %add3A_49 = arith.addi %add3A_48, %mul3A_6 : i32
      %select_n3A_50 = arith.constant true
      %select_n3A_51 = arith.constant 0 : i32
      %select_n3A_52 = arith.constant 1 : i32
      %select_n3A_53 = arith.select %select_n3A_50, %select_n3A_52, %select_n3A_51 : i32
      %eq3A_54 = arith.constant 1 : i32
      %eq3A_55 = arith.cmpi eq, %select_n3A_53, %eq3A_54 : i32
      %select_n3A_56 = arith.constant 0 : i32
      %select_n3A_57 = arith.select %eq3A_55, %select_n3A_56, %select_n3A_53 : i32
      %add3A_58 = arith.constant 0 : i32
      %add3A_59 = arith.addi %add3A_58, %mul3A_6 : i32
      "tpu.trace_start"() <{level = 10 : i32, message = "ep_initialize_0"}> : () -> ()
      %rem3A = arith.constant 0 : i32
      %rem3A_60 = arith.constant 2 : i32
      %rem3A_61 = arith.remui %rem3A, %rem3A_60 : i32
      %mul3A_62 = arith.constant 128 : i32
      %mul3A_63 = arith.muli %mul3A_62, %add3A_30 : i32
      %dma_start3A = arith.constant 0 : i32
      %dma_start3A_64 = arith.constant 0 : i32
      %dma_start3A_65 = tpu.memref_slice %run_scoped3A[%rem3A_61, %dma_start3A, %dma_start3A_64] : memref<2x128x384xf32, #tpu.memory_space<vmem>> -> memref<1x128x384xf32, #tpu.memory_space<vmem>>
      %dma_start3A_66 = tpu.memref_squeeze %dma_start3A_65 : memref<1x128x384xf32, #tpu.memory_space<vmem>> -> memref<128x384xf32, #tpu.memory_space<vmem>>
      %dma_start3A_67 = arith.constant 0 : i32
      %dma_start3A_68 = tpu.memref_slice %arg2[%mul3A_63, %dma_start3A_67] : memref<4096x384xf32, #tpu.memory_space<hbm>> -> memref<128x384xf32, #tpu.memory_space<hbm>>
      %dma_start3A_69 = tpu.memref_slice %run_scoped3A_26[%rem3A_61] : memref<2x!tpu.dma_semaphore, #tpu.memory_space<semaphore_mem>> -> memref<1x!tpu.dma_semaphore, #tpu.memory_space<semaphore_mem>>
      %dma_start3A_70 = tpu.memref_squeeze %dma_start3A_69 : memref<1x!tpu.dma_semaphore, #tpu.memory_space<semaphore_mem>> -> memref<!tpu.dma_semaphore, #tpu.memory_space<semaphore_mem>>
      %dma_start3A_71 = arith.constant 0 : i32
      %dma_start3A_72 = arith.constant 0 : i32
      %dma_start3A_73 = tpu.memref_slice %run_scoped3A[%rem3A_61, %dma_start3A_71, %dma_start3A_72] : memref<2x128x384xf32, #tpu.memory_space<vmem>> -> memref<1x128x384xf32, #tpu.memory_space<vmem>>
      %dma_start3A_74 = tpu.memref_squeeze %dma_start3A_73 : memref<1x128x384xf32, #tpu.memory_space<vmem>> -> memref<128x384xf32, #tpu.memory_space<vmem>>
      %dma_start3A_75 = arith.constant 0 : i32
      %dma_start3A_76 = tpu.memref_slice %arg2[%mul3A_63, %dma_start3A_75] : memref<4096x384xf32, #tpu.memory_space<hbm>> -> memref<128x384xf32, #tpu.memory_space<hbm>>
      tpu.enqueue_dma source(%dma_start3A_76 : memref<128x384xf32, #tpu.memory_space<hbm>>) target(%dma_start3A_74 : memref<128x384xf32, #tpu.memory_space<vmem>>) target_semaphore(%dma_start3A_70 : memref<!tpu.dma_semaphore, #tpu.memory_space<semaphore_mem>>)
      %add3A_77 = arith.constant 0 : i32
      %add3A_78 = arith.constant 1 : i32
      %add3A_79 = arith.addi %add3A_77, %add3A_78 : i32
      %select_n3A_80 = arith.constant true
      %select_n3A_81 = arith.constant 0 : i32
      %select_n3A_82 = arith.select %select_n3A_80, %add3A_79, %select_n3A_81 : i32
      %rem3A_83 = arith.constant 0 : i32
      %rem3A_84 = arith.constant 2 : i32
      %rem3A_85 = arith.remui %rem3A_83, %rem3A_84 : i32
      %mul3A_86 = arith.constant 128 : i32
      %mul3A_87 = arith.muli %mul3A_86, %add3A_30 : i32
      %dma_start3A_88 = arith.constant 0 : i32
      %dma_start3A_89 = arith.constant 0 : i32
      %dma_start3A_90 = tpu.memref_slice %run_scoped3A_27[%rem3A_85, %dma_start3A_88, %dma_start3A_89] : memref<2x1x128xi32, #tpu.memory_space<vmem>> -> memref<1x1x128xi32, #tpu.memory_space<vmem>>
      %dma_start3A_91 = tpu.memref_squeeze %dma_start3A_90 : memref<1x1x128xi32, #tpu.memory_space<vmem>> -> memref<1x128xi32, #tpu.memory_space<vmem>>
      %dma_start3A_92 = arith.constant 0 : i32
      %dma_start3A_93 = tpu.memref_slice %arg4[%dma_start3A_92, %mul3A_87] : memref<1x4096xi32, #tpu.memory_space<hbm>> -> memref<1x128xi32, #tpu.memory_space<hbm>>
      %dma_start3A_94 = tpu.memref_slice %run_scoped3A_28[%rem3A_85] : memref<2x!tpu.dma_semaphore, #tpu.memory_space<semaphore_mem>> -> memref<1x!tpu.dma_semaphore, #tpu.memory_space<semaphore_mem>>
      %dma_start3A_95 = tpu.memref_squeeze %dma_start3A_94 : memref<1x!tpu.dma_semaphore, #tpu.memory_space<semaphore_mem>> -> memref<!tpu.dma_semaphore, #tpu.memory_space<semaphore_mem>>
      %dma_start3A_96 = arith.constant 0 : i32
      %dma_start3A_97 = arith.constant 0 : i32
      %dma_start3A_98 = tpu.memref_slice %run_scoped3A_27[%rem3A_85, %dma_start3A_96, %dma_start3A_97] : memref<2x1x128xi32, #tpu.memory_space<vmem>> -> memref<1x1x128xi32, #tpu.memory_space<vmem>>
      %dma_start3A_99 = tpu.memref_squeeze %dma_start3A_98 : memref<1x1x128xi32, #tpu.memory_space<vmem>> -> memref<1x128xi32, #tpu.memory_space<vmem>>
      %dma_start3A_100 = arith.constant 0 : i32
      %dma_start3A_101 = tpu.memref_slice %arg4[%dma_start3A_100, %mul3A_87] : memref<1x4096xi32, #tpu.memory_space<hbm>> -> memref<1x128xi32, #tpu.memory_space<hbm>>
      tpu.enqueue_dma source(%dma_start3A_101 : memref<1x128xi32, #tpu.memory_space<hbm>>) target(%dma_start3A_99 : memref<1x128xi32, #tpu.memory_space<vmem>>) target_semaphore(%dma_start3A_95 : memref<!tpu.dma_semaphore, #tpu.memory_space<semaphore_mem>>)
      %add3A_102 = arith.constant 0 : i32
      %add3A_103 = arith.constant 1 : i32
      %add3A_104 = arith.addi %add3A_102, %add3A_103 : i32
      %select_n3A_105 = arith.constant true
      %select_n3A_106 = arith.constant 0 : i32
      %select_n3A_107 = arith.select %select_n3A_105, %add3A_104, %select_n3A_106 : i32
      "tpu.trace_stop"() : () -> ()
      %scan3A = arith.constant 0 : i32
      %scan3A_108 = arith.constant 0 : i32
      %scan3A_109 = arith.constant 0 : i32
      %scan3A_110 = arith.constant 0 : i32
      %eq3A_111 = arith.constant 0 : i32
      %eq3A_112 = arith.cmpi eq, %scan3A_110, %eq3A_111 : i32
      %eq3A_113 = arith.constant 0 : i32
      %eq3A_114 = arith.cmpi eq, %scan3A_110, %eq3A_113 : i32
      %add3A_115 = arith.constant 0 : i32
      %add3A_116 = arith.addi %add3A_115, %mul3A_6 : i32
      %select_n3A_117 = arith.constant true
      %select_n3A_118 = arith.constant 0 : i32
      %select_n3A_119 = arith.constant -1 : i32
      %select_n3A_120 = arith.select %select_n3A_117, %select_n3A_119, %select_n3A_118 : i32
      %eq3A_121 = arith.constant -1 : i32
      %eq3A_122 = arith.cmpi eq, %select_n3A_120, %eq3A_121 : i32
      %select_n3A_123 = arith.constant 0 : i32
      %select_n3A_124 = arith.select %eq3A_122, %select_n3A_123, %select_n3A_120 : i32
      %add3A_125 = arith.constant 0 : i32
      %add3A_126 = arith.addi %add3A_125, %mul3A_6 : i32
      %select_n3A_127 = arith.constant true
      %select_n3A_128 = arith.constant 0 : i32
      %select_n3A_129 = arith.constant 1 : i32
      %select_n3A_130 = arith.select %select_n3A_127, %select_n3A_129, %select_n3A_128 : i32
      %eq3A_131 = arith.constant 1 : i32
      %eq3A_132 = arith.cmpi eq, %select_n3A_130, %eq3A_131 : i32
      %select_n3A_133 = arith.constant 0 : i32
      %select_n3A_134 = arith.select %eq3A_132, %select_n3A_133, %select_n3A_130 : i32
      %add3A_135 = arith.constant 0 : i32
      %add3A_136 = arith.addi %add3A_135, %mul3A_6 : i32
      %select_n3A_137 = arith.constant true
      %select_n3A_138 = arith.constant 0 : i32
      %select_n3A_139 = arith.constant 1 : i32
      %select_n3A_140 = arith.select %select_n3A_137, %select_n3A_139, %select_n3A_138 : i32
      %eq3A_141 = arith.constant 1 : i32
      %eq3A_142 = arith.cmpi eq, %select_n3A_140, %eq3A_141 : i32
      %select_n3A_143 = arith.constant 0 : i32
      %select_n3A_144 = arith.select %eq3A_142, %select_n3A_143, %select_n3A_140 : i32
      %add3A_145 = arith.constant 0 : i32
      %add3A_146 = arith.addi %add3A_145, %mul3A_6 : i32
      %ne3A = arith.cmpi ne, %add3A_116, %add3A_136 : i32
      %or3A = arith.constant false
      %or3A_147 = arith.ori %or3A, %ne3A : i1
      %or3A_148 = arith.constant false
      %or3A_149 = arith.ori %or3A_147, %or3A_148 : i1
      %ge3A = arith.constant 0 : i32
      %ge3A_150 = arith.cmpi sge, %scan3A_110, %ge3A : i32
      %not3A = arith.constant true
      %not3A_151 = arith.xori %ge3A_150, %not3A : i1
      %and3A = arith.andi %or3A_149, %not3A_151 : i1
      %convert_element_type3A = arith.extui %and3A : i1 to i32
      %cond3A = arith.constant 0 : i32
      %cond3A_152 = arith.cmpi ne, %convert_element_type3A, %cond3A : i32
      scf.if %cond3A_152 {
        "tpu.trace_start"() <{level = 10 : i32, message = "ep_copy_in"}> : () -> ()
        %rem3A_304 = arith.constant 2 : i32
        %rem3A_305 = arith.remui %select_n3A_82, %rem3A_304 : i32
        %mul3A_306 = arith.constant 128 : i32
        %mul3A_307 = arith.muli %mul3A_306, %add3A_136 : i32
        %dma_start3A_308 = arith.constant 0 : i32
        %dma_start3A_309 = arith.constant 0 : i32
        %dma_start3A_310 = tpu.memref_slice %run_scoped3A[%rem3A_305, %dma_start3A_308, %dma_start3A_309] : memref<2x128x384xf32, #tpu.memory_space<vmem>> -> memref<1x128x384xf32, #tpu.memory_space<vmem>>
        %dma_start3A_311 = tpu.memref_squeeze %dma_start3A_310 : memref<1x128x384xf32, #tpu.memory_space<vmem>> -> memref<128x384xf32, #tpu.memory_space<vmem>>
        %dma_start3A_312 = arith.constant 0 : i32
        %dma_start3A_313 = tpu.memref_slice %arg2[%mul3A_307, %dma_start3A_312] : memref<4096x384xf32, #tpu.memory_space<hbm>> -> memref<128x384xf32, #tpu.memory_space<hbm>>
        %dma_start3A_314 = tpu.memref_slice %run_scoped3A_26[%rem3A_305] : memref<2x!tpu.dma_semaphore, #tpu.memory_space<semaphore_mem>> -> memref<1x!tpu.dma_semaphore, #tpu.memory_space<semaphore_mem>>
        %dma_start3A_315 = tpu.memref_squeeze %dma_start3A_314 : memref<1x!tpu.dma_semaphore, #tpu.memory_space<semaphore_mem>> -> memref<!tpu.dma_semaphore, #tpu.memory_space<semaphore_mem>>
        %dma_start3A_316 = arith.constant 0 : i32
        %dma_start3A_317 = arith.constant 0 : i32
        %dma_start3A_318 = tpu.memref_slice %run_scoped3A[%rem3A_305, %dma_start3A_316, %dma_start3A_317] : memref<2x128x384xf32, #tpu.memory_space<vmem>> -> memref<1x128x384xf32, #tpu.memory_space<vmem>>
        %dma_start3A_319 = tpu.memref_squeeze %dma_start3A_318 : memref<1x128x384xf32, #tpu.memory_space<vmem>> -> memref<128x384xf32, #tpu.memory_space<vmem>>
        %dma_start3A_320 = arith.constant 0 : i32
        %dma_start3A_321 = tpu.memref_slice %arg2[%mul3A_307, %dma_start3A_320] : memref<4096x384xf32, #tpu.memory_space<hbm>> -> memref<128x384xf32, #tpu.memory_space<hbm>>
        tpu.enqueue_dma source(%dma_start3A_321 : memref<128x384xf32, #tpu.memory_space<hbm>>) target(%dma_start3A_319 : memref<128x384xf32, #tpu.memory_space<vmem>>) target_semaphore(%dma_start3A_315 : memref<!tpu.dma_semaphore, #tpu.memory_space<semaphore_mem>>)
        "tpu.trace_stop"() : () -> ()
      } else {
      }
      %and3A_153 = arith.constant true
      %and3A_154 = arith.andi %and3A, %and3A_153 : i1
      %add3A_155 = arith.constant 1 : i32
      %add3A_156 = arith.addi %select_n3A_82, %add3A_155 : i32
      %select_n3A_157 = arith.select %and3A_154, %add3A_156, %select_n3A_82 : i32
      %ne3A_158 = arith.cmpi ne, %add3A_116, %add3A_136 : i32
      %or3A_159 = arith.constant false
      %or3A_160 = arith.ori %or3A_159, %ne3A_158 : i1
      %ge3A_161 = arith.constant 0 : i32
      %ge3A_162 = arith.cmpi sge, %scan3A_110, %ge3A_161 : i32
      %not3A_163 = arith.constant true
      %not3A_164 = arith.xori %ge3A_162, %not3A_163 : i1
      %and3A_165 = arith.andi %or3A_160, %not3A_164 : i1
      %convert_element_type3A_166 = arith.extui %and3A_165 : i1 to i32
      %cond3A_167 = arith.constant 0 : i32
      %cond3A_168 = arith.cmpi ne, %convert_element_type3A_166, %cond3A_167 : i32
      scf.if %cond3A_168 {
        "tpu.trace_start"() <{level = 10 : i32, message = "ep_copy_in"}> : () -> ()
        %rem3A_304 = arith.constant 2 : i32
        %rem3A_305 = arith.remui %select_n3A_107, %rem3A_304 : i32
        %mul3A_306 = arith.constant 128 : i32
        %mul3A_307 = arith.muli %mul3A_306, %add3A_136 : i32
        %dma_start3A_308 = arith.constant 0 : i32
        %dma_start3A_309 = arith.constant 0 : i32
        %dma_start3A_310 = tpu.memref_slice %run_scoped3A_27[%rem3A_305, %dma_start3A_308, %dma_start3A_309] : memref<2x1x128xi32, #tpu.memory_space<vmem>> -> memref<1x1x128xi32, #tpu.memory_space<vmem>>
        %dma_start3A_311 = tpu.memref_squeeze %dma_start3A_310 : memref<1x1x128xi32, #tpu.memory_space<vmem>> -> memref<1x128xi32, #tpu.memory_space<vmem>>
        %dma_start3A_312 = arith.constant 0 : i32
        %dma_start3A_313 = tpu.memref_slice %arg4[%dma_start3A_312, %mul3A_307] : memref<1x4096xi32, #tpu.memory_space<hbm>> -> memref<1x128xi32, #tpu.memory_space<hbm>>
        %dma_start3A_314 = tpu.memref_slice %run_scoped3A_28[%rem3A_305] : memref<2x!tpu.dma_semaphore, #tpu.memory_space<semaphore_mem>> -> memref<1x!tpu.dma_semaphore, #tpu.memory_space<semaphore_mem>>
        %dma_start3A_315 = tpu.memref_squeeze %dma_start3A_314 : memref<1x!tpu.dma_semaphore, #tpu.memory_space<semaphore_mem>> -> memref<!tpu.dma_semaphore, #tpu.memory_space<semaphore_mem>>
        %dma_start3A_316 = arith.constant 0 : i32
        %dma_start3A_317 = arith.constant 0 : i32
        %dma_start3A_318 = tpu.memref_slice %run_scoped3A_27[%rem3A_305, %dma_start3A_316, %dma_start3A_317] : memref<2x1x128xi32, #tpu.memory_space<vmem>> -> memref<1x1x128xi32, #tpu.memory_space<vmem>>
        %dma_start3A_319 = tpu.memref_squeeze %dma_start3A_318 : memref<1x1x128xi32, #tpu.memory_space<vmem>> -> memref<1x128xi32, #tpu.memory_space<vmem>>
        %dma_start3A_320 = arith.constant 0 : i32
        %dma_start3A_321 = tpu.memref_slice %arg4[%dma_start3A_320, %mul3A_307] : memref<1x4096xi32, #tpu.memory_space<hbm>> -> memref<1x128xi32, #tpu.memory_space<hbm>>
        tpu.enqueue_dma source(%dma_start3A_321 : memref<1x128xi32, #tpu.memory_space<hbm>>) target(%dma_start3A_319 : memref<1x128xi32, #tpu.memory_space<vmem>>) target_semaphore(%dma_start3A_315 : memref<!tpu.dma_semaphore, #tpu.memory_space<semaphore_mem>>)
        "tpu.trace_stop"() : () -> ()
      } else {
      }
      %and3A_169 = arith.constant true
      %and3A_170 = arith.andi %and3A_165, %and3A_169 : i1
      %add3A_171 = arith.constant 1 : i32
      %add3A_172 = arith.addi %select_n3A_107, %add3A_171 : i32
      %select_n3A_173 = arith.select %and3A_170, %add3A_172, %select_n3A_107 : i32
      %ne3A_174 = arith.cmpi ne, %add3A_116, %add3A_126 : i32
      %or3A_175 = arith.constant false
      %or3A_176 = arith.ori %or3A_175, %ne3A_174 : i1
      %or3A_177 = arith.constant false
      %or3A_178 = arith.ori %or3A_176, %or3A_177 : i1
      %or3A_179 = arith.ori %or3A_178, %eq3A_112 : i1
      %convert_element_type3A_180 = arith.extui %or3A_179 : i1 to i32
      %cond3A_181 = arith.constant 0 : i32
      %cond3A_182 = arith.cmpi ne, %convert_element_type3A_180, %cond3A_181 : i32
      scf.if %cond3A_182 {
        "tpu.trace_start"() <{level = 10 : i32, message = "ep_wait_in"}> : () -> ()
        %mul3A_304 = arith.constant 128 : i32
        %mul3A_305 = arith.muli %mul3A_304, %add3A_116 : i32
        %rem3A_306 = arith.constant 2 : i32
        %rem3A_307 = arith.remui %scan3A, %rem3A_306 : i32
        %dma_wait3A = arith.constant 0 : i32
        %dma_wait3A_308 = arith.constant 0 : i32
        %dma_wait3A_309 = tpu.memref_slice %run_scoped3A[%rem3A_307, %dma_wait3A, %dma_wait3A_308] : memref<2x128x384xf32, #tpu.memory_space<vmem>> -> memref<1x128x384xf32, #tpu.memory_space<vmem>>
        %dma_wait3A_310 = tpu.memref_squeeze %dma_wait3A_309 : memref<1x128x384xf32, #tpu.memory_space<vmem>> -> memref<128x384xf32, #tpu.memory_space<vmem>>
        %dma_wait3A_311 = arith.constant 0 : i32
        %dma_wait3A_312 = tpu.memref_slice %arg2[%mul3A_305, %dma_wait3A_311] : memref<4096x384xf32, #tpu.memory_space<hbm>> -> memref<128x384xf32, #tpu.memory_space<hbm>>
        %dma_wait3A_313 = tpu.memref_slice %run_scoped3A_26[%rem3A_307] : memref<2x!tpu.dma_semaphore, #tpu.memory_space<semaphore_mem>> -> memref<1x!tpu.dma_semaphore, #tpu.memory_space<semaphore_mem>>
        %dma_wait3A_314 = tpu.memref_squeeze %dma_wait3A_313 : memref<1x!tpu.dma_semaphore, #tpu.memory_space<semaphore_mem>> -> memref<!tpu.dma_semaphore, #tpu.memory_space<semaphore_mem>>
        %dma_wait3A_315 = arith.constant 0 : i32
        %dma_wait3A_316 = arith.constant 0 : i32
        %dma_wait3A_317 = tpu.memref_slice %run_scoped3A[%rem3A_307, %dma_wait3A_315, %dma_wait3A_316] : memref<2x128x384xf32, #tpu.memory_space<vmem>> -> memref<1x128x384xf32, #tpu.memory_space<vmem>>
        %dma_wait3A_318 = tpu.memref_squeeze %dma_wait3A_317 : memref<1x128x384xf32, #tpu.memory_space<vmem>> -> memref<128x384xf32, #tpu.memory_space<vmem>>
        %dma_wait3A_319 = arith.constant 0 : i32
        %dma_wait3A_320 = tpu.memref_slice %arg2[%mul3A_305, %dma_wait3A_319] : memref<4096x384xf32, #tpu.memory_space<hbm>> -> memref<128x384xf32, #tpu.memory_space<hbm>>
        tpu.wait_dma2 semaphore(%dma_wait3A_314 : memref<!tpu.dma_semaphore, #tpu.memory_space<semaphore_mem>>) src(%dma_wait3A_320 : memref<128x384xf32, #tpu.memory_space<hbm>>) dst(%dma_wait3A_318 : memref<128x384xf32, #tpu.memory_space<vmem>>)
        "tpu.trace_stop"() : () -> ()
      } else {
      }
      %ne3A_183 = arith.cmpi ne, %add3A_116, %add3A_126 : i32
      %or3A_184 = arith.constant false
      %or3A_185 = arith.ori %or3A_184, %ne3A_183 : i1
      %or3A_186 = arith.ori %or3A_185, %eq3A_112 : i1
      %convert_element_type3A_187 = arith.extui %or3A_186 : i1 to i32
      %cond3A_188 = arith.constant 0 : i32
      %cond3A_189 = arith.cmpi ne, %convert_element_type3A_187, %cond3A_188 : i32
      scf.if %cond3A_189 {
        "tpu.trace_start"() <{level = 10 : i32, message = "ep_wait_in"}> : () -> ()
        %mul3A_304 = arith.constant 128 : i32
        %mul3A_305 = arith.muli %mul3A_304, %add3A_116 : i32
        %rem3A_306 = arith.constant 2 : i32
        %rem3A_307 = arith.remui %scan3A_108, %rem3A_306 : i32
        %dma_wait3A = arith.constant 0 : i32
        %dma_wait3A_308 = arith.constant 0 : i32
        %dma_wait3A_309 = tpu.memref_slice %run_scoped3A_27[%rem3A_307, %dma_wait3A, %dma_wait3A_308] : memref<2x1x128xi32, #tpu.memory_space<vmem>> -> memref<1x1x128xi32, #tpu.memory_space<vmem>>
        %dma_wait3A_310 = tpu.memref_squeeze %dma_wait3A_309 : memref<1x1x128xi32, #tpu.memory_space<vmem>> -> memref<1x128xi32, #tpu.memory_space<vmem>>
        %dma_wait3A_311 = arith.constant 0 : i32
        %dma_wait3A_312 = tpu.memref_slice %arg4[%dma_wait3A_311, %mul3A_305] : memref<1x4096xi32, #tpu.memory_space<hbm>> -> memref<1x128xi32, #tpu.memory_space<hbm>>
        %dma_wait3A_313 = tpu.memref_slice %run_scoped3A_28[%rem3A_307] : memref<2x!tpu.dma_semaphore, #tpu.memory_space<semaphore_mem>> -> memref<1x!tpu.dma_semaphore, #tpu.memory_space<semaphore_mem>>
        %dma_wait3A_314 = tpu.memref_squeeze %dma_wait3A_313 : memref<1x!tpu.dma_semaphore, #tpu.memory_space<semaphore_mem>> -> memref<!tpu.dma_semaphore, #tpu.memory_space<semaphore_mem>>
        %dma_wait3A_315 = arith.constant 0 : i32
        %dma_wait3A_316 = arith.constant 0 : i32
        %dma_wait3A_317 = tpu.memref_slice %run_scoped3A_27[%rem3A_307, %dma_wait3A_315, %dma_wait3A_316] : memref<2x1x128xi32, #tpu.memory_space<vmem>> -> memref<1x1x128xi32, #tpu.memory_space<vmem>>
        %dma_wait3A_318 = tpu.memref_squeeze %dma_wait3A_317 : memref<1x1x128xi32, #tpu.memory_space<vmem>> -> memref<1x128xi32, #tpu.memory_space<vmem>>
        %dma_wait3A_319 = arith.constant 0 : i32
        %dma_wait3A_320 = tpu.memref_slice %arg4[%dma_wait3A_319, %mul3A_305] : memref<1x4096xi32, #tpu.memory_space<hbm>> -> memref<1x128xi32, #tpu.memory_space<hbm>>
        tpu.wait_dma2 semaphore(%dma_wait3A_314 : memref<!tpu.dma_semaphore, #tpu.memory_space<semaphore_mem>>) src(%dma_wait3A_320 : memref<1x128xi32, #tpu.memory_space<hbm>>) dst(%dma_wait3A_318 : memref<1x128xi32, #tpu.memory_space<vmem>>)
        "tpu.trace_stop"() : () -> ()
      } else {
      }
      %rem3A_190 = arith.constant 2 : i32
      %rem3A_191 = arith.remui %scan3A, %rem3A_190 : i32
      %rem3A_192 = arith.constant 2 : i32
      %rem3A_193 = arith.remui %scan3A_108, %rem3A_192 : i32
      %run_scoped3A_194 = arith.constant 0 : i32
      "tpu.trace_start"() <{level = 10 : i32, message = "ep_run_kernel"}> : () -> ()
      "tpu.region"() ({
        %run_scoped3A_304 = tpu.sem_alloc : memref<!tpu.dma_semaphore, #tpu.memory_space<semaphore_mem>>
        %dma_start3A_305 = arith.constant 0 : i32
        %dma_start3A_306 = arith.constant 0 : i32
        %dma_start3A_307 = tpu.memref_slice %run_scoped3A[%rem3A_191, %dma_start3A_305, %dma_start3A_306] : memref<2x128x384xf32, #tpu.memory_space<vmem>> -> memref<1x128x384xf32, #tpu.memory_space<vmem>>
        %dma_start3A_308 = tpu.memref_squeeze %dma_start3A_307 : memref<1x128x384xf32, #tpu.memory_space<vmem>> -> memref<128x384xf32, #tpu.memory_space<vmem>>
        %dma_start3A_309 = arith.constant 0 : i32
        %dma_start3A_310 = arith.constant 0 : i32
        %dma_start3A_311 = tpu.memref_slice %run_scoped3A_27[%rem3A_193, %dma_start3A_309, %dma_start3A_310] : memref<2x1x128xi32, #tpu.memory_space<vmem>> -> memref<1x1x128xi32, #tpu.memory_space<vmem>>
        %dma_start3A_312 = tpu.memref_squeeze %dma_start3A_311 : memref<1x1x128xi32, #tpu.memory_space<vmem>> -> memref<1x128xi32, #tpu.memory_space<vmem>>
        %dma_start3A_313 = arith.constant 0 : i32
        %dma_start3A_314 = tpu.memref_slice %dma_start3A_312[%run_scoped3A_194, %dma_start3A_313] : memref<1x128xi32, #tpu.memory_space<vmem>> -> memref<1x128xi32, #tpu.memory_space<vmem>>
        %dma_start3A_315 = tpu.memref_squeeze %dma_start3A_314 : memref<1x128xi32, #tpu.memory_space<vmem>> -> memref<128xi32, #tpu.memory_space<vmem>>
        %dma_start3A_316 = arith.constant 0 : i32
        %dma_start3A_317 = arith.constant 0 : i32
        %dma_start3A_318 = tpu.memref_slice %arg6[%dma_start3A_316, %dma_start3A_317] : memref<8448x384xf32, #tpu.memory_space<hbm>> -> memref<8448x384xf32, #tpu.memory_space<hbm>>
        tpu.enqueue_indirect_dma source(%dma_start3A_308 : memref<128x384xf32, #tpu.memory_space<vmem>>) target(%dma_start3A_318 : memref<8448x384xf32, #tpu.memory_space<hbm>>) offsets(%dma_start3A_315 : memref<128xi32, #tpu.memory_space<vmem>>) semaphore(%run_scoped3A_304 : memref<!tpu.dma_semaphore, #tpu.memory_space<semaphore_mem>>)
        %dma_wait3A = arith.constant 0 : i32
        %dma_wait3A_319 = arith.constant 0 : i32
        %dma_wait3A_320 = tpu.memref_slice %run_scoped3A[%rem3A_191, %dma_wait3A, %dma_wait3A_319] : memref<2x128x384xf32, #tpu.memory_space<vmem>> -> memref<1x128x384xf32, #tpu.memory_space<vmem>>
        %dma_wait3A_321 = tpu.memref_squeeze %dma_wait3A_320 : memref<1x128x384xf32, #tpu.memory_space<vmem>> -> memref<128x384xf32, #tpu.memory_space<vmem>>
        %dma_wait3A_322 = arith.constant 0 : i32
        %dma_wait3A_323 = arith.constant 0 : i32
        %dma_wait3A_324 = tpu.memref_slice %run_scoped3A_27[%rem3A_193, %dma_wait3A_322, %dma_wait3A_323] : memref<2x1x128xi32, #tpu.memory_space<vmem>> -> memref<1x1x128xi32, #tpu.memory_space<vmem>>
        %dma_wait3A_325 = tpu.memref_squeeze %dma_wait3A_324 : memref<1x1x128xi32, #tpu.memory_space<vmem>> -> memref<1x128xi32, #tpu.memory_space<vmem>>
        %dma_wait3A_326 = arith.constant 0 : i32
        %dma_wait3A_327 = tpu.memref_slice %dma_wait3A_325[%run_scoped3A_194, %dma_wait3A_326] : memref<1x128xi32, #tpu.memory_space<vmem>> -> memref<1x128xi32, #tpu.memory_space<vmem>>
        %dma_wait3A_328 = tpu.memref_squeeze %dma_wait3A_327 : memref<1x128xi32, #tpu.memory_space<vmem>> -> memref<128xi32, #tpu.memory_space<vmem>>
        %dma_wait3A_329 = arith.constant 0 : i32
        %dma_wait3A_330 = arith.constant 0 : i32
        %dma_wait3A_331 = tpu.memref_slice %arg6[%dma_wait3A_329, %dma_wait3A_330] : memref<8448x384xf32, #tpu.memory_space<hbm>> -> memref<8448x384xf32, #tpu.memory_space<hbm>>
        tpu.wait_indirect_dma semaphore(%run_scoped3A_304 : memref<!tpu.dma_semaphore, #tpu.memory_space<semaphore_mem>>) src(%dma_wait3A_321 : memref<128x384xf32, #tpu.memory_space<vmem>>) dst(%dma_wait3A_331 : memref<8448x384xf32, #tpu.memory_space<hbm>>)
        tpu.yield
      }) : () -> ()
      "tpu.trace_stop"() : () -> ()
      %ne3A_195 = arith.cmpi ne, %add3A_116, %add3A_136 : i32
      %or3A_196 = arith.constant false
      %or3A_197 = arith.ori %or3A_196, %ne3A_195 : i1
      %or3A_198 = arith.constant false
      %or3A_199 = arith.ori %or3A_197, %or3A_198 : i1
      %or3A_200 = arith.ori %or3A_199, %eq3A_114 : i1
      %convert_element_type3A_201 = arith.extui %or3A_200 : i1 to i32
      %cond3A_202 = arith.constant 0 : i32
      %cond3A_203 = arith.cmpi ne, %convert_element_type3A_201, %cond3A_202 : i32
      scf.if %cond3A_203 {
      } else {
      }
      %and3A_204 = arith.constant false
      %and3A_205 = arith.andi %or3A_200, %and3A_204 : i1
      %ne3A_206 = arith.cmpi ne, %add3A_116, %add3A_136 : i32
      %or3A_207 = arith.constant false
      %or3A_208 = arith.ori %or3A_207, %ne3A_206 : i1
      %or3A_209 = arith.ori %or3A_208, %eq3A_114 : i1
      %convert_element_type3A_210 = arith.extui %or3A_209 : i1 to i32
      %cond3A_211 = arith.constant 0 : i32
      %cond3A_212 = arith.cmpi ne, %convert_element_type3A_210, %cond3A_211 : i32
      scf.if %cond3A_212 {
      } else {
      }
      %and3A_213 = arith.constant false
      %and3A_214 = arith.andi %or3A_209, %and3A_213 : i1
      %ne3A_215 = arith.cmpi ne, %add3A_116, %add3A_126 : i32
      %or3A_216 = arith.constant false
      %or3A_217 = arith.ori %or3A_216, %ne3A_215 : i1
      %or3A_218 = arith.constant false
      %or3A_219 = arith.ori %or3A_217, %or3A_218 : i1
      %not3A_220 = arith.constant true
      %not3A_221 = arith.xori %eq3A_112, %not3A_220 : i1
      %and3A_222 = arith.andi %or3A_219, %not3A_221 : i1
      %convert_element_type3A_223 = arith.extui %and3A_222 : i1 to i32
      %cond3A_224 = arith.constant 0 : i32
      %cond3A_225 = arith.cmpi ne, %convert_element_type3A_223, %cond3A_224 : i32
      scf.if %cond3A_225 {
      } else {
      }
      %and3A_226 = arith.constant false
      %and3A_227 = arith.andi %and3A_222, %and3A_226 : i1
      %ne3A_228 = arith.cmpi ne, %add3A_116, %add3A_126 : i32
      %or3A_229 = arith.constant false
      %or3A_230 = arith.ori %or3A_229, %ne3A_228 : i1
      %not3A_231 = arith.constant true
      %not3A_232 = arith.xori %eq3A_112, %not3A_231 : i1
      %and3A_233 = arith.andi %or3A_230, %not3A_232 : i1
      %convert_element_type3A_234 = arith.extui %and3A_233 : i1 to i32
      %cond3A_235 = arith.constant 0 : i32
      %cond3A_236 = arith.cmpi ne, %convert_element_type3A_234, %cond3A_235 : i32
      scf.if %cond3A_236 {
      } else {
      }
      %and3A_237 = arith.constant false
      %and3A_238 = arith.andi %and3A_233, %and3A_237 : i1
      %ne3A_239 = arith.cmpi ne, %add3A_116, %add3A_136 : i32
      %or3A_240 = arith.constant false
      %or3A_241 = arith.ori %or3A_240, %ne3A_239 : i1
      %or3A_242 = arith.constant false
      %or3A_243 = arith.ori %or3A_241, %or3A_242 : i1
      %or3A_244 = arith.ori %or3A_243, %eq3A_114 : i1
      %add3A_245 = arith.constant 1 : i32
      %add3A_246 = arith.addi %scan3A, %add3A_245 : i32
      %select_n3A_247 = arith.select %or3A_244, %add3A_246, %scan3A : i32
      %ne3A_248 = arith.cmpi ne, %add3A_116, %add3A_136 : i32
      %or3A_249 = arith.constant false
      %or3A_250 = arith.ori %or3A_249, %ne3A_248 : i1
      %or3A_251 = arith.ori %or3A_250, %eq3A_114 : i1
      %add3A_252 = arith.constant 1 : i32
      %add3A_253 = arith.addi %scan3A_108, %add3A_252 : i32
      %select_n3A_254 = arith.select %or3A_251, %add3A_253, %scan3A_108 : i32
      %select_n3A_255 = arith.constant true
      %select_n3A_256 = arith.constant 0 : i32
      %select_n3A_257 = arith.constant 1 : i32
      %select_n3A_258 = arith.select %select_n3A_255, %select_n3A_257, %select_n3A_256 : i32
      %eq3A_259 = arith.constant 1 : i32
      %eq3A_260 = arith.cmpi eq, %select_n3A_258, %eq3A_259 : i32
      %select_n3A_261 = arith.constant 0 : i32
      %select_n3A_262 = arith.select %eq3A_260, %select_n3A_261, %select_n3A_258 : i32
      %scan3A_263 = arith.constant 0 : i32
      %scan3A_264 = arith.constant 1 : i32
      %sub3A = arith.constant 1 : i32
      %sub3A_265 = arith.subi %scan3A_263, %sub3A : i32
      %select_n3A_266 = arith.constant true
      %select_n3A_267 = arith.select %select_n3A_266, %sub3A_265, %scan3A_263 : i32
      %eq3A_268 = arith.constant -1 : i32
      %eq3A_269 = arith.cmpi eq, %select_n3A_267, %eq3A_268 : i32
      %select_n3A_270 = arith.constant 0 : i32
      %select_n3A_271 = arith.select %eq3A_269, %select_n3A_270, %select_n3A_267 : i32
      %add3A_272 = arith.constant 0 : i32
      %add3A_273 = arith.addi %add3A_272, %mul3A_6 : i32
      %select_n3A_274 = arith.constant true
      %select_n3A_275 = arith.constant 0 : i32
      %select_n3A_276 = arith.constant -1 : i32
      %select_n3A_277 = arith.select %select_n3A_274, %select_n3A_276, %select_n3A_275 : i32
      %eq3A_278 = arith.constant -1 : i32
      %eq3A_279 = arith.cmpi eq, %select_n3A_277, %eq3A_278 : i32
      %select_n3A_280 = arith.constant 0 : i32
      %select_n3A_281 = arith.select %eq3A_279, %select_n3A_280, %select_n3A_277 : i32
      %add3A_282 = arith.constant 0 : i32
      %add3A_283 = arith.addi %add3A_282, %mul3A_6 : i32
      %select_n3A_284 = arith.constant true
      %select_n3A_285 = arith.constant 0 : i32
      %select_n3A_286 = arith.constant 1 : i32
      %select_n3A_287 = arith.select %select_n3A_284, %select_n3A_286, %select_n3A_285 : i32
      %eq3A_288 = arith.constant 1 : i32
      %eq3A_289 = arith.cmpi eq, %select_n3A_287, %eq3A_288 : i32
      %select_n3A_290 = arith.constant 0 : i32
      %select_n3A_291 = arith.select %eq3A_289, %select_n3A_290, %select_n3A_287 : i32
      %add3A_292 = arith.constant 0 : i32
      %add3A_293 = arith.addi %add3A_292, %mul3A_6 : i32
      %select_n3A_294 = arith.constant true
      %select_n3A_295 = arith.constant 0 : i32
      %select_n3A_296 = arith.constant 1 : i32
      %select_n3A_297 = arith.select %select_n3A_294, %select_n3A_296, %select_n3A_295 : i32
      %eq3A_298 = arith.constant 1 : i32
      %eq3A_299 = arith.cmpi eq, %select_n3A_297, %eq3A_298 : i32
      %select_n3A_300 = arith.constant 0 : i32
      %select_n3A_301 = arith.select %eq3A_299, %select_n3A_300, %select_n3A_297 : i32
      %add3A_302 = arith.constant 0 : i32
      %add3A_303 = arith.addi %add3A_302, %mul3A_6 : i32
      tpu.yield
    }) : () -> ()
    %mul3A_7 = arith.constant 1 : i32
    %mul3A_8 = arith.muli %arg1, %mul3A_7 : i32
    %add3A_9 = arith.constant 0 : i32
    %add3A_10 = arith.addi %add3A_9, %mul3A_8 : i32
    %mul3A_11 = arith.constant 16 : i32
    %mul3A_12 = arith.muli %arg0, %mul3A_11 : i32
    %add3A_13 = arith.addi %add3A_10, %mul3A_12 : i32
    %lt3A = arith.constant 16 : i32
    %lt3A_14 = arith.cmpi slt, %add3A_13, %lt3A : i32
    %jit3A = arith.constant 1 : i32
    %jit3A_15 = arith.constant 0 : i32
    %select_n3A = arith.select %lt3A_14, %jit3A, %jit3A_15 : i32
    %lt3A_16 = arith.constant 16 : i32
    %lt3A_17 = arith.cmpi slt, %add3A_13, %lt3A_16 : i32
    %mul3A_18 = arith.muli %add3A_13, %select_n3A : i32
    %mul3A_19 = arith.constant 0 : i32
    %mul3A_20 = arith.muli %add3A_13, %mul3A_19 : i32
    %add3A_21 = arith.constant 16 : i32
    %add3A_22 = arith.addi %mul3A_20, %add3A_21 : i32
    %select_n3A_23 = arith.select %lt3A_17, %mul3A_18, %add3A_22 : i32
    %mul3A_24 = arith.constant 1 : i32
    %mul3A_25 = arith.muli %mul3A_24, %select_n3A : i32
    "tpu.region"() ({
      %run_scoped3A = memref.alloca() : memref<2x128x128xf32, #tpu.memory_space<vmem>>
      %run_scoped3A_26 = tpu.sem_alloc : memref<2x!tpu.dma_semaphore, #tpu.memory_space<semaphore_mem>>
      %run_scoped3A_27 = memref.alloca() : memref<2x1x128xi32, #tpu.memory_space<vmem>>
      %run_scoped3A_28 = tpu.sem_alloc : memref<2x!tpu.dma_semaphore, #tpu.memory_space<semaphore_mem>>
      %gt3A = arith.constant 0 : i32
      %gt3A_29 = arith.cmpi sgt, %mul3A_25, %gt3A : i32
      %convert_element_type3A = arith.extui %gt3A_29 : i1 to i32
      %cond3A = arith.constant 0 : i32
      %cond3A_30 = arith.cmpi ne, %convert_element_type3A, %cond3A : i32
      scf.if %cond3A_30 {
        %mul3A_31 = arith.constant 1 : i32
        %mul3A_32 = arith.muli %mul3A_31, %select_n3A : i32
        %sub3A = arith.constant 1 : i32
        %sub3A_33 = arith.subi %mul3A_32, %sub3A : i32
        %eq3A = arith.constant 0 : i32
        %eq3A_34 = arith.cmpi eq, %sub3A_33, %eq3A : i32
        %add3A_35 = arith.constant 0 : i32
        %add3A_36 = arith.addi %add3A_35, %select_n3A_23 : i32
        %select_n3A_37 = arith.constant true
        %select_n3A_38 = arith.constant 0 : i32
        %select_n3A_39 = arith.constant -1 : i32
        %select_n3A_40 = arith.select %select_n3A_37, %select_n3A_39, %select_n3A_38 : i32
        %eq3A_41 = arith.constant -1 : i32
        %eq3A_42 = arith.cmpi eq, %select_n3A_40, %eq3A_41 : i32
        %sub3A_43 = arith.constant 1 : i32
        %sub3A_44 = arith.subi %select_n3A, %sub3A_43 : i32
        %select_n3A_45 = arith.select %eq3A_42, %sub3A_44, %select_n3A_40 : i32
        %add3A_46 = arith.addi %select_n3A_45, %select_n3A_23 : i32
        %select_n3A_47 = arith.constant true
        %select_n3A_48 = arith.constant 0 : i32
        %select_n3A_49 = arith.constant 1 : i32
        %select_n3A_50 = arith.select %select_n3A_47, %select_n3A_49, %select_n3A_48 : i32
        %eq3A_51 = arith.cmpi eq, %select_n3A_50, %select_n3A : i32
        %select_n3A_52 = arith.constant 0 : i32
        %select_n3A_53 = arith.select %eq3A_51, %select_n3A_52, %select_n3A_50 : i32
        %add3A_54 = arith.addi %select_n3A_53, %select_n3A_23 : i32
        %add3A_55 = arith.constant 1 : i32
        %add3A_56 = arith.addi %select_n3A_53, %add3A_55 : i32
        %select_n3A_57 = arith.constant true
        %select_n3A_58 = arith.select %select_n3A_57, %add3A_56, %select_n3A_53 : i32
        %eq3A_59 = arith.cmpi eq, %select_n3A_58, %select_n3A : i32
        %select_n3A_60 = arith.constant 0 : i32
        %select_n3A_61 = arith.select %eq3A_59, %select_n3A_60, %select_n3A_58 : i32
        %add3A_62 = arith.addi %select_n3A_61, %select_n3A_23 : i32
        "tpu.trace_start"() <{level = 10 : i32, message = "ep_initialize_0"}> : () -> ()
        %rem3A = arith.constant 0 : i32
        %rem3A_63 = arith.constant 2 : i32
        %rem3A_64 = arith.remui %rem3A, %rem3A_63 : i32
        %mul3A_65 = arith.constant 128 : i32
        %mul3A_66 = arith.muli %mul3A_65, %add3A_36 : i32
        %dma_start3A = arith.constant 0 : i32
        %dma_start3A_67 = arith.constant 0 : i32
        %dma_start3A_68 = tpu.memref_slice %run_scoped3A[%rem3A_64, %dma_start3A, %dma_start3A_67] : memref<2x128x128xf32, #tpu.memory_space<vmem>> -> memref<1x128x128xf32, #tpu.memory_space<vmem>>
        %dma_start3A_69 = tpu.memref_squeeze %dma_start3A_68 : memref<1x128x128xf32, #tpu.memory_space<vmem>> -> memref<128x128xf32, #tpu.memory_space<vmem>>
        %dma_start3A_70 = arith.constant 0 : i32
        %dma_start3A_71 = tpu.memref_slice %arg3[%mul3A_66, %dma_start3A_70] : memref<2048x128xf32, #tpu.memory_space<hbm>> -> memref<128x128xf32, #tpu.memory_space<hbm>>
        %dma_start3A_72 = tpu.memref_slice %run_scoped3A_26[%rem3A_64] : memref<2x!tpu.dma_semaphore, #tpu.memory_space<semaphore_mem>> -> memref<1x!tpu.dma_semaphore, #tpu.memory_space<semaphore_mem>>
        %dma_start3A_73 = tpu.memref_squeeze %dma_start3A_72 : memref<1x!tpu.dma_semaphore, #tpu.memory_space<semaphore_mem>> -> memref<!tpu.dma_semaphore, #tpu.memory_space<semaphore_mem>>
        %dma_start3A_74 = arith.constant 0 : i32
        %dma_start3A_75 = arith.constant 0 : i32
        %dma_start3A_76 = tpu.memref_slice %run_scoped3A[%rem3A_64, %dma_start3A_74, %dma_start3A_75] : memref<2x128x128xf32, #tpu.memory_space<vmem>> -> memref<1x128x128xf32, #tpu.memory_space<vmem>>
        %dma_start3A_77 = tpu.memref_squeeze %dma_start3A_76 : memref<1x128x128xf32, #tpu.memory_space<vmem>> -> memref<128x128xf32, #tpu.memory_space<vmem>>
        %dma_start3A_78 = arith.constant 0 : i32
        %dma_start3A_79 = tpu.memref_slice %arg3[%mul3A_66, %dma_start3A_78] : memref<2048x128xf32, #tpu.memory_space<hbm>> -> memref<128x128xf32, #tpu.memory_space<hbm>>
        tpu.enqueue_dma source(%dma_start3A_79 : memref<128x128xf32, #tpu.memory_space<hbm>>) target(%dma_start3A_77 : memref<128x128xf32, #tpu.memory_space<vmem>>) target_semaphore(%dma_start3A_73 : memref<!tpu.dma_semaphore, #tpu.memory_space<semaphore_mem>>)
        %add3A_80 = arith.constant 0 : i32
        %add3A_81 = arith.constant 1 : i32
        %add3A_82 = arith.addi %add3A_80, %add3A_81 : i32
        %select_n3A_83 = arith.constant true
        %select_n3A_84 = arith.constant 0 : i32
        %select_n3A_85 = arith.select %select_n3A_83, %add3A_82, %select_n3A_84 : i32
        %rem3A_86 = arith.constant 0 : i32
        %rem3A_87 = arith.constant 2 : i32
        %rem3A_88 = arith.remui %rem3A_86, %rem3A_87 : i32
        %mul3A_89 = arith.constant 128 : i32
        %mul3A_90 = arith.muli %mul3A_89, %add3A_36 : i32
        %dma_start3A_91 = arith.constant 0 : i32
        %dma_start3A_92 = arith.constant 0 : i32
        %dma_start3A_93 = tpu.memref_slice %run_scoped3A_27[%rem3A_88, %dma_start3A_91, %dma_start3A_92] : memref<2x1x128xi32, #tpu.memory_space<vmem>> -> memref<1x1x128xi32, #tpu.memory_space<vmem>>
        %dma_start3A_94 = tpu.memref_squeeze %dma_start3A_93 : memref<1x1x128xi32, #tpu.memory_space<vmem>> -> memref<1x128xi32, #tpu.memory_space<vmem>>
        %dma_start3A_95 = arith.constant 0 : i32
        %dma_start3A_96 = tpu.memref_slice %arg5[%dma_start3A_95, %mul3A_90] : memref<1x2048xi32, #tpu.memory_space<hbm>> -> memref<1x128xi32, #tpu.memory_space<hbm>>
        %dma_start3A_97 = tpu.memref_slice %run_scoped3A_28[%rem3A_88] : memref<2x!tpu.dma_semaphore, #tpu.memory_space<semaphore_mem>> -> memref<1x!tpu.dma_semaphore, #tpu.memory_space<semaphore_mem>>
        %dma_start3A_98 = tpu.memref_squeeze %dma_start3A_97 : memref<1x!tpu.dma_semaphore, #tpu.memory_space<semaphore_mem>> -> memref<!tpu.dma_semaphore, #tpu.memory_space<semaphore_mem>>
        %dma_start3A_99 = arith.constant 0 : i32
        %dma_start3A_100 = arith.constant 0 : i32
        %dma_start3A_101 = tpu.memref_slice %run_scoped3A_27[%rem3A_88, %dma_start3A_99, %dma_start3A_100] : memref<2x1x128xi32, #tpu.memory_space<vmem>> -> memref<1x1x128xi32, #tpu.memory_space<vmem>>
        %dma_start3A_102 = tpu.memref_squeeze %dma_start3A_101 : memref<1x1x128xi32, #tpu.memory_space<vmem>> -> memref<1x128xi32, #tpu.memory_space<vmem>>
        %dma_start3A_103 = arith.constant 0 : i32
        %dma_start3A_104 = tpu.memref_slice %arg5[%dma_start3A_103, %mul3A_90] : memref<1x2048xi32, #tpu.memory_space<hbm>> -> memref<1x128xi32, #tpu.memory_space<hbm>>
        tpu.enqueue_dma source(%dma_start3A_104 : memref<1x128xi32, #tpu.memory_space<hbm>>) target(%dma_start3A_102 : memref<1x128xi32, #tpu.memory_space<vmem>>) target_semaphore(%dma_start3A_98 : memref<!tpu.dma_semaphore, #tpu.memory_space<semaphore_mem>>)
        %add3A_105 = arith.constant 0 : i32
        %add3A_106 = arith.constant 1 : i32
        %add3A_107 = arith.addi %add3A_105, %add3A_106 : i32
        %select_n3A_108 = arith.constant true
        %select_n3A_109 = arith.constant 0 : i32
        %select_n3A_110 = arith.select %select_n3A_108, %add3A_107, %select_n3A_109 : i32
        %while3A = arith.constant 0 : i32
        %while3A_111 = arith.constant 0 : i32
        %while3A_112 = arith.constant 0 : i32
        %while3A_113 = arith.constant 0 : i32
        "tpu.trace_stop"() : () -> ()
        %while3A_114 = arith.subi %mul3A_25, %while3A : i32
        %while3A_115 = arith.addi %while3A, %while3A_114 : i32
        %while3A_116 = arith.constant 1 : i32
        %while3A_117 = arith.divsi %while3A_114, %while3A_116 : i32
        %while3A_118 = arith.muli %while3A_117, %while3A_116 : i32
        %while3A_119 = arith.addi %while3A, %while3A_118 : i32
        %while3A_120 = arith.constant 1 : i32
        %while3A_121:5 = scf.for %while3A_175 = %while3A to %while3A_119 step %while3A_120 iter_args(%while3A_176 = %select_n3A_85, %while3A_177 = %while3A_111, %while3A_178 = %select_n3A_110, %while3A_179 = %while3A_112, %while3A_180 = %while3A_113) -> (i32, i32, i32, i32, i32)  : i32 {
          %mul3A_181 = arith.constant 1 : i32
          %mul3A_182 = arith.muli %mul3A_181, %select_n3A : i32
          %eq3A_183 = arith.constant 0 : i32
          %eq3A_184 = arith.cmpi eq, %while3A_175, %eq3A_183 : i32
          %sub3A_185 = arith.constant 1 : i32
          %sub3A_186 = arith.subi %mul3A_182, %sub3A_185 : i32
          %eq3A_187 = arith.cmpi eq, %while3A_175, %sub3A_186 : i32
          %add3A_188 = arith.addi %while3A_180, %select_n3A_23 : i32
          %sub3A_189 = arith.constant 1 : i32
          %sub3A_190 = arith.subi %while3A_180, %sub3A_189 : i32
          %select_n3A_191 = arith.constant true
          %select_n3A_192 = arith.select %select_n3A_191, %sub3A_190, %while3A_180 : i32
          %eq3A_193 = arith.constant -1 : i32
          %eq3A_194 = arith.cmpi eq, %select_n3A_192, %eq3A_193 : i32
          %sub3A_195 = arith.constant 1 : i32
          %sub3A_196 = arith.subi %select_n3A, %sub3A_195 : i32
          %select_n3A_197 = arith.select %eq3A_194, %sub3A_196, %select_n3A_192 : i32
          %add3A_198 = arith.addi %select_n3A_197, %select_n3A_23 : i32
          %add3A_199 = arith.constant 1 : i32
          %add3A_200 = arith.addi %while3A_180, %add3A_199 : i32
          %select_n3A_201 = arith.constant true
          %select_n3A_202 = arith.select %select_n3A_201, %add3A_200, %while3A_180 : i32
          %eq3A_203 = arith.cmpi eq, %select_n3A_202, %select_n3A : i32
          %select_n3A_204 = arith.constant 0 : i32
          %select_n3A_205 = arith.select %eq3A_203, %select_n3A_204, %select_n3A_202 : i32
          %add3A_206 = arith.addi %select_n3A_205, %select_n3A_23 : i32
          %add3A_207 = arith.constant 1 : i32
          %add3A_208 = arith.addi %select_n3A_205, %add3A_207 : i32
          %select_n3A_209 = arith.constant true
          %select_n3A_210 = arith.select %select_n3A_209, %add3A_208, %select_n3A_205 : i32
          %eq3A_211 = arith.cmpi eq, %select_n3A_210, %select_n3A : i32
          %select_n3A_212 = arith.constant 0 : i32
          %select_n3A_213 = arith.select %eq3A_211, %select_n3A_212, %select_n3A_210 : i32
          %add3A_214 = arith.addi %select_n3A_213, %select_n3A_23 : i32
          %ne3A = arith.cmpi ne, %add3A_188, %add3A_206 : i32
          %or3A = arith.constant false
          %or3A_215 = arith.ori %or3A, %ne3A : i1
          %or3A_216 = arith.constant false
          %or3A_217 = arith.ori %or3A_215, %or3A_216 : i1
          %sub3A_218 = arith.constant 2 : i32
          %sub3A_219 = arith.subi %mul3A_182, %sub3A_218 : i32
          %add3A_220 = arith.constant 1 : i32
          %add3A_221 = arith.addi %sub3A_219, %add3A_220 : i32
          %ge3A = arith.cmpi sge, %while3A_175, %add3A_221 : i32
          %not3A = arith.constant true
          %not3A_222 = arith.xori %ge3A, %not3A : i1
          %and3A = arith.andi %or3A_217, %not3A_222 : i1
          %convert_element_type3A_223 = arith.extui %and3A : i1 to i32
          %cond3A_224 = arith.constant 0 : i32
          %cond3A_225 = arith.cmpi ne, %convert_element_type3A_223, %cond3A_224 : i32
          scf.if %cond3A_225 {
            "tpu.trace_start"() <{level = 10 : i32, message = "ep_copy_in"}> : () -> ()
            %rem3A_338 = arith.constant 2 : i32
            %rem3A_339 = arith.remui %while3A_176, %rem3A_338 : i32
            %mul3A_340 = arith.constant 128 : i32
            %mul3A_341 = arith.muli %mul3A_340, %add3A_206 : i32
            %dma_start3A_342 = arith.constant 0 : i32
            %dma_start3A_343 = arith.constant 0 : i32
            %dma_start3A_344 = tpu.memref_slice %run_scoped3A[%rem3A_339, %dma_start3A_342, %dma_start3A_343] : memref<2x128x128xf32, #tpu.memory_space<vmem>> -> memref<1x128x128xf32, #tpu.memory_space<vmem>>
            %dma_start3A_345 = tpu.memref_squeeze %dma_start3A_344 : memref<1x128x128xf32, #tpu.memory_space<vmem>> -> memref<128x128xf32, #tpu.memory_space<vmem>>
            %dma_start3A_346 = arith.constant 0 : i32
            %dma_start3A_347 = tpu.memref_slice %arg3[%mul3A_341, %dma_start3A_346] : memref<2048x128xf32, #tpu.memory_space<hbm>> -> memref<128x128xf32, #tpu.memory_space<hbm>>
            %dma_start3A_348 = tpu.memref_slice %run_scoped3A_26[%rem3A_339] : memref<2x!tpu.dma_semaphore, #tpu.memory_space<semaphore_mem>> -> memref<1x!tpu.dma_semaphore, #tpu.memory_space<semaphore_mem>>
            %dma_start3A_349 = tpu.memref_squeeze %dma_start3A_348 : memref<1x!tpu.dma_semaphore, #tpu.memory_space<semaphore_mem>> -> memref<!tpu.dma_semaphore, #tpu.memory_space<semaphore_mem>>
            %dma_start3A_350 = arith.constant 0 : i32
            %dma_start3A_351 = arith.constant 0 : i32
            %dma_start3A_352 = tpu.memref_slice %run_scoped3A[%rem3A_339, %dma_start3A_350, %dma_start3A_351] : memref<2x128x128xf32, #tpu.memory_space<vmem>> -> memref<1x128x128xf32, #tpu.memory_space<vmem>>
            %dma_start3A_353 = tpu.memref_squeeze %dma_start3A_352 : memref<1x128x128xf32, #tpu.memory_space<vmem>> -> memref<128x128xf32, #tpu.memory_space<vmem>>
            %dma_start3A_354 = arith.constant 0 : i32
            %dma_start3A_355 = tpu.memref_slice %arg3[%mul3A_341, %dma_start3A_354] : memref<2048x128xf32, #tpu.memory_space<hbm>> -> memref<128x128xf32, #tpu.memory_space<hbm>>
            tpu.enqueue_dma source(%dma_start3A_355 : memref<128x128xf32, #tpu.memory_space<hbm>>) target(%dma_start3A_353 : memref<128x128xf32, #tpu.memory_space<vmem>>) target_semaphore(%dma_start3A_349 : memref<!tpu.dma_semaphore, #tpu.memory_space<semaphore_mem>>)
            "tpu.trace_stop"() : () -> ()
          } else {
          }
          %and3A_226 = arith.constant true
          %and3A_227 = arith.andi %and3A, %and3A_226 : i1
          %add3A_228 = arith.constant 1 : i32
          %add3A_229 = arith.addi %while3A_176, %add3A_228 : i32
          %select_n3A_230 = arith.select %and3A_227, %add3A_229, %while3A_176 : i32
          %ne3A_231 = arith.cmpi ne, %add3A_188, %add3A_206 : i32
          %or3A_232 = arith.constant false
          %or3A_233 = arith.ori %or3A_232, %ne3A_231 : i1
          %sub3A_234 = arith.constant 2 : i32
          %sub3A_235 = arith.subi %mul3A_182, %sub3A_234 : i32
          %add3A_236 = arith.constant 1 : i32
          %add3A_237 = arith.addi %sub3A_235, %add3A_236 : i32
          %ge3A_238 = arith.cmpi sge, %while3A_175, %add3A_237 : i32
          %not3A_239 = arith.constant true
          %not3A_240 = arith.xori %ge3A_238, %not3A_239 : i1
          %and3A_241 = arith.andi %or3A_233, %not3A_240 : i1
          %convert_element_type3A_242 = arith.extui %and3A_241 : i1 to i32
          %cond3A_243 = arith.constant 0 : i32
          %cond3A_244 = arith.cmpi ne, %convert_element_type3A_242, %cond3A_243 : i32
          scf.if %cond3A_244 {
            "tpu.trace_start"() <{level = 10 : i32, message = "ep_copy_in"}> : () -> ()
            %rem3A_338 = arith.constant 2 : i32
            %rem3A_339 = arith.remui %while3A_178, %rem3A_338 : i32
            %mul3A_340 = arith.constant 128 : i32
            %mul3A_341 = arith.muli %mul3A_340, %add3A_206 : i32
            %dma_start3A_342 = arith.constant 0 : i32
            %dma_start3A_343 = arith.constant 0 : i32
            %dma_start3A_344 = tpu.memref_slice %run_scoped3A_27[%rem3A_339, %dma_start3A_342, %dma_start3A_343] : memref<2x1x128xi32, #tpu.memory_space<vmem>> -> memref<1x1x128xi32, #tpu.memory_space<vmem>>
            %dma_start3A_345 = tpu.memref_squeeze %dma_start3A_344 : memref<1x1x128xi32, #tpu.memory_space<vmem>> -> memref<1x128xi32, #tpu.memory_space<vmem>>
            %dma_start3A_346 = arith.constant 0 : i32
            %dma_start3A_347 = tpu.memref_slice %arg5[%dma_start3A_346, %mul3A_341] : memref<1x2048xi32, #tpu.memory_space<hbm>> -> memref<1x128xi32, #tpu.memory_space<hbm>>
            %dma_start3A_348 = tpu.memref_slice %run_scoped3A_28[%rem3A_339] : memref<2x!tpu.dma_semaphore, #tpu.memory_space<semaphore_mem>> -> memref<1x!tpu.dma_semaphore, #tpu.memory_space<semaphore_mem>>
            %dma_start3A_349 = tpu.memref_squeeze %dma_start3A_348 : memref<1x!tpu.dma_semaphore, #tpu.memory_space<semaphore_mem>> -> memref<!tpu.dma_semaphore, #tpu.memory_space<semaphore_mem>>
            %dma_start3A_350 = arith.constant 0 : i32
            %dma_start3A_351 = arith.constant 0 : i32
            %dma_start3A_352 = tpu.memref_slice %run_scoped3A_27[%rem3A_339, %dma_start3A_350, %dma_start3A_351] : memref<2x1x128xi32, #tpu.memory_space<vmem>> -> memref<1x1x128xi32, #tpu.memory_space<vmem>>
            %dma_start3A_353 = tpu.memref_squeeze %dma_start3A_352 : memref<1x1x128xi32, #tpu.memory_space<vmem>> -> memref<1x128xi32, #tpu.memory_space<vmem>>
            %dma_start3A_354 = arith.constant 0 : i32
            %dma_start3A_355 = tpu.memref_slice %arg5[%dma_start3A_354, %mul3A_341] : memref<1x2048xi32, #tpu.memory_space<hbm>> -> memref<1x128xi32, #tpu.memory_space<hbm>>
            tpu.enqueue_dma source(%dma_start3A_355 : memref<1x128xi32, #tpu.memory_space<hbm>>) target(%dma_start3A_353 : memref<1x128xi32, #tpu.memory_space<vmem>>) target_semaphore(%dma_start3A_349 : memref<!tpu.dma_semaphore, #tpu.memory_space<semaphore_mem>>)
            "tpu.trace_stop"() : () -> ()
          } else {
          }
          %and3A_245 = arith.constant true
          %and3A_246 = arith.andi %and3A_241, %and3A_245 : i1
          %add3A_247 = arith.constant 1 : i32
          %add3A_248 = arith.addi %while3A_178, %add3A_247 : i32
          %select_n3A_249 = arith.select %and3A_246, %add3A_248, %while3A_178 : i32
          %ne3A_250 = arith.cmpi ne, %add3A_188, %add3A_198 : i32
          %or3A_251 = arith.constant false
          %or3A_252 = arith.ori %or3A_251, %ne3A_250 : i1
          %or3A_253 = arith.constant false
          %or3A_254 = arith.ori %or3A_252, %or3A_253 : i1
          %or3A_255 = arith.ori %or3A_254, %eq3A_184 : i1
          %convert_element_type3A_256 = arith.extui %or3A_255 : i1 to i32
          %cond3A_257 = arith.constant 0 : i32
          %cond3A_258 = arith.cmpi ne, %convert_element_type3A_256, %cond3A_257 : i32
          scf.if %cond3A_258 {
            "tpu.trace_start"() <{level = 10 : i32, message = "ep_wait_in"}> : () -> ()
            %mul3A_338 = arith.constant 128 : i32
            %mul3A_339 = arith.muli %mul3A_338, %add3A_188 : i32
            %rem3A_340 = arith.constant 2 : i32
            %rem3A_341 = arith.remui %while3A_177, %rem3A_340 : i32
            %dma_wait3A = arith.constant 0 : i32
            %dma_wait3A_342 = arith.constant 0 : i32
            %dma_wait3A_343 = tpu.memref_slice %run_scoped3A[%rem3A_341, %dma_wait3A, %dma_wait3A_342] : memref<2x128x128xf32, #tpu.memory_space<vmem>> -> memref<1x128x128xf32, #tpu.memory_space<vmem>>
            %dma_wait3A_344 = tpu.memref_squeeze %dma_wait3A_343 : memref<1x128x128xf32, #tpu.memory_space<vmem>> -> memref<128x128xf32, #tpu.memory_space<vmem>>
            %dma_wait3A_345 = arith.constant 0 : i32
            %dma_wait3A_346 = tpu.memref_slice %arg3[%mul3A_339, %dma_wait3A_345] : memref<2048x128xf32, #tpu.memory_space<hbm>> -> memref<128x128xf32, #tpu.memory_space<hbm>>
            %dma_wait3A_347 = tpu.memref_slice %run_scoped3A_26[%rem3A_341] : memref<2x!tpu.dma_semaphore, #tpu.memory_space<semaphore_mem>> -> memref<1x!tpu.dma_semaphore, #tpu.memory_space<semaphore_mem>>
            %dma_wait3A_348 = tpu.memref_squeeze %dma_wait3A_347 : memref<1x!tpu.dma_semaphore, #tpu.memory_space<semaphore_mem>> -> memref<!tpu.dma_semaphore, #tpu.memory_space<semaphore_mem>>
            %dma_wait3A_349 = arith.constant 0 : i32
            %dma_wait3A_350 = arith.constant 0 : i32
            %dma_wait3A_351 = tpu.memref_slice %run_scoped3A[%rem3A_341, %dma_wait3A_349, %dma_wait3A_350] : memref<2x128x128xf32, #tpu.memory_space<vmem>> -> memref<1x128x128xf32, #tpu.memory_space<vmem>>
            %dma_wait3A_352 = tpu.memref_squeeze %dma_wait3A_351 : memref<1x128x128xf32, #tpu.memory_space<vmem>> -> memref<128x128xf32, #tpu.memory_space<vmem>>
            %dma_wait3A_353 = arith.constant 0 : i32
            %dma_wait3A_354 = tpu.memref_slice %arg3[%mul3A_339, %dma_wait3A_353] : memref<2048x128xf32, #tpu.memory_space<hbm>> -> memref<128x128xf32, #tpu.memory_space<hbm>>
            tpu.wait_dma2 semaphore(%dma_wait3A_348 : memref<!tpu.dma_semaphore, #tpu.memory_space<semaphore_mem>>) src(%dma_wait3A_354 : memref<128x128xf32, #tpu.memory_space<hbm>>) dst(%dma_wait3A_352 : memref<128x128xf32, #tpu.memory_space<vmem>>)
            "tpu.trace_stop"() : () -> ()
          } else {
          }
          %ne3A_259 = arith.cmpi ne, %add3A_188, %add3A_198 : i32
          %or3A_260 = arith.constant false
          %or3A_261 = arith.ori %or3A_260, %ne3A_259 : i1
          %or3A_262 = arith.ori %or3A_261, %eq3A_184 : i1
          %convert_element_type3A_263 = arith.extui %or3A_262 : i1 to i32
          %cond3A_264 = arith.constant 0 : i32
          %cond3A_265 = arith.cmpi ne, %convert_element_type3A_263, %cond3A_264 : i32
          scf.if %cond3A_265 {
            "tpu.trace_start"() <{level = 10 : i32, message = "ep_wait_in"}> : () -> ()
            %mul3A_338 = arith.constant 128 : i32
            %mul3A_339 = arith.muli %mul3A_338, %add3A_188 : i32
            %rem3A_340 = arith.constant 2 : i32
            %rem3A_341 = arith.remui %while3A_179, %rem3A_340 : i32
            %dma_wait3A = arith.constant 0 : i32
            %dma_wait3A_342 = arith.constant 0 : i32
            %dma_wait3A_343 = tpu.memref_slice %run_scoped3A_27[%rem3A_341, %dma_wait3A, %dma_wait3A_342] : memref<2x1x128xi32, #tpu.memory_space<vmem>> -> memref<1x1x128xi32, #tpu.memory_space<vmem>>
            %dma_wait3A_344 = tpu.memref_squeeze %dma_wait3A_343 : memref<1x1x128xi32, #tpu.memory_space<vmem>> -> memref<1x128xi32, #tpu.memory_space<vmem>>
            %dma_wait3A_345 = arith.constant 0 : i32
            %dma_wait3A_346 = tpu.memref_slice %arg5[%dma_wait3A_345, %mul3A_339] : memref<1x2048xi32, #tpu.memory_space<hbm>> -> memref<1x128xi32, #tpu.memory_space<hbm>>
            %dma_wait3A_347 = tpu.memref_slice %run_scoped3A_28[%rem3A_341] : memref<2x!tpu.dma_semaphore, #tpu.memory_space<semaphore_mem>> -> memref<1x!tpu.dma_semaphore, #tpu.memory_space<semaphore_mem>>
            %dma_wait3A_348 = tpu.memref_squeeze %dma_wait3A_347 : memref<1x!tpu.dma_semaphore, #tpu.memory_space<semaphore_mem>> -> memref<!tpu.dma_semaphore, #tpu.memory_space<semaphore_mem>>
            %dma_wait3A_349 = arith.constant 0 : i32
            %dma_wait3A_350 = arith.constant 0 : i32
            %dma_wait3A_351 = tpu.memref_slice %run_scoped3A_27[%rem3A_341, %dma_wait3A_349, %dma_wait3A_350] : memref<2x1x128xi32, #tpu.memory_space<vmem>> -> memref<1x1x128xi32, #tpu.memory_space<vmem>>
            %dma_wait3A_352 = tpu.memref_squeeze %dma_wait3A_351 : memref<1x1x128xi32, #tpu.memory_space<vmem>> -> memref<1x128xi32, #tpu.memory_space<vmem>>
            %dma_wait3A_353 = arith.constant 0 : i32
            %dma_wait3A_354 = tpu.memref_slice %arg5[%dma_wait3A_353, %mul3A_339] : memref<1x2048xi32, #tpu.memory_space<hbm>> -> memref<1x128xi32, #tpu.memory_space<hbm>>
            tpu.wait_dma2 semaphore(%dma_wait3A_348 : memref<!tpu.dma_semaphore, #tpu.memory_space<semaphore_mem>>) src(%dma_wait3A_354 : memref<1x128xi32, #tpu.memory_space<hbm>>) dst(%dma_wait3A_352 : memref<1x128xi32, #tpu.memory_space<vmem>>)
            "tpu.trace_stop"() : () -> ()
          } else {
          }
          %rem3A_266 = arith.constant 2 : i32
          %rem3A_267 = arith.remui %while3A_177, %rem3A_266 : i32
          %rem3A_268 = arith.constant 2 : i32
          %rem3A_269 = arith.remui %while3A_179, %rem3A_268 : i32
          %run_scoped3A_270 = arith.constant 0 : i32
          "tpu.trace_start"() <{level = 10 : i32, message = "ep_run_kernel"}> : () -> ()
          "tpu.region"() ({
            %run_scoped3A_338 = tpu.sem_alloc : memref<!tpu.dma_semaphore, #tpu.memory_space<semaphore_mem>>
            %dma_start3A_339 = arith.constant 0 : i32
            %dma_start3A_340 = arith.constant 0 : i32
            %dma_start3A_341 = tpu.memref_slice %run_scoped3A[%rem3A_267, %dma_start3A_339, %dma_start3A_340] : memref<2x128x128xf32, #tpu.memory_space<vmem>> -> memref<1x128x128xf32, #tpu.memory_space<vmem>>
            %dma_start3A_342 = tpu.memref_squeeze %dma_start3A_341 : memref<1x128x128xf32, #tpu.memory_space<vmem>> -> memref<128x128xf32, #tpu.memory_space<vmem>>
            %dma_start3A_343 = arith.constant 0 : i32
            %dma_start3A_344 = arith.constant 0 : i32
            %dma_start3A_345 = tpu.memref_slice %run_scoped3A_27[%rem3A_269, %dma_start3A_343, %dma_start3A_344] : memref<2x1x128xi32, #tpu.memory_space<vmem>> -> memref<1x1x128xi32, #tpu.memory_space<vmem>>
            %dma_start3A_346 = tpu.memref_squeeze %dma_start3A_345 : memref<1x1x128xi32, #tpu.memory_space<vmem>> -> memref<1x128xi32, #tpu.memory_space<vmem>>
            %dma_start3A_347 = arith.constant 0 : i32
            %dma_start3A_348 = tpu.memref_slice %dma_start3A_346[%run_scoped3A_270, %dma_start3A_347] : memref<1x128xi32, #tpu.memory_space<vmem>> -> memref<1x128xi32, #tpu.memory_space<vmem>>
            %dma_start3A_349 = tpu.memref_squeeze %dma_start3A_348 : memref<1x128xi32, #tpu.memory_space<vmem>> -> memref<128xi32, #tpu.memory_space<vmem>>
            %dma_start3A_350 = arith.constant 0 : i32
            %dma_start3A_351 = arith.constant 0 : i32
            %dma_start3A_352 = tpu.memref_slice %arg7[%dma_start3A_350, %dma_start3A_351] : memref<4224x128xf32, #tpu.memory_space<hbm>> -> memref<4224x128xf32, #tpu.memory_space<hbm>>
            tpu.enqueue_indirect_dma source(%dma_start3A_342 : memref<128x128xf32, #tpu.memory_space<vmem>>) target(%dma_start3A_352 : memref<4224x128xf32, #tpu.memory_space<hbm>>) offsets(%dma_start3A_349 : memref<128xi32, #tpu.memory_space<vmem>>) semaphore(%run_scoped3A_338 : memref<!tpu.dma_semaphore, #tpu.memory_space<semaphore_mem>>)
            %dma_wait3A = arith.constant 0 : i32
            %dma_wait3A_353 = arith.constant 0 : i32
            %dma_wait3A_354 = tpu.memref_slice %run_scoped3A[%rem3A_267, %dma_wait3A, %dma_wait3A_353] : memref<2x128x128xf32, #tpu.memory_space<vmem>> -> memref<1x128x128xf32, #tpu.memory_space<vmem>>
            %dma_wait3A_355 = tpu.memref_squeeze %dma_wait3A_354 : memref<1x128x128xf32, #tpu.memory_space<vmem>> -> memref<128x128xf32, #tpu.memory_space<vmem>>
            %dma_wait3A_356 = arith.constant 0 : i32
            %dma_wait3A_357 = arith.constant 0 : i32
            %dma_wait3A_358 = tpu.memref_slice %run_scoped3A_27[%rem3A_269, %dma_wait3A_356, %dma_wait3A_357] : memref<2x1x128xi32, #tpu.memory_space<vmem>> -> memref<1x1x128xi32, #tpu.memory_space<vmem>>
            %dma_wait3A_359 = tpu.memref_squeeze %dma_wait3A_358 : memref<1x1x128xi32, #tpu.memory_space<vmem>> -> memref<1x128xi32, #tpu.memory_space<vmem>>
            %dma_wait3A_360 = arith.constant 0 : i32
            %dma_wait3A_361 = tpu.memref_slice %dma_wait3A_359[%run_scoped3A_270, %dma_wait3A_360] : memref<1x128xi32, #tpu.memory_space<vmem>> -> memref<1x128xi32, #tpu.memory_space<vmem>>
            %dma_wait3A_362 = tpu.memref_squeeze %dma_wait3A_361 : memref<1x128xi32, #tpu.memory_space<vmem>> -> memref<128xi32, #tpu.memory_space<vmem>>
            %dma_wait3A_363 = arith.constant 0 : i32
            %dma_wait3A_364 = arith.constant 0 : i32
            %dma_wait3A_365 = tpu.memref_slice %arg7[%dma_wait3A_363, %dma_wait3A_364] : memref<4224x128xf32, #tpu.memory_space<hbm>> -> memref<4224x128xf32, #tpu.memory_space<hbm>>
            tpu.wait_indirect_dma semaphore(%run_scoped3A_338 : memref<!tpu.dma_semaphore, #tpu.memory_space<semaphore_mem>>) src(%dma_wait3A_355 : memref<128x128xf32, #tpu.memory_space<vmem>>) dst(%dma_wait3A_365 : memref<4224x128xf32, #tpu.memory_space<hbm>>)
            tpu.yield
          }) : () -> ()
          "tpu.trace_stop"() : () -> ()
          %ne3A_271 = arith.cmpi ne, %add3A_188, %add3A_206 : i32
          %or3A_272 = arith.constant false
          %or3A_273 = arith.ori %or3A_272, %ne3A_271 : i1
          %or3A_274 = arith.constant false
          %or3A_275 = arith.ori %or3A_273, %or3A_274 : i1
          %or3A_276 = arith.ori %or3A_275, %eq3A_187 : i1
          %convert_element_type3A_277 = arith.extui %or3A_276 : i1 to i32
          %cond3A_278 = arith.constant 0 : i32
          %cond3A_279 = arith.cmpi ne, %convert_element_type3A_277, %cond3A_278 : i32
          scf.if %cond3A_279 {
          } else {
          }
          %and3A_280 = arith.constant false
          %and3A_281 = arith.andi %or3A_276, %and3A_280 : i1
          %ne3A_282 = arith.cmpi ne, %add3A_188, %add3A_206 : i32
          %or3A_283 = arith.constant false
          %or3A_284 = arith.ori %or3A_283, %ne3A_282 : i1
          %or3A_285 = arith.ori %or3A_284, %eq3A_187 : i1
          %convert_element_type3A_286 = arith.extui %or3A_285 : i1 to i32
          %cond3A_287 = arith.constant 0 : i32
          %cond3A_288 = arith.cmpi ne, %convert_element_type3A_286, %cond3A_287 : i32
          scf.if %cond3A_288 {
          } else {
          }
          %and3A_289 = arith.constant false
          %and3A_290 = arith.andi %or3A_285, %and3A_289 : i1
          %ne3A_291 = arith.cmpi ne, %add3A_188, %add3A_198 : i32
          %or3A_292 = arith.constant false
          %or3A_293 = arith.ori %or3A_292, %ne3A_291 : i1
          %or3A_294 = arith.constant false
          %or3A_295 = arith.ori %or3A_293, %or3A_294 : i1
          %not3A_296 = arith.constant true
          %not3A_297 = arith.xori %eq3A_184, %not3A_296 : i1
          %and3A_298 = arith.andi %or3A_295, %not3A_297 : i1
          %convert_element_type3A_299 = arith.extui %and3A_298 : i1 to i32
          %cond3A_300 = arith.constant 0 : i32
          %cond3A_301 = arith.cmpi ne, %convert_element_type3A_299, %cond3A_300 : i32
          scf.if %cond3A_301 {
          } else {
          }
          %and3A_302 = arith.constant false
          %and3A_303 = arith.andi %and3A_298, %and3A_302 : i1
          %ne3A_304 = arith.cmpi ne, %add3A_188, %add3A_198 : i32
          %or3A_305 = arith.constant false
          %or3A_306 = arith.ori %or3A_305, %ne3A_304 : i1
          %not3A_307 = arith.constant true
          %not3A_308 = arith.xori %eq3A_184, %not3A_307 : i1
          %and3A_309 = arith.andi %or3A_306, %not3A_308 : i1
          %convert_element_type3A_310 = arith.extui %and3A_309 : i1 to i32
          %cond3A_311 = arith.constant 0 : i32
          %cond3A_312 = arith.cmpi ne, %convert_element_type3A_310, %cond3A_311 : i32
          scf.if %cond3A_312 {
          } else {
          }
          %and3A_313 = arith.constant false
          %and3A_314 = arith.andi %and3A_309, %and3A_313 : i1
          %ne3A_315 = arith.cmpi ne, %add3A_188, %add3A_206 : i32
          %or3A_316 = arith.constant false
          %or3A_317 = arith.ori %or3A_316, %ne3A_315 : i1
          %or3A_318 = arith.constant false
          %or3A_319 = arith.ori %or3A_317, %or3A_318 : i1
          %or3A_320 = arith.ori %or3A_319, %eq3A_187 : i1
          %add3A_321 = arith.constant 1 : i32
          %add3A_322 = arith.addi %while3A_177, %add3A_321 : i32
          %select_n3A_323 = arith.select %or3A_320, %add3A_322, %while3A_177 : i32
          %ne3A_324 = arith.cmpi ne, %add3A_188, %add3A_206 : i32
          %or3A_325 = arith.constant false
          %or3A_326 = arith.ori %or3A_325, %ne3A_324 : i1
          %or3A_327 = arith.ori %or3A_326, %eq3A_187 : i1
          %add3A_328 = arith.constant 1 : i32
          %add3A_329 = arith.addi %while3A_179, %add3A_328 : i32
          %select_n3A_330 = arith.select %or3A_327, %add3A_329, %while3A_179 : i32
          %add3A_331 = arith.constant 1 : i32
          %add3A_332 = arith.addi %while3A_180, %add3A_331 : i32
          %select_n3A_333 = arith.constant true
          %select_n3A_334 = arith.select %select_n3A_333, %add3A_332, %while3A_180 : i32
          %eq3A_335 = arith.cmpi eq, %select_n3A_334, %select_n3A : i32
          %select_n3A_336 = arith.constant 0 : i32
          %select_n3A_337 = arith.select %eq3A_335, %select_n3A_336, %select_n3A_334 : i32
          scf.yield %select_n3A_230, %select_n3A_323, %select_n3A_249, %select_n3A_330, %select_n3A_337 : i32, i32, i32, i32, i32
        }
        %while3A_122 = arith.constant 1 : i32
        %while3A_123:5 = scf.for %while3A_175 = %while3A_119 to %while3A_115 step %while3A_122 iter_args(%while3A_176 = %while3A_121#0, %while3A_177 = %while3A_121#1, %while3A_178 = %while3A_121#2, %while3A_179 = %while3A_121#3, %while3A_180 = %while3A_121#4) -> (i32, i32, i32, i32, i32)  : i32 {
          %mul3A_181 = arith.constant 1 : i32
          %mul3A_182 = arith.muli %mul3A_181, %select_n3A : i32
          %eq3A_183 = arith.constant 0 : i32
          %eq3A_184 = arith.cmpi eq, %while3A_175, %eq3A_183 : i32
          %sub3A_185 = arith.constant 1 : i32
          %sub3A_186 = arith.subi %mul3A_182, %sub3A_185 : i32
          %eq3A_187 = arith.cmpi eq, %while3A_175, %sub3A_186 : i32
          %add3A_188 = arith.addi %while3A_180, %select_n3A_23 : i32
          %sub3A_189 = arith.constant 1 : i32
          %sub3A_190 = arith.subi %while3A_180, %sub3A_189 : i32
          %select_n3A_191 = arith.constant true
          %select_n3A_192 = arith.select %select_n3A_191, %sub3A_190, %while3A_180 : i32
          %eq3A_193 = arith.constant -1 : i32
          %eq3A_194 = arith.cmpi eq, %select_n3A_192, %eq3A_193 : i32
          %sub3A_195 = arith.constant 1 : i32
          %sub3A_196 = arith.subi %select_n3A, %sub3A_195 : i32
          %select_n3A_197 = arith.select %eq3A_194, %sub3A_196, %select_n3A_192 : i32
          %add3A_198 = arith.addi %select_n3A_197, %select_n3A_23 : i32
          %add3A_199 = arith.constant 1 : i32
          %add3A_200 = arith.addi %while3A_180, %add3A_199 : i32
          %select_n3A_201 = arith.constant true
          %select_n3A_202 = arith.select %select_n3A_201, %add3A_200, %while3A_180 : i32
          %eq3A_203 = arith.cmpi eq, %select_n3A_202, %select_n3A : i32
          %select_n3A_204 = arith.constant 0 : i32
          %select_n3A_205 = arith.select %eq3A_203, %select_n3A_204, %select_n3A_202 : i32
          %add3A_206 = arith.addi %select_n3A_205, %select_n3A_23 : i32
          %add3A_207 = arith.constant 1 : i32
          %add3A_208 = arith.addi %select_n3A_205, %add3A_207 : i32
          %select_n3A_209 = arith.constant true
          %select_n3A_210 = arith.select %select_n3A_209, %add3A_208, %select_n3A_205 : i32
          %eq3A_211 = arith.cmpi eq, %select_n3A_210, %select_n3A : i32
          %select_n3A_212 = arith.constant 0 : i32
          %select_n3A_213 = arith.select %eq3A_211, %select_n3A_212, %select_n3A_210 : i32
          %add3A_214 = arith.addi %select_n3A_213, %select_n3A_23 : i32
          %ne3A = arith.cmpi ne, %add3A_188, %add3A_206 : i32
          %or3A = arith.constant false
          %or3A_215 = arith.ori %or3A, %ne3A : i1
          %or3A_216 = arith.constant false
          %or3A_217 = arith.ori %or3A_215, %or3A_216 : i1
          %sub3A_218 = arith.constant 2 : i32
          %sub3A_219 = arith.subi %mul3A_182, %sub3A_218 : i32
          %add3A_220 = arith.constant 1 : i32
          %add3A_221 = arith.addi %sub3A_219, %add3A_220 : i32
          %ge3A = arith.cmpi sge, %while3A_175, %add3A_221 : i32
          %not3A = arith.constant true
          %not3A_222 = arith.xori %ge3A, %not3A : i1
          %and3A = arith.andi %or3A_217, %not3A_222 : i1
          %convert_element_type3A_223 = arith.extui %and3A : i1 to i32
          %cond3A_224 = arith.constant 0 : i32
          %cond3A_225 = arith.cmpi ne, %convert_element_type3A_223, %cond3A_224 : i32
          scf.if %cond3A_225 {
            "tpu.trace_start"() <{level = 10 : i32, message = "ep_copy_in"}> : () -> ()
            %rem3A_338 = arith.constant 2 : i32
            %rem3A_339 = arith.remui %while3A_176, %rem3A_338 : i32
            %mul3A_340 = arith.constant 128 : i32
            %mul3A_341 = arith.muli %mul3A_340, %add3A_206 : i32
            %dma_start3A_342 = arith.constant 0 : i32
            %dma_start3A_343 = arith.constant 0 : i32
            %dma_start3A_344 = tpu.memref_slice %run_scoped3A[%rem3A_339, %dma_start3A_342, %dma_start3A_343] : memref<2x128x128xf32, #tpu.memory_space<vmem>> -> memref<1x128x128xf32, #tpu.memory_space<vmem>>
            %dma_start3A_345 = tpu.memref_squeeze %dma_start3A_344 : memref<1x128x128xf32, #tpu.memory_space<vmem>> -> memref<128x128xf32, #tpu.memory_space<vmem>>
            %dma_start3A_346 = arith.constant 0 : i32
            %dma_start3A_347 = tpu.memref_slice %arg3[%mul3A_341, %dma_start3A_346] : memref<2048x128xf32, #tpu.memory_space<hbm>> -> memref<128x128xf32, #tpu.memory_space<hbm>>
            %dma_start3A_348 = tpu.memref_slice %run_scoped3A_26[%rem3A_339] : memref<2x!tpu.dma_semaphore, #tpu.memory_space<semaphore_mem>> -> memref<1x!tpu.dma_semaphore, #tpu.memory_space<semaphore_mem>>
            %dma_start3A_349 = tpu.memref_squeeze %dma_start3A_348 : memref<1x!tpu.dma_semaphore, #tpu.memory_space<semaphore_mem>> -> memref<!tpu.dma_semaphore, #tpu.memory_space<semaphore_mem>>
            %dma_start3A_350 = arith.constant 0 : i32
            %dma_start3A_351 = arith.constant 0 : i32
            %dma_start3A_352 = tpu.memref_slice %run_scoped3A[%rem3A_339, %dma_start3A_350, %dma_start3A_351] : memref<2x128x128xf32, #tpu.memory_space<vmem>> -> memref<1x128x128xf32, #tpu.memory_space<vmem>>
            %dma_start3A_353 = tpu.memref_squeeze %dma_start3A_352 : memref<1x128x128xf32, #tpu.memory_space<vmem>> -> memref<128x128xf32, #tpu.memory_space<vmem>>
            %dma_start3A_354 = arith.constant 0 : i32
            %dma_start3A_355 = tpu.memref_slice %arg3[%mul3A_341, %dma_start3A_354] : memref<2048x128xf32, #tpu.memory_space<hbm>> -> memref<128x128xf32, #tpu.memory_space<hbm>>
            tpu.enqueue_dma source(%dma_start3A_355 : memref<128x128xf32, #tpu.memory_space<hbm>>) target(%dma_start3A_353 : memref<128x128xf32, #tpu.memory_space<vmem>>) target_semaphore(%dma_start3A_349 : memref<!tpu.dma_semaphore, #tpu.memory_space<semaphore_mem>>)
            "tpu.trace_stop"() : () -> ()
          } else {
          }
          %and3A_226 = arith.constant true
          %and3A_227 = arith.andi %and3A, %and3A_226 : i1
          %add3A_228 = arith.constant 1 : i32
          %add3A_229 = arith.addi %while3A_176, %add3A_228 : i32
          %select_n3A_230 = arith.select %and3A_227, %add3A_229, %while3A_176 : i32
          %ne3A_231 = arith.cmpi ne, %add3A_188, %add3A_206 : i32
          %or3A_232 = arith.constant false
          %or3A_233 = arith.ori %or3A_232, %ne3A_231 : i1
          %sub3A_234 = arith.constant 2 : i32
          %sub3A_235 = arith.subi %mul3A_182, %sub3A_234 : i32
          %add3A_236 = arith.constant 1 : i32
          %add3A_237 = arith.addi %sub3A_235, %add3A_236 : i32
          %ge3A_238 = arith.cmpi sge, %while3A_175, %add3A_237 : i32
          %not3A_239 = arith.constant true
          %not3A_240 = arith.xori %ge3A_238, %not3A_239 : i1
          %and3A_241 = arith.andi %or3A_233, %not3A_240 : i1
          %convert_element_type3A_242 = arith.extui %and3A_241 : i1 to i32
          %cond3A_243 = arith.constant 0 : i32
          %cond3A_244 = arith.cmpi ne, %convert_element_type3A_242, %cond3A_243 : i32
          scf.if %cond3A_244 {
            "tpu.trace_start"() <{level = 10 : i32, message = "ep_copy_in"}> : () -> ()
            %rem3A_338 = arith.constant 2 : i32
            %rem3A_339 = arith.remui %while3A_178, %rem3A_338 : i32
            %mul3A_340 = arith.constant 128 : i32
            %mul3A_341 = arith.muli %mul3A_340, %add3A_206 : i32
            %dma_start3A_342 = arith.constant 0 : i32
            %dma_start3A_343 = arith.constant 0 : i32
            %dma_start3A_344 = tpu.memref_slice %run_scoped3A_27[%rem3A_339, %dma_start3A_342, %dma_start3A_343] : memref<2x1x128xi32, #tpu.memory_space<vmem>> -> memref<1x1x128xi32, #tpu.memory_space<vmem>>
            %dma_start3A_345 = tpu.memref_squeeze %dma_start3A_344 : memref<1x1x128xi32, #tpu.memory_space<vmem>> -> memref<1x128xi32, #tpu.memory_space<vmem>>
            %dma_start3A_346 = arith.constant 0 : i32
            %dma_start3A_347 = tpu.memref_slice %arg5[%dma_start3A_346, %mul3A_341] : memref<1x2048xi32, #tpu.memory_space<hbm>> -> memref<1x128xi32, #tpu.memory_space<hbm>>
            %dma_start3A_348 = tpu.memref_slice %run_scoped3A_28[%rem3A_339] : memref<2x!tpu.dma_semaphore, #tpu.memory_space<semaphore_mem>> -> memref<1x!tpu.dma_semaphore, #tpu.memory_space<semaphore_mem>>
            %dma_start3A_349 = tpu.memref_squeeze %dma_start3A_348 : memref<1x!tpu.dma_semaphore, #tpu.memory_space<semaphore_mem>> -> memref<!tpu.dma_semaphore, #tpu.memory_space<semaphore_mem>>
            %dma_start3A_350 = arith.constant 0 : i32
            %dma_start3A_351 = arith.constant 0 : i32
            %dma_start3A_352 = tpu.memref_slice %run_scoped3A_27[%rem3A_339, %dma_start3A_350, %dma_start3A_351] : memref<2x1x128xi32, #tpu.memory_space<vmem>> -> memref<1x1x128xi32, #tpu.memory_space<vmem>>
            %dma_start3A_353 = tpu.memref_squeeze %dma_start3A_352 : memref<1x1x128xi32, #tpu.memory_space<vmem>> -> memref<1x128xi32, #tpu.memory_space<vmem>>
            %dma_start3A_354 = arith.constant 0 : i32
            %dma_start3A_355 = tpu.memref_slice %arg5[%dma_start3A_354, %mul3A_341] : memref<1x2048xi32, #tpu.memory_space<hbm>> -> memref<1x128xi32, #tpu.memory_space<hbm>>
            tpu.enqueue_dma source(%dma_start3A_355 : memref<1x128xi32, #tpu.memory_space<hbm>>) target(%dma_start3A_353 : memref<1x128xi32, #tpu.memory_space<vmem>>) target_semaphore(%dma_start3A_349 : memref<!tpu.dma_semaphore, #tpu.memory_space<semaphore_mem>>)
            "tpu.trace_stop"() : () -> ()
          } else {
          }
          %and3A_245 = arith.constant true
          %and3A_246 = arith.andi %and3A_241, %and3A_245 : i1
          %add3A_247 = arith.constant 1 : i32
          %add3A_248 = arith.addi %while3A_178, %add3A_247 : i32
          %select_n3A_249 = arith.select %and3A_246, %add3A_248, %while3A_178 : i32
          %ne3A_250 = arith.cmpi ne, %add3A_188, %add3A_198 : i32
          %or3A_251 = arith.constant false
          %or3A_252 = arith.ori %or3A_251, %ne3A_250 : i1
          %or3A_253 = arith.constant false
          %or3A_254 = arith.ori %or3A_252, %or3A_253 : i1
          %or3A_255 = arith.ori %or3A_254, %eq3A_184 : i1
          %convert_element_type3A_256 = arith.extui %or3A_255 : i1 to i32
          %cond3A_257 = arith.constant 0 : i32
          %cond3A_258 = arith.cmpi ne, %convert_element_type3A_256, %cond3A_257 : i32
          scf.if %cond3A_258 {
            "tpu.trace_start"() <{level = 10 : i32, message = "ep_wait_in"}> : () -> ()
            %mul3A_338 = arith.constant 128 : i32
            %mul3A_339 = arith.muli %mul3A_338, %add3A_188 : i32
            %rem3A_340 = arith.constant 2 : i32
            %rem3A_341 = arith.remui %while3A_177, %rem3A_340 : i32
            %dma_wait3A = arith.constant 0 : i32
            %dma_wait3A_342 = arith.constant 0 : i32
            %dma_wait3A_343 = tpu.memref_slice %run_scoped3A[%rem3A_341, %dma_wait3A, %dma_wait3A_342] : memref<2x128x128xf32, #tpu.memory_space<vmem>> -> memref<1x128x128xf32, #tpu.memory_space<vmem>>
            %dma_wait3A_344 = tpu.memref_squeeze %dma_wait3A_343 : memref<1x128x128xf32, #tpu.memory_space<vmem>> -> memref<128x128xf32, #tpu.memory_space<vmem>>
            %dma_wait3A_345 = arith.constant 0 : i32
            %dma_wait3A_346 = tpu.memref_slice %arg3[%mul3A_339, %dma_wait3A_345] : memref<2048x128xf32, #tpu.memory_space<hbm>> -> memref<128x128xf32, #tpu.memory_space<hbm>>
            %dma_wait3A_347 = tpu.memref_slice %run_scoped3A_26[%rem3A_341] : memref<2x!tpu.dma_semaphore, #tpu.memory_space<semaphore_mem>> -> memref<1x!tpu.dma_semaphore, #tpu.memory_space<semaphore_mem>>
            %dma_wait3A_348 = tpu.memref_squeeze %dma_wait3A_347 : memref<1x!tpu.dma_semaphore, #tpu.memory_space<semaphore_mem>> -> memref<!tpu.dma_semaphore, #tpu.memory_space<semaphore_mem>>
            %dma_wait3A_349 = arith.constant 0 : i32
            %dma_wait3A_350 = arith.constant 0 : i32
            %dma_wait3A_351 = tpu.memref_slice %run_scoped3A[%rem3A_341, %dma_wait3A_349, %dma_wait3A_350] : memref<2x128x128xf32, #tpu.memory_space<vmem>> -> memref<1x128x128xf32, #tpu.memory_space<vmem>>
            %dma_wait3A_352 = tpu.memref_squeeze %dma_wait3A_351 : memref<1x128x128xf32, #tpu.memory_space<vmem>> -> memref<128x128xf32, #tpu.memory_space<vmem>>
            %dma_wait3A_353 = arith.constant 0 : i32
            %dma_wait3A_354 = tpu.memref_slice %arg3[%mul3A_339, %dma_wait3A_353] : memref<2048x128xf32, #tpu.memory_space<hbm>> -> memref<128x128xf32, #tpu.memory_space<hbm>>
            tpu.wait_dma2 semaphore(%dma_wait3A_348 : memref<!tpu.dma_semaphore, #tpu.memory_space<semaphore_mem>>) src(%dma_wait3A_354 : memref<128x128xf32, #tpu.memory_space<hbm>>) dst(%dma_wait3A_352 : memref<128x128xf32, #tpu.memory_space<vmem>>)
            "tpu.trace_stop"() : () -> ()
          } else {
          }
          %ne3A_259 = arith.cmpi ne, %add3A_188, %add3A_198 : i32
          %or3A_260 = arith.constant false
          %or3A_261 = arith.ori %or3A_260, %ne3A_259 : i1
          %or3A_262 = arith.ori %or3A_261, %eq3A_184 : i1
          %convert_element_type3A_263 = arith.extui %or3A_262 : i1 to i32
          %cond3A_264 = arith.constant 0 : i32
          %cond3A_265 = arith.cmpi ne, %convert_element_type3A_263, %cond3A_264 : i32
          scf.if %cond3A_265 {
            "tpu.trace_start"() <{level = 10 : i32, message = "ep_wait_in"}> : () -> ()
            %mul3A_338 = arith.constant 128 : i32
            %mul3A_339 = arith.muli %mul3A_338, %add3A_188 : i32
            %rem3A_340 = arith.constant 2 : i32
            %rem3A_341 = arith.remui %while3A_179, %rem3A_340 : i32
            %dma_wait3A = arith.constant 0 : i32
            %dma_wait3A_342 = arith.constant 0 : i32
            %dma_wait3A_343 = tpu.memref_slice %run_scoped3A_27[%rem3A_341, %dma_wait3A, %dma_wait3A_342] : memref<2x1x128xi32, #tpu.memory_space<vmem>> -> memref<1x1x128xi32, #tpu.memory_space<vmem>>
            %dma_wait3A_344 = tpu.memref_squeeze %dma_wait3A_343 : memref<1x1x128xi32, #tpu.memory_space<vmem>> -> memref<1x128xi32, #tpu.memory_space<vmem>>
            %dma_wait3A_345 = arith.constant 0 : i32
            %dma_wait3A_346 = tpu.memref_slice %arg5[%dma_wait3A_345, %mul3A_339] : memref<1x2048xi32, #tpu.memory_space<hbm>> -> memref<1x128xi32, #tpu.memory_space<hbm>>
            %dma_wait3A_347 = tpu.memref_slice %run_scoped3A_28[%rem3A_341] : memref<2x!tpu.dma_semaphore, #tpu.memory_space<semaphore_mem>> -> memref<1x!tpu.dma_semaphore, #tpu.memory_space<semaphore_mem>>
            %dma_wait3A_348 = tpu.memref_squeeze %dma_wait3A_347 : memref<1x!tpu.dma_semaphore, #tpu.memory_space<semaphore_mem>> -> memref<!tpu.dma_semaphore, #tpu.memory_space<semaphore_mem>>
            %dma_wait3A_349 = arith.constant 0 : i32
            %dma_wait3A_350 = arith.constant 0 : i32
            %dma_wait3A_351 = tpu.memref_slice %run_scoped3A_27[%rem3A_341, %dma_wait3A_349, %dma_wait3A_350] : memref<2x1x128xi32, #tpu.memory_space<vmem>> -> memref<1x1x128xi32, #tpu.memory_space<vmem>>
            %dma_wait3A_352 = tpu.memref_squeeze %dma_wait3A_351 : memref<1x1x128xi32, #tpu.memory_space<vmem>> -> memref<1x128xi32, #tpu.memory_space<vmem>>
            %dma_wait3A_353 = arith.constant 0 : i32
            %dma_wait3A_354 = tpu.memref_slice %arg5[%dma_wait3A_353, %mul3A_339] : memref<1x2048xi32, #tpu.memory_space<hbm>> -> memref<1x128xi32, #tpu.memory_space<hbm>>
            tpu.wait_dma2 semaphore(%dma_wait3A_348 : memref<!tpu.dma_semaphore, #tpu.memory_space<semaphore_mem>>) src(%dma_wait3A_354 : memref<1x128xi32, #tpu.memory_space<hbm>>) dst(%dma_wait3A_352 : memref<1x128xi32, #tpu.memory_space<vmem>>)
            "tpu.trace_stop"() : () -> ()
          } else {
          }
          %rem3A_266 = arith.constant 2 : i32
          %rem3A_267 = arith.remui %while3A_177, %rem3A_266 : i32
          %rem3A_268 = arith.constant 2 : i32
          %rem3A_269 = arith.remui %while3A_179, %rem3A_268 : i32
          %run_scoped3A_270 = arith.constant 0 : i32
          "tpu.trace_start"() <{level = 10 : i32, message = "ep_run_kernel"}> : () -> ()
          "tpu.region"() ({
            %run_scoped3A_338 = tpu.sem_alloc : memref<!tpu.dma_semaphore, #tpu.memory_space<semaphore_mem>>
            %dma_start3A_339 = arith.constant 0 : i32
            %dma_start3A_340 = arith.constant 0 : i32
            %dma_start3A_341 = tpu.memref_slice %run_scoped3A[%rem3A_267, %dma_start3A_339, %dma_start3A_340] : memref<2x128x128xf32, #tpu.memory_space<vmem>> -> memref<1x128x128xf32, #tpu.memory_space<vmem>>
            %dma_start3A_342 = tpu.memref_squeeze %dma_start3A_341 : memref<1x128x128xf32, #tpu.memory_space<vmem>> -> memref<128x128xf32, #tpu.memory_space<vmem>>
            %dma_start3A_343 = arith.constant 0 : i32
            %dma_start3A_344 = arith.constant 0 : i32
            %dma_start3A_345 = tpu.memref_slice %run_scoped3A_27[%rem3A_269, %dma_start3A_343, %dma_start3A_344] : memref<2x1x128xi32, #tpu.memory_space<vmem>> -> memref<1x1x128xi32, #tpu.memory_space<vmem>>
            %dma_start3A_346 = tpu.memref_squeeze %dma_start3A_345 : memref<1x1x128xi32, #tpu.memory_space<vmem>> -> memref<1x128xi32, #tpu.memory_space<vmem>>
            %dma_start3A_347 = arith.constant 0 : i32
            %dma_start3A_348 = tpu.memref_slice %dma_start3A_346[%run_scoped3A_270, %dma_start3A_347] : memref<1x128xi32, #tpu.memory_space<vmem>> -> memref<1x128xi32, #tpu.memory_space<vmem>>
            %dma_start3A_349 = tpu.memref_squeeze %dma_start3A_348 : memref<1x128xi32, #tpu.memory_space<vmem>> -> memref<128xi32, #tpu.memory_space<vmem>>
            %dma_start3A_350 = arith.constant 0 : i32
            %dma_start3A_351 = arith.constant 0 : i32
            %dma_start3A_352 = tpu.memref_slice %arg7[%dma_start3A_350, %dma_start3A_351] : memref<4224x128xf32, #tpu.memory_space<hbm>> -> memref<4224x128xf32, #tpu.memory_space<hbm>>
            tpu.enqueue_indirect_dma source(%dma_start3A_342 : memref<128x128xf32, #tpu.memory_space<vmem>>) target(%dma_start3A_352 : memref<4224x128xf32, #tpu.memory_space<hbm>>) offsets(%dma_start3A_349 : memref<128xi32, #tpu.memory_space<vmem>>) semaphore(%run_scoped3A_338 : memref<!tpu.dma_semaphore, #tpu.memory_space<semaphore_mem>>)
            %dma_wait3A = arith.constant 0 : i32
            %dma_wait3A_353 = arith.constant 0 : i32
            %dma_wait3A_354 = tpu.memref_slice %run_scoped3A[%rem3A_267, %dma_wait3A, %dma_wait3A_353] : memref<2x128x128xf32, #tpu.memory_space<vmem>> -> memref<1x128x128xf32, #tpu.memory_space<vmem>>
            %dma_wait3A_355 = tpu.memref_squeeze %dma_wait3A_354 : memref<1x128x128xf32, #tpu.memory_space<vmem>> -> memref<128x128xf32, #tpu.memory_space<vmem>>
            %dma_wait3A_356 = arith.constant 0 : i32
            %dma_wait3A_357 = arith.constant 0 : i32
            %dma_wait3A_358 = tpu.memref_slice %run_scoped3A_27[%rem3A_269, %dma_wait3A_356, %dma_wait3A_357] : memref<2x1x128xi32, #tpu.memory_space<vmem>> -> memref<1x1x128xi32, #tpu.memory_space<vmem>>
            %dma_wait3A_359 = tpu.memref_squeeze %dma_wait3A_358 : memref<1x1x128xi32, #tpu.memory_space<vmem>> -> memref<1x128xi32, #tpu.memory_space<vmem>>
            %dma_wait3A_360 = arith.constant 0 : i32
            %dma_wait3A_361 = tpu.memref_slice %dma_wait3A_359[%run_scoped3A_270, %dma_wait3A_360] : memref<1x128xi32, #tpu.memory_space<vmem>> -> memref<1x128xi32, #tpu.memory_space<vmem>>
            %dma_wait3A_362 = tpu.memref_squeeze %dma_wait3A_361 : memref<1x128xi32, #tpu.memory_space<vmem>> -> memref<128xi32, #tpu.memory_space<vmem>>
            %dma_wait3A_363 = arith.constant 0 : i32
            %dma_wait3A_364 = arith.constant 0 : i32
            %dma_wait3A_365 = tpu.memref_slice %arg7[%dma_wait3A_363, %dma_wait3A_364] : memref<4224x128xf32, #tpu.memory_space<hbm>> -> memref<4224x128xf32, #tpu.memory_space<hbm>>
            tpu.wait_indirect_dma semaphore(%run_scoped3A_338 : memref<!tpu.dma_semaphore, #tpu.memory_space<semaphore_mem>>) src(%dma_wait3A_355 : memref<128x128xf32, #tpu.memory_space<vmem>>) dst(%dma_wait3A_365 : memref<4224x128xf32, #tpu.memory_space<hbm>>)
            tpu.yield
          }) : () -> ()
          "tpu.trace_stop"() : () -> ()
          %ne3A_271 = arith.cmpi ne, %add3A_188, %add3A_206 : i32
          %or3A_272 = arith.constant false
          %or3A_273 = arith.ori %or3A_272, %ne3A_271 : i1
          %or3A_274 = arith.constant false
          %or3A_275 = arith.ori %or3A_273, %or3A_274 : i1
          %or3A_276 = arith.ori %or3A_275, %eq3A_187 : i1
          %convert_element_type3A_277 = arith.extui %or3A_276 : i1 to i32
          %cond3A_278 = arith.constant 0 : i32
          %cond3A_279 = arith.cmpi ne, %convert_element_type3A_277, %cond3A_278 : i32
          scf.if %cond3A_279 {
          } else {
          }
          %and3A_280 = arith.constant false
          %and3A_281 = arith.andi %or3A_276, %and3A_280 : i1
          %ne3A_282 = arith.cmpi ne, %add3A_188, %add3A_206 : i32
          %or3A_283 = arith.constant false
          %or3A_284 = arith.ori %or3A_283, %ne3A_282 : i1
          %or3A_285 = arith.ori %or3A_284, %eq3A_187 : i1
          %convert_element_type3A_286 = arith.extui %or3A_285 : i1 to i32
          %cond3A_287 = arith.constant 0 : i32
          %cond3A_288 = arith.cmpi ne, %convert_element_type3A_286, %cond3A_287 : i32
          scf.if %cond3A_288 {
          } else {
          }
          %and3A_289 = arith.constant false
          %and3A_290 = arith.andi %or3A_285, %and3A_289 : i1
          %ne3A_291 = arith.cmpi ne, %add3A_188, %add3A_198 : i32
          %or3A_292 = arith.constant false
          %or3A_293 = arith.ori %or3A_292, %ne3A_291 : i1
          %or3A_294 = arith.constant false
          %or3A_295 = arith.ori %or3A_293, %or3A_294 : i1
          %not3A_296 = arith.constant true
          %not3A_297 = arith.xori %eq3A_184, %not3A_296 : i1
          %and3A_298 = arith.andi %or3A_295, %not3A_297 : i1
          %convert_element_type3A_299 = arith.extui %and3A_298 : i1 to i32
          %cond3A_300 = arith.constant 0 : i32
          %cond3A_301 = arith.cmpi ne, %convert_element_type3A_299, %cond3A_300 : i32
          scf.if %cond3A_301 {
          } else {
          }
          %and3A_302 = arith.constant false
          %and3A_303 = arith.andi %and3A_298, %and3A_302 : i1
          %ne3A_304 = arith.cmpi ne, %add3A_188, %add3A_198 : i32
          %or3A_305 = arith.constant false
          %or3A_306 = arith.ori %or3A_305, %ne3A_304 : i1
          %not3A_307 = arith.constant true
          %not3A_308 = arith.xori %eq3A_184, %not3A_307 : i1
          %and3A_309 = arith.andi %or3A_306, %not3A_308 : i1
          %convert_element_type3A_310 = arith.extui %and3A_309 : i1 to i32
          %cond3A_311 = arith.constant 0 : i32
          %cond3A_312 = arith.cmpi ne, %convert_element_type3A_310, %cond3A_311 : i32
          scf.if %cond3A_312 {
          } else {
          }
          %and3A_313 = arith.constant false
          %and3A_314 = arith.andi %and3A_309, %and3A_313 : i1
          %ne3A_315 = arith.cmpi ne, %add3A_188, %add3A_206 : i32
          %or3A_316 = arith.constant false
          %or3A_317 = arith.ori %or3A_316, %ne3A_315 : i1
          %or3A_318 = arith.constant false
          %or3A_319 = arith.ori %or3A_317, %or3A_318 : i1
          %or3A_320 = arith.ori %or3A_319, %eq3A_187 : i1
          %add3A_321 = arith.constant 1 : i32
          %add3A_322 = arith.addi %while3A_177, %add3A_321 : i32
          %select_n3A_323 = arith.select %or3A_320, %add3A_322, %while3A_177 : i32
          %ne3A_324 = arith.cmpi ne, %add3A_188, %add3A_206 : i32
          %or3A_325 = arith.constant false
          %or3A_326 = arith.ori %or3A_325, %ne3A_324 : i1
          %or3A_327 = arith.ori %or3A_326, %eq3A_187 : i1
          %add3A_328 = arith.constant 1 : i32
          %add3A_329 = arith.addi %while3A_179, %add3A_328 : i32
          %select_n3A_330 = arith.select %or3A_327, %add3A_329, %while3A_179 : i32
          %add3A_331 = arith.constant 1 : i32
          %add3A_332 = arith.addi %while3A_180, %add3A_331 : i32
          %select_n3A_333 = arith.constant true
          %select_n3A_334 = arith.select %select_n3A_333, %add3A_332, %while3A_180 : i32
          %eq3A_335 = arith.cmpi eq, %select_n3A_334, %select_n3A : i32
          %select_n3A_336 = arith.constant 0 : i32
          %select_n3A_337 = arith.select %eq3A_335, %select_n3A_336, %select_n3A_334 : i32
          scf.yield %select_n3A_230, %select_n3A_323, %select_n3A_249, %select_n3A_330, %select_n3A_337 : i32, i32, i32, i32, i32
        }
        %sub3A_124 = arith.constant 1 : i32
        %sub3A_125 = arith.subi %while3A_123#4, %sub3A_124 : i32
        %select_n3A_126 = arith.constant true
        %select_n3A_127 = arith.select %select_n3A_126, %sub3A_125, %while3A_123#4 : i32
        %eq3A_128 = arith.constant -1 : i32
        %eq3A_129 = arith.cmpi eq, %select_n3A_127, %eq3A_128 : i32
        %sub3A_130 = arith.constant 1 : i32
        %sub3A_131 = arith.subi %select_n3A, %sub3A_130 : i32
        %select_n3A_132 = arith.select %eq3A_129, %sub3A_131, %select_n3A_127 : i32
        %sub3A_133 = arith.constant 1 : i32
        %sub3A_134 = arith.subi %mul3A_25, %sub3A_133 : i32
        %mul3A_135 = arith.constant 1 : i32
        %mul3A_136 = arith.muli %mul3A_135, %select_n3A : i32
        %eq3A_137 = arith.constant 0 : i32
        %eq3A_138 = arith.cmpi eq, %sub3A_134, %eq3A_137 : i32
        %sub3A_139 = arith.constant 1 : i32
        %sub3A_140 = arith.subi %mul3A_136, %sub3A_139 : i32
        %eq3A_141 = arith.cmpi eq, %sub3A_134, %sub3A_140 : i32
        %add3A_142 = arith.addi %select_n3A_132, %select_n3A_23 : i32
        %sub3A_143 = arith.constant 1 : i32
        %sub3A_144 = arith.subi %select_n3A_132, %sub3A_143 : i32
        %select_n3A_145 = arith.constant true
        %select_n3A_146 = arith.select %select_n3A_145, %sub3A_144, %select_n3A_132 : i32
        %eq3A_147 = arith.constant -1 : i32
        %eq3A_148 = arith.cmpi eq, %select_n3A_146, %eq3A_147 : i32
        %sub3A_149 = arith.constant 1 : i32
        %sub3A_150 = arith.subi %select_n3A, %sub3A_149 : i32
        %select_n3A_151 = arith.select %eq3A_148, %sub3A_150, %select_n3A_146 : i32
        %add3A_152 = arith.addi %select_n3A_151, %select_n3A_23 : i32
        %add3A_153 = arith.constant 1 : i32
        %add3A_154 = arith.addi %select_n3A_132, %add3A_153 : i32
        %select_n3A_155 = arith.constant true
        %select_n3A_156 = arith.select %select_n3A_155, %add3A_154, %select_n3A_132 : i32
        %eq3A_157 = arith.cmpi eq, %select_n3A_156, %select_n3A : i32
        %select_n3A_158 = arith.constant 0 : i32
        %select_n3A_159 = arith.select %eq3A_157, %select_n3A_158, %select_n3A_156 : i32
        %add3A_160 = arith.addi %select_n3A_159, %select_n3A_23 : i32
        %add3A_161 = arith.constant 1 : i32
        %add3A_162 = arith.addi %select_n3A_159, %add3A_161 : i32
        %select_n3A_163 = arith.constant true
        %select_n3A_164 = arith.select %select_n3A_163, %add3A_162, %select_n3A_159 : i32
        %eq3A_165 = arith.cmpi eq, %select_n3A_164, %select_n3A : i32
        %select_n3A_166 = arith.constant 0 : i32
        %select_n3A_167 = arith.select %eq3A_165, %select_n3A_166, %select_n3A_164 : i32
        %add3A_168 = arith.addi %select_n3A_167, %select_n3A_23 : i32
        %convert_element_type3A_169 = arith.extui %eq3A_141 : i1 to i32
        %cond3A_170 = arith.constant 0 : i32
        %cond3A_171 = arith.cmpi ne, %convert_element_type3A_169, %cond3A_170 : i32
        scf.if %cond3A_171 {
        } else {
        }
        %convert_element_type3A_172 = arith.extui %eq3A_141 : i1 to i32
        %cond3A_173 = arith.constant 0 : i32
        %cond3A_174 = arith.cmpi ne, %convert_element_type3A_172, %cond3A_173 : i32
        scf.if %cond3A_174 {
        } else {
        }
      } else {
      }
      tpu.yield
    }) : () -> ()
    return
  }
}

module attributes {stable_mosaic.version = 14 : i64} {
  func.func @_router_meta_kernel(%arg0: memref<2048x768xf32, #tpu.memory_space<vmem>>, %arg1: memref<768x64xf32, #tpu.memory_space<vmem>>, %arg2: memref<2048x2xi32, #tpu.memory_space<vmem>>, %arg3: memref<1x2048xi32, #tpu.memory_space<vmem>>, %arg4: memref<1x64xi32, #tpu.memory_space<vmem>>, %arg5: memref<1x64xi32, #tpu.memory_space<vmem>>, %arg6: memref<2048x128xf32, #tpu.memory_space<vmem>>) attributes {dimension_semantics = [], scalar_prefetch = 0 : i64, scratch_operands = 0 : i64, tpu.core_type = #tpu.core_type<tc>} {
    %get3A = arith.constant 0 : index
    %get3A_0 = arith.constant 0 : index
    %get3A_1 = vector.load %arg0[%get3A, %get3A_0] : memref<2048x768xf32, #tpu.memory_space<vmem>>, vector<2048x768xf32>
    %get3A_2 = arith.constant 0 : index
    %get3A_3 = arith.constant 0 : index
    %get3A_4 = vector.load %arg1[%get3A_2, %get3A_3] : memref<768x64xf32, #tpu.memory_space<vmem>>, vector<768x64xf32>
    %dot_general3A = arith.constant dense<0.000000e+00> : vector<2048x64xf32>
    %dot_general3A_5 = tpu.matmul %get3A_1, %get3A_4, %dot_general3A {dimension_numbers = #tpu.dot_dimension_numbers<[1], [0], [0], [1], [0, 0, 1, 1], [], []>, transpose_lhs_hint = false} : vector<2048x768xf32>, vector<768x64xf32>, vector<2048x64xf32> -> vector<2048x64xf32>
    %reduce_max3A = arith.constant dense<0xFF800000> : vector<2048xf32>
    %reduce_max3A_6 = vector.multi_reduction <maximumf>, %dot_general3A_5, %reduce_max3A [1] : vector<2048x64xf32> to vector<2048xf32>
    %broadcast_in_dim3A = vector.shape_cast %reduce_max3A_6 : vector<2048xf32> to vector<2048x1xf32>
    %sub3A = vector.broadcast %broadcast_in_dim3A : vector<2048x1xf32> to vector<2048x64xf32>
    %sub3A_7 = arith.subf %dot_general3A_5, %sub3A : vector<2048x64xf32>
    %exp3A = math.exp %sub3A_7 : vector<2048x64xf32>
    %reduce_sum3A = arith.constant dense<0.000000e+00> : vector<2048xf32>
    %reduce_sum3A_8 = vector.multi_reduction <add>, %exp3A, %reduce_sum3A [1] : vector<2048x64xf32> to vector<2048xf32>
    %broadcast_in_dim3A_9 = vector.shape_cast %reduce_sum3A_8 : vector<2048xf32> to vector<2048x1xf32>
    %div3A = vector.broadcast %broadcast_in_dim3A_9 : vector<2048x1xf32> to vector<2048x64xf32>
    %div3A_10 = arith.divf %exp3A, %div3A : vector<2048x64xf32>
    %reduce_max3A_11 = arith.constant dense<0xFF800000> : vector<2048xf32>
    %reduce_max3A_12 = vector.multi_reduction <maximumf>, %div3A_10, %reduce_max3A_11 [1] : vector<2048x64xf32> to vector<2048xf32>
    %broadcast_in_dim3A_13 = vector.shape_cast %reduce_max3A_12 : vector<2048xf32> to vector<2048x1xf32>
    %add3A = arith.constant 9.99999971E-10 : f32
    %add3A_14 = vector.broadcast %add3A : f32 to vector<2048x1xf32>
    %add3A_15 = arith.addf %broadcast_in_dim3A_13, %add3A_14 : vector<2048x1xf32>
    %div3A_16 = arith.divf %broadcast_in_dim3A_13, %add3A_15 : vector<2048x1xf32>
    %eq3A = vector.broadcast %broadcast_in_dim3A_13 : vector<2048x1xf32> to vector<2048x64xf32>
    %eq3A_17 = arith.cmpf oeq, %div3A_10, %eq3A : vector<2048x64xf32>
    %convert_element_type3A = arith.extui %eq3A_17 : vector<2048x64xi1> to vector<2048x64xi32>
    %convert_element_type3A_18 = arith.sitofp %convert_element_type3A : vector<2048x64xi32> to vector<2048x64xf32>
    %iota3A = tpu.iota {dimensions = array<i32: 0>} : vector<64x64xi32>
    %iota3A_19 = tpu.iota {dimensions = array<i32: 1>} : vector<64x64xi32>
    %le3A = arith.cmpi sle, %iota3A, %iota3A_19 : vector<64x64xi32>
    %convert_element_type3A_20 = arith.extui %le3A : vector<64x64xi1> to vector<64x64xi32>
    %convert_element_type3A_21 = arith.sitofp %convert_element_type3A_20 : vector<64x64xi32> to vector<64x64xf32>
    %dot_general3A_22 = arith.constant dense<0.000000e+00> : vector<2048x64xf32>
    %dot_general3A_23 = tpu.matmul %convert_element_type3A_18, %convert_element_type3A_21, %dot_general3A_22 {dimension_numbers = #tpu.dot_dimension_numbers<[1], [0], [0], [1], [0, 0, 1, 1], [], []>, transpose_lhs_hint = false} : vector<2048x64xf32>, vector<64x64xf32>, vector<2048x64xf32> -> vector<2048x64xf32>
    %eq3A_24 = arith.constant 1.000000e+00 : f32
    %eq3A_25 = vector.broadcast %eq3A_24 : f32 to vector<2048x64xf32>
    %eq3A_26 = arith.cmpf oeq, %dot_general3A_23, %eq3A_25 : vector<2048x64xf32>
    %convert_element_type3A_27 = arith.extui %eq3A_26 : vector<2048x64xi1> to vector<2048x64xi32>
    %convert_element_type3A_28 = arith.sitofp %convert_element_type3A_27 : vector<2048x64xi32> to vector<2048x64xf32>
    %mul3A = arith.mulf %convert_element_type3A_18, %convert_element_type3A_28 : vector<2048x64xf32>
    %reduce_sum3A_29 = arith.constant dense<0.000000e+00> : vector<64xf32>
    %reduce_sum3A_30 = vector.multi_reduction <add>, %mul3A, %reduce_sum3A_29 [0] : vector<2048x64xf32> to vector<64xf32>
    %broadcast_in_dim3A_31 = vector.shape_cast %reduce_sum3A_30 : vector<64xf32> to vector<1x64xf32>
    %div3A_32 = arith.constant 3.200000e+01 : f32
    %div3A_33 = vector.broadcast %div3A_32 : f32 to vector<1x64xf32>
    %div3A_34 = arith.divf %broadcast_in_dim3A_31, %div3A_33 : vector<1x64xf32>
    %ceil3A = math.ceil %div3A_34 : vector<1x64xf32>
    %mul3A_35 = arith.constant 3.200000e+01 : f32
    %mul3A_36 = vector.broadcast %mul3A_35 : f32 to vector<1x64xf32>
    %mul3A_37 = arith.mulf %ceil3A, %mul3A_36 : vector<1x64xf32>
    %lt3A = arith.cmpi slt, %iota3A, %iota3A_19 : vector<64x64xi32>
    %convert_element_type3A_38 = arith.extui %lt3A : vector<64x64xi1> to vector<64x64xi32>
    %convert_element_type3A_39 = arith.sitofp %convert_element_type3A_38 : vector<64x64xi32> to vector<64x64xf32>
    %dot_general3A_40 = arith.constant dense<0.000000e+00> : vector<1x64xf32>
    %dot_general3A_41 = tpu.matmul %mul3A_37, %convert_element_type3A_39, %dot_general3A_40 {dimension_numbers = #tpu.dot_dimension_numbers<[1], [0], [0], [1], [0, 0, 1, 1], [], []>, transpose_lhs_hint = false} : vector<1x64xf32>, vector<64x64xf32>, vector<1x64xf32> -> vector<1x64xf32>
    %iota3A_42 = tpu.iota {dimensions = array<i32: 1>} : vector<256x256xi32>
    %iota3A_43 = tpu.iota {dimensions = array<i32: 0>} : vector<256x256xi32>
    %le3A_44 = arith.cmpi sle, %iota3A_42, %iota3A_43 : vector<256x256xi32>
    %convert_element_type3A_45 = arith.extui %le3A_44 : vector<256x256xi1> to vector<256x256xi32>
    %convert_element_type3A_46 = arith.sitofp %convert_element_type3A_45 : vector<256x256xi32> to vector<256x256xf32>
    %broadcast_in_dim3A_47 = arith.constant 0.000000e+00 : f32
    %broadcast_in_dim3A_48 = vector.broadcast %broadcast_in_dim3A_47 : f32 to vector<1x64xf32>
    %slice3A = vector.extract_strided_slice %mul3A {offsets = [0, 0], sizes = [256, 64], strides = [1, 1]} : vector<2048x64xf32> to vector<256x64xf32>
    %dot_general3A_49 = arith.constant dense<0.000000e+00> : vector<256x64xf32>
    %dot_general3A_50 = tpu.matmul %convert_element_type3A_46, %slice3A, %dot_general3A_49 {dimension_numbers = #tpu.dot_dimension_numbers<[1], [0], [0], [1], [0, 0, 1, 1], [], []>, transpose_lhs_hint = false} : vector<256x256xf32>, vector<256x64xf32>, vector<256x64xf32> -> vector<256x64xf32>
    %add3A_51 = vector.broadcast %broadcast_in_dim3A_48 : vector<1x64xf32> to vector<256x64xf32>
    %add3A_52 = arith.addf %dot_general3A_50, %add3A_51 : vector<256x64xf32>
    %slice3A_53 = vector.extract_strided_slice %add3A_52 {offsets = [255, 0], sizes = [1, 64], strides = [1, 1]} : vector<256x64xf32> to vector<1x64xf32>
    %sub3A_54 = arith.constant 1.000000e+00 : f32
    %sub3A_55 = vector.broadcast %sub3A_54 : f32 to vector<256x64xf32>
    %sub3A_56 = arith.subf %add3A_52, %sub3A_55 : vector<256x64xf32>
    %add3A_57 = vector.broadcast %dot_general3A_41 : vector<1x64xf32> to vector<256x64xf32>
    %add3A_58 = arith.addf %sub3A_56, %add3A_57 : vector<256x64xf32>
    %mul3A_59 = arith.mulf %add3A_58, %slice3A : vector<256x64xf32>
    %reduce_sum3A_60 = arith.constant dense<0.000000e+00> : vector<256xf32>
    %reduce_sum3A_61 = vector.multi_reduction <add>, %mul3A_59, %reduce_sum3A_60 [1] : vector<256x64xf32> to vector<256xf32>
    %slice3A_62 = vector.extract_strided_slice %mul3A {offsets = [256, 0], sizes = [256, 64], strides = [1, 1]} : vector<2048x64xf32> to vector<256x64xf32>
    %dot_general3A_63 = arith.constant dense<0.000000e+00> : vector<256x64xf32>
    %dot_general3A_64 = tpu.matmul %convert_element_type3A_46, %slice3A_62, %dot_general3A_63 {dimension_numbers = #tpu.dot_dimension_numbers<[1], [0], [0], [1], [0, 0, 1, 1], [], []>, transpose_lhs_hint = false} : vector<256x256xf32>, vector<256x64xf32>, vector<256x64xf32> -> vector<256x64xf32>
    %add3A_65 = vector.broadcast %slice3A_53 : vector<1x64xf32> to vector<256x64xf32>
    %add3A_66 = arith.addf %dot_general3A_64, %add3A_65 : vector<256x64xf32>
    %slice3A_67 = vector.extract_strided_slice %add3A_66 {offsets = [255, 0], sizes = [1, 64], strides = [1, 1]} : vector<256x64xf32> to vector<1x64xf32>
    %sub3A_68 = arith.constant 1.000000e+00 : f32
    %sub3A_69 = vector.broadcast %sub3A_68 : f32 to vector<256x64xf32>
    %sub3A_70 = arith.subf %add3A_66, %sub3A_69 : vector<256x64xf32>
    %add3A_71 = vector.broadcast %dot_general3A_41 : vector<1x64xf32> to vector<256x64xf32>
    %add3A_72 = arith.addf %sub3A_70, %add3A_71 : vector<256x64xf32>
    %mul3A_73 = arith.mulf %add3A_72, %slice3A_62 : vector<256x64xf32>
    %reduce_sum3A_74 = arith.constant dense<0.000000e+00> : vector<256xf32>
    %reduce_sum3A_75 = vector.multi_reduction <add>, %mul3A_73, %reduce_sum3A_74 [1] : vector<256x64xf32> to vector<256xf32>
    %slice3A_76 = vector.extract_strided_slice %mul3A {offsets = [512, 0], sizes = [256, 64], strides = [1, 1]} : vector<2048x64xf32> to vector<256x64xf32>
    %dot_general3A_77 = arith.constant dense<0.000000e+00> : vector<256x64xf32>
    %dot_general3A_78 = tpu.matmul %convert_element_type3A_46, %slice3A_76, %dot_general3A_77 {dimension_numbers = #tpu.dot_dimension_numbers<[1], [0], [0], [1], [0, 0, 1, 1], [], []>, transpose_lhs_hint = false} : vector<256x256xf32>, vector<256x64xf32>, vector<256x64xf32> -> vector<256x64xf32>
    %add3A_79 = vector.broadcast %slice3A_67 : vector<1x64xf32> to vector<256x64xf32>
    %add3A_80 = arith.addf %dot_general3A_78, %add3A_79 : vector<256x64xf32>
    %slice3A_81 = vector.extract_strided_slice %add3A_80 {offsets = [255, 0], sizes = [1, 64], strides = [1, 1]} : vector<256x64xf32> to vector<1x64xf32>
    %sub3A_82 = arith.constant 1.000000e+00 : f32
    %sub3A_83 = vector.broadcast %sub3A_82 : f32 to vector<256x64xf32>
    %sub3A_84 = arith.subf %add3A_80, %sub3A_83 : vector<256x64xf32>
    %add3A_85 = vector.broadcast %dot_general3A_41 : vector<1x64xf32> to vector<256x64xf32>
    %add3A_86 = arith.addf %sub3A_84, %add3A_85 : vector<256x64xf32>
    %mul3A_87 = arith.mulf %add3A_86, %slice3A_76 : vector<256x64xf32>
    %reduce_sum3A_88 = arith.constant dense<0.000000e+00> : vector<256xf32>
    %reduce_sum3A_89 = vector.multi_reduction <add>, %mul3A_87, %reduce_sum3A_88 [1] : vector<256x64xf32> to vector<256xf32>
    %slice3A_90 = vector.extract_strided_slice %mul3A {offsets = [768, 0], sizes = [256, 64], strides = [1, 1]} : vector<2048x64xf32> to vector<256x64xf32>
    %dot_general3A_91 = arith.constant dense<0.000000e+00> : vector<256x64xf32>
    %dot_general3A_92 = tpu.matmul %convert_element_type3A_46, %slice3A_90, %dot_general3A_91 {dimension_numbers = #tpu.dot_dimension_numbers<[1], [0], [0], [1], [0, 0, 1, 1], [], []>, transpose_lhs_hint = false} : vector<256x256xf32>, vector<256x64xf32>, vector<256x64xf32> -> vector<256x64xf32>
    %add3A_93 = vector.broadcast %slice3A_81 : vector<1x64xf32> to vector<256x64xf32>
    %add3A_94 = arith.addf %dot_general3A_92, %add3A_93 : vector<256x64xf32>
    %slice3A_95 = vector.extract_strided_slice %add3A_94 {offsets = [255, 0], sizes = [1, 64], strides = [1, 1]} : vector<256x64xf32> to vector<1x64xf32>
    %sub3A_96 = arith.constant 1.000000e+00 : f32
    %sub3A_97 = vector.broadcast %sub3A_96 : f32 to vector<256x64xf32>
    %sub3A_98 = arith.subf %add3A_94, %sub3A_97 : vector<256x64xf32>
    %add3A_99 = vector.broadcast %dot_general3A_41 : vector<1x64xf32> to vector<256x64xf32>
    %add3A_100 = arith.addf %sub3A_98, %add3A_99 : vector<256x64xf32>
    %mul3A_101 = arith.mulf %add3A_100, %slice3A_90 : vector<256x64xf32>
    %reduce_sum3A_102 = arith.constant dense<0.000000e+00> : vector<256xf32>
    %reduce_sum3A_103 = vector.multi_reduction <add>, %mul3A_101, %reduce_sum3A_102 [1] : vector<256x64xf32> to vector<256xf32>
    %slice3A_104 = vector.extract_strided_slice %mul3A {offsets = [1024, 0], sizes = [256, 64], strides = [1, 1]} : vector<2048x64xf32> to vector<256x64xf32>
    %dot_general3A_105 = arith.constant dense<0.000000e+00> : vector<256x64xf32>
    %dot_general3A_106 = tpu.matmul %convert_element_type3A_46, %slice3A_104, %dot_general3A_105 {dimension_numbers = #tpu.dot_dimension_numbers<[1], [0], [0], [1], [0, 0, 1, 1], [], []>, transpose_lhs_hint = false} : vector<256x256xf32>, vector<256x64xf32>, vector<256x64xf32> -> vector<256x64xf32>
    %add3A_107 = vector.broadcast %slice3A_95 : vector<1x64xf32> to vector<256x64xf32>
    %add3A_108 = arith.addf %dot_general3A_106, %add3A_107 : vector<256x64xf32>
    %slice3A_109 = vector.extract_strided_slice %add3A_108 {offsets = [255, 0], sizes = [1, 64], strides = [1, 1]} : vector<256x64xf32> to vector<1x64xf32>
    %sub3A_110 = arith.constant 1.000000e+00 : f32
    %sub3A_111 = vector.broadcast %sub3A_110 : f32 to vector<256x64xf32>
    %sub3A_112 = arith.subf %add3A_108, %sub3A_111 : vector<256x64xf32>
    %add3A_113 = vector.broadcast %dot_general3A_41 : vector<1x64xf32> to vector<256x64xf32>
    %add3A_114 = arith.addf %sub3A_112, %add3A_113 : vector<256x64xf32>
    %mul3A_115 = arith.mulf %add3A_114, %slice3A_104 : vector<256x64xf32>
    %reduce_sum3A_116 = arith.constant dense<0.000000e+00> : vector<256xf32>
    %reduce_sum3A_117 = vector.multi_reduction <add>, %mul3A_115, %reduce_sum3A_116 [1] : vector<256x64xf32> to vector<256xf32>
    %slice3A_118 = vector.extract_strided_slice %mul3A {offsets = [1280, 0], sizes = [256, 64], strides = [1, 1]} : vector<2048x64xf32> to vector<256x64xf32>
    %dot_general3A_119 = arith.constant dense<0.000000e+00> : vector<256x64xf32>
    %dot_general3A_120 = tpu.matmul %convert_element_type3A_46, %slice3A_118, %dot_general3A_119 {dimension_numbers = #tpu.dot_dimension_numbers<[1], [0], [0], [1], [0, 0, 1, 1], [], []>, transpose_lhs_hint = false} : vector<256x256xf32>, vector<256x64xf32>, vector<256x64xf32> -> vector<256x64xf32>
    %add3A_121 = vector.broadcast %slice3A_109 : vector<1x64xf32> to vector<256x64xf32>
    %add3A_122 = arith.addf %dot_general3A_120, %add3A_121 : vector<256x64xf32>
    %slice3A_123 = vector.extract_strided_slice %add3A_122 {offsets = [255, 0], sizes = [1, 64], strides = [1, 1]} : vector<256x64xf32> to vector<1x64xf32>
    %sub3A_124 = arith.constant 1.000000e+00 : f32
    %sub3A_125 = vector.broadcast %sub3A_124 : f32 to vector<256x64xf32>
    %sub3A_126 = arith.subf %add3A_122, %sub3A_125 : vector<256x64xf32>
    %add3A_127 = vector.broadcast %dot_general3A_41 : vector<1x64xf32> to vector<256x64xf32>
    %add3A_128 = arith.addf %sub3A_126, %add3A_127 : vector<256x64xf32>
    %mul3A_129 = arith.mulf %add3A_128, %slice3A_118 : vector<256x64xf32>
    %reduce_sum3A_130 = arith.constant dense<0.000000e+00> : vector<256xf32>
    %reduce_sum3A_131 = vector.multi_reduction <add>, %mul3A_129, %reduce_sum3A_130 [1] : vector<256x64xf32> to vector<256xf32>
    %slice3A_132 = vector.extract_strided_slice %mul3A {offsets = [1536, 0], sizes = [256, 64], strides = [1, 1]} : vector<2048x64xf32> to vector<256x64xf32>
    %dot_general3A_133 = arith.constant dense<0.000000e+00> : vector<256x64xf32>
    %dot_general3A_134 = tpu.matmul %convert_element_type3A_46, %slice3A_132, %dot_general3A_133 {dimension_numbers = #tpu.dot_dimension_numbers<[1], [0], [0], [1], [0, 0, 1, 1], [], []>, transpose_lhs_hint = false} : vector<256x256xf32>, vector<256x64xf32>, vector<256x64xf32> -> vector<256x64xf32>
    %add3A_135 = vector.broadcast %slice3A_123 : vector<1x64xf32> to vector<256x64xf32>
    %add3A_136 = arith.addf %dot_general3A_134, %add3A_135 : vector<256x64xf32>
    %slice3A_137 = vector.extract_strided_slice %add3A_136 {offsets = [255, 0], sizes = [1, 64], strides = [1, 1]} : vector<256x64xf32> to vector<1x64xf32>
    %sub3A_138 = arith.constant 1.000000e+00 : f32
    %sub3A_139 = vector.broadcast %sub3A_138 : f32 to vector<256x64xf32>
    %sub3A_140 = arith.subf %add3A_136, %sub3A_139 : vector<256x64xf32>
    %add3A_141 = vector.broadcast %dot_general3A_41 : vector<1x64xf32> to vector<256x64xf32>
    %add3A_142 = arith.addf %sub3A_140, %add3A_141 : vector<256x64xf32>
    %mul3A_143 = arith.mulf %add3A_142, %slice3A_132 : vector<256x64xf32>
    %reduce_sum3A_144 = arith.constant dense<0.000000e+00> : vector<256xf32>
    %reduce_sum3A_145 = vector.multi_reduction <add>, %mul3A_143, %reduce_sum3A_144 [1] : vector<256x64xf32> to vector<256xf32>
    %slice3A_146 = vector.extract_strided_slice %mul3A {offsets = [1792, 0], sizes = [256, 64], strides = [1, 1]} : vector<2048x64xf32> to vector<256x64xf32>
    %dot_general3A_147 = arith.constant dense<0.000000e+00> : vector<256x64xf32>
    %dot_general3A_148 = tpu.matmul %convert_element_type3A_46, %slice3A_146, %dot_general3A_147 {dimension_numbers = #tpu.dot_dimension_numbers<[1], [0], [0], [1], [0, 0, 1, 1], [], []>, transpose_lhs_hint = false} : vector<256x256xf32>, vector<256x64xf32>, vector<256x64xf32> -> vector<256x64xf32>
    %add3A_149 = vector.broadcast %slice3A_137 : vector<1x64xf32> to vector<256x64xf32>
    %add3A_150 = arith.addf %dot_general3A_148, %add3A_149 : vector<256x64xf32>
    %sub3A_151 = arith.constant 1.000000e+00 : f32
    %sub3A_152 = vector.broadcast %sub3A_151 : f32 to vector<256x64xf32>
    %sub3A_153 = arith.subf %add3A_150, %sub3A_152 : vector<256x64xf32>
    %add3A_154 = vector.broadcast %dot_general3A_41 : vector<1x64xf32> to vector<256x64xf32>
    %add3A_155 = arith.addf %sub3A_153, %add3A_154 : vector<256x64xf32>
    %mul3A_156 = arith.mulf %add3A_155, %slice3A_146 : vector<256x64xf32>
    %reduce_sum3A_157 = arith.constant dense<0.000000e+00> : vector<256xf32>
    %reduce_sum3A_158 = vector.multi_reduction <add>, %mul3A_156, %reduce_sum3A_157 [1] : vector<256x64xf32> to vector<256xf32>
    %concatenate3A = tpu.concatenate %reduce_sum3A_61, %reduce_sum3A_75, %reduce_sum3A_89, %reduce_sum3A_103, %reduce_sum3A_117, %reduce_sum3A_131, %reduce_sum3A_145, %reduce_sum3A_158 in 0 : vector<256xf32>, vector<256xf32>, vector<256xf32>, vector<256xf32>, vector<256xf32>, vector<256xf32>, vector<256xf32>, vector<256xf32> -> vector<2048xf32>
    %convert_element_type3A_159 = arith.fptosi %concatenate3A : vector<2048xf32> to vector<2048xi32>
    %swap3A = arith.constant 0 : index
    %swap3A_160 = arith.constant 0 : index
    %swap3A_161 = vector.load %arg3[%swap3A, %swap3A_160] : memref<1x2048xi32, #tpu.memory_space<vmem>>, vector<1x2048xi32>
    %swap3A_162 = vector.shape_cast %swap3A_161 : vector<1x2048xi32> to vector<2048xi32>
    %swap3A_163 = vector.shape_cast %convert_element_type3A_159 : vector<2048xi32> to vector<1x2048xi32>
    tpu.vector_store %arg3[%swap3A, %swap3A_160], %swap3A_163 {strides = array<i32>} : memref<1x2048xi32, #tpu.memory_space<vmem>>, vector<1x2048xi32>,
    %mul3A_164 = arith.constant 2 : i32
    %mul3A_165 = vector.broadcast %mul3A_164 : i32 to vector<2048xi32>
    %mul3A_166 = arith.muli %mul3A_165, %convert_element_type3A_159 : vector<2048xi32>
    %broadcast_in_dim3A_167 = vector.shape_cast %mul3A_166 : vector<2048xi32> to vector<2048x1xi32>
    %mul3A_168 = arith.constant 2 : i32
    %mul3A_169 = vector.broadcast %mul3A_168 : i32 to vector<2048xi32>
    %mul3A_170 = arith.muli %mul3A_169, %convert_element_type3A_159 : vector<2048xi32>
    %add3A_171 = arith.constant 1 : i32
    %add3A_172 = vector.broadcast %add3A_171 : i32 to vector<2048xi32>
    %add3A_173 = arith.addi %mul3A_170, %add3A_172 : vector<2048xi32>
    %broadcast_in_dim3A_174 = vector.shape_cast %add3A_173 : vector<2048xi32> to vector<2048x1xi32>
    %concatenate3A_175 = tpu.concatenate %broadcast_in_dim3A_167, %broadcast_in_dim3A_174 in 1 : vector<2048x1xi32>, vector<2048x1xi32> -> vector<2048x2xi32>
    %swap3A_176 = arith.constant 0 : index
    %swap3A_177 = arith.constant 0 : index
    %swap3A_178 = vector.load %arg2[%swap3A_176, %swap3A_177] : memref<2048x2xi32, #tpu.memory_space<vmem>>, vector<2048x2xi32>
    tpu.vector_store %arg2[%swap3A_176, %swap3A_177], %concatenate3A_175 {strides = array<i32>} : memref<2048x2xi32, #tpu.memory_space<vmem>>, vector<2048x2xi32>,
    %squeeze3A = vector.shape_cast %dot_general3A_41 : vector<1x64xf32> to vector<64xf32>
    %convert_element_type3A_179 = arith.fptosi %squeeze3A : vector<64xf32> to vector<64xi32>
    %swap3A_180 = arith.constant 0 : index
    %swap3A_181 = arith.constant 0 : index
    %swap3A_182 = vector.load %arg4[%swap3A_180, %swap3A_181] : memref<1x64xi32, #tpu.memory_space<vmem>>, vector<1x64xi32>
    %swap3A_183 = vector.shape_cast %swap3A_182 : vector<1x64xi32> to vector<64xi32>
    %swap3A_184 = vector.shape_cast %convert_element_type3A_179 : vector<64xi32> to vector<1x64xi32>
    tpu.vector_store %arg4[%swap3A_180, %swap3A_181], %swap3A_184 {strides = array<i32>} : memref<1x64xi32, #tpu.memory_space<vmem>>, vector<1x64xi32>,
    %squeeze3A_185 = vector.shape_cast %mul3A_37 : vector<1x64xf32> to vector<64xf32>
    %div3A_186 = arith.constant 1.280000e+02 : f32
    %div3A_187 = vector.broadcast %div3A_186 : f32 to vector<64xf32>
    %div3A_188 = arith.divf %squeeze3A_185, %div3A_187 : vector<64xf32>
    %ceil3A_189 = math.ceil %div3A_188 : vector<64xf32>
    %convert_element_type3A_190 = arith.fptosi %ceil3A_189 : vector<64xf32> to vector<64xi32>
    %swap3A_191 = arith.constant 0 : index
    %swap3A_192 = arith.constant 0 : index
    %swap3A_193 = vector.load %arg5[%swap3A_191, %swap3A_192] : memref<1x64xi32, #tpu.memory_space<vmem>>, vector<1x64xi32>
    %swap3A_194 = vector.shape_cast %swap3A_193 : vector<1x64xi32> to vector<64xi32>
    %swap3A_195 = vector.shape_cast %convert_element_type3A_190 : vector<64xi32> to vector<1x64xi32>
    tpu.vector_store %arg5[%swap3A_191, %swap3A_192], %swap3A_195 {strides = array<i32>} : memref<1x64xi32, #tpu.memory_space<vmem>>, vector<1x64xi32>,
    %broadcast_in_dim3A_196 = vector.shape_cast %div3A_16 : vector<2048x1xf32> to vector<2048x1xf32>
    %broadcast_in_dim3A_197 = vector.broadcast %broadcast_in_dim3A_196 : vector<2048x1xf32> to vector<2048x128xf32>
    %swap3A_198 = arith.constant 0 : index
    %swap3A_199 = arith.constant 0 : index
    %swap3A_200 = vector.load %arg6[%swap3A_198, %swap3A_199] : memref<2048x128xf32, #tpu.memory_space<vmem>>, vector<2048x128xf32>
    tpu.vector_store %arg6[%swap3A_198, %swap3A_199], %broadcast_in_dim3A_197 {strides = array<i32>} : memref<2048x128xf32, #tpu.memory_space<vmem>>, vector<2048x128xf32>,
    return
  }
}

module attributes {stable_mosaic.version = 14 : i64} {
  func.func @_grouped_ffn_kernel(%arg0: i32, %arg1: memref<64xi32, #tpu.memory_space<smem>>, %arg2: memref<64xi32, #tpu.memory_space<smem>>, %arg3: memref<4224x768xf32, #tpu.memory_space<vmem>>, %arg4: memref<4224x128xf32, #tpu.memory_space<vmem>>, %arg5: memref<64x1x768xf32, #tpu.memory_space<vmem>>, %arg6: memref<64x1x768xf32, #tpu.memory_space<vmem>>, %arg7: memref<64x768x768xf32, #tpu.memory_space<hbm>>, %arg8: memref<64x768x768xf32, #tpu.memory_space<hbm>>, %arg9: memref<4224x768xf32, #tpu.memory_space<vmem>>, %arg10: memref<2x768x768xf32, #tpu.memory_space<vmem>>, %arg11: memref<2x768x768xf32, #tpu.memory_space<vmem>>, %arg12: memref<2x!tpu.dma_semaphore, #tpu.memory_space<semaphore_mem>>, %arg13: memref<2x!tpu.dma_semaphore, #tpu.memory_space<semaphore_mem>>) attributes {dimension_semantics = [#tpu.dimension_semantics<arbitrary>], iteration_bounds = array<i64: 1>, scalar_prefetch = 2 : i64, scratch_operands = 4 : i64, tpu.core_type = #tpu.core_type<tc>, window_params = [{pipeline_mode = #tpu.pipeline_mode<synchronous>, transform_indices = @transform_0, window_bounds = array<i64: 4224, 768>}, {pipeline_mode = #tpu.pipeline_mode<synchronous>, transform_indices = @transform_1, window_bounds = array<i64: 4224, 128>}, {pipeline_mode = #tpu.pipeline_mode<synchronous>, transform_indices = @transform_2, window_bounds = array<i64: 64, 1, 768>}, {pipeline_mode = #tpu.pipeline_mode<synchronous>, transform_indices = @transform_3, window_bounds = array<i64: 64, 1, 768>}, {}, {}, {pipeline_mode = #tpu.pipeline_mode<synchronous>, transform_indices = @transform_6, window_bounds = array<i64: 4224, 768>}]} {
    %dma_start3A = arith.constant 0 : i32
    %dma_start3A_0 = arith.constant 0 : i32
    %dma_start3A_1 = arith.constant 0 : i32
    %dma_start3A_2 = tpu.memref_slice %arg12[%dma_start3A_1] : memref<2x!tpu.dma_semaphore, #tpu.memory_space<semaphore_mem>> -> memref<1x!tpu.dma_semaphore, #tpu.memory_space<semaphore_mem>>
    %dma_start3A_3 = tpu.memref_squeeze %dma_start3A_2 : memref<1x!tpu.dma_semaphore, #tpu.memory_space<semaphore_mem>> -> memref<!tpu.dma_semaphore, #tpu.memory_space<semaphore_mem>>
    %dma_start3A_4 = arith.constant 0 : i32
    %dma_start3A_5 = arith.constant 0 : i32
    %dma_start3A_6 = tpu.memref_slice %arg10[%dma_start3A_0, %dma_start3A_4, %dma_start3A_5] : memref<2x768x768xf32, #tpu.memory_space<vmem>> -> memref<1x768x768xf32, #tpu.memory_space<vmem>>
    %dma_start3A_7 = tpu.memref_squeeze %dma_start3A_6 : memref<1x768x768xf32, #tpu.memory_space<vmem>> -> memref<768x768xf32, #tpu.memory_space<vmem>>
    %dma_start3A_8 = arith.constant 0 : i32
    %dma_start3A_9 = arith.constant 0 : i32
    %dma_start3A_10 = tpu.memref_slice %arg7[%dma_start3A, %dma_start3A_8, %dma_start3A_9] : memref<64x768x768xf32, #tpu.memory_space<hbm>> -> memref<1x768x768xf32, #tpu.memory_space<hbm>>
    %dma_start3A_11 = tpu.memref_squeeze %dma_start3A_10 : memref<1x768x768xf32, #tpu.memory_space<hbm>> -> memref<768x768xf32, #tpu.memory_space<hbm>>
    tpu.enqueue_dma source(%dma_start3A_11 : memref<768x768xf32, #tpu.memory_space<hbm>>) target(%dma_start3A_7 : memref<768x768xf32, #tpu.memory_space<vmem>>) target_semaphore(%dma_start3A_3 : memref<!tpu.dma_semaphore, #tpu.memory_space<semaphore_mem>>)
    %dma_start3A_12 = arith.constant 0 : i32
    %dma_start3A_13 = arith.constant 0 : i32
    %dma_start3A_14 = arith.constant 0 : i32
    %dma_start3A_15 = tpu.memref_slice %arg13[%dma_start3A_14] : memref<2x!tpu.dma_semaphore, #tpu.memory_space<semaphore_mem>> -> memref<1x!tpu.dma_semaphore, #tpu.memory_space<semaphore_mem>>
    %dma_start3A_16 = tpu.memref_squeeze %dma_start3A_15 : memref<1x!tpu.dma_semaphore, #tpu.memory_space<semaphore_mem>> -> memref<!tpu.dma_semaphore, #tpu.memory_space<semaphore_mem>>
    %dma_start3A_17 = arith.constant 0 : i32
    %dma_start3A_18 = arith.constant 0 : i32
    %dma_start3A_19 = tpu.memref_slice %arg11[%dma_start3A_13, %dma_start3A_17, %dma_start3A_18] : memref<2x768x768xf32, #tpu.memory_space<vmem>> -> memref<1x768x768xf32, #tpu.memory_space<vmem>>
    %dma_start3A_20 = tpu.memref_squeeze %dma_start3A_19 : memref<1x768x768xf32, #tpu.memory_space<vmem>> -> memref<768x768xf32, #tpu.memory_space<vmem>>
    %dma_start3A_21 = arith.constant 0 : i32
    %dma_start3A_22 = arith.constant 0 : i32
    %dma_start3A_23 = tpu.memref_slice %arg8[%dma_start3A_12, %dma_start3A_21, %dma_start3A_22] : memref<64x768x768xf32, #tpu.memory_space<hbm>> -> memref<1x768x768xf32, #tpu.memory_space<hbm>>
    %dma_start3A_24 = tpu.memref_squeeze %dma_start3A_23 : memref<1x768x768xf32, #tpu.memory_space<hbm>> -> memref<768x768xf32, #tpu.memory_space<hbm>>
    tpu.enqueue_dma source(%dma_start3A_24 : memref<768x768xf32, #tpu.memory_space<hbm>>) target(%dma_start3A_20 : memref<768x768xf32, #tpu.memory_space<vmem>>) target_semaphore(%dma_start3A_16 : memref<!tpu.dma_semaphore, #tpu.memory_space<semaphore_mem>>)
    %scan3A = arith.constant 0 : i32
    %scan3A_25 = arith.constant 64 : i32
    %scan3A_26 = arith.addi %scan3A, %scan3A_25 : i32
    %scan3A_27 = arith.constant 1 : i32
    scf.for %scan3A_29 = %scan3A to %scan3A_26 step %scan3A_27  : i32 {
      %rem3A = arith.constant 2 : i32
      %rem3A_30 = arith.remsi %scan3A_29, %rem3A : i32
      %add3A = arith.constant 1 : i32
      %add3A_31 = arith.addi %scan3A_29, %add3A : i32
      %rem3A_32 = arith.constant 2 : i32
      %rem3A_33 = arith.remsi %add3A_31, %rem3A_32 : i32
      %add3A_34 = arith.constant 1 : i32
      %add3A_35 = arith.addi %scan3A_29, %add3A_34 : i32
      %lt3A = arith.constant 64 : i32
      %lt3A_36 = arith.cmpi slt, %add3A_35, %lt3A : i32
      %convert_element_type3A = arith.extui %lt3A_36 : i1 to i32
      %cond3A = arith.constant 0 : i32
      %cond3A_37 = arith.cmpi ne, %convert_element_type3A, %cond3A : i32
      scf.if %cond3A_37 {
        %add3A_91 = arith.constant 1 : i32
        %add3A_92 = arith.addi %scan3A_29, %add3A_91 : i32
        %dma_start3A_93 = tpu.memref_slice %arg12[%rem3A_33] : memref<2x!tpu.dma_semaphore, #tpu.memory_space<semaphore_mem>> -> memref<1x!tpu.dma_semaphore, #tpu.memory_space<semaphore_mem>>
        %dma_start3A_94 = tpu.memref_squeeze %dma_start3A_93 : memref<1x!tpu.dma_semaphore, #tpu.memory_space<semaphore_mem>> -> memref<!tpu.dma_semaphore, #tpu.memory_space<semaphore_mem>>
        %dma_start3A_95 = arith.constant 0 : i32
        %dma_start3A_96 = arith.constant 0 : i32
        %dma_start3A_97 = tpu.memref_slice %arg10[%rem3A_33, %dma_start3A_95, %dma_start3A_96] : memref<2x768x768xf32, #tpu.memory_space<vmem>> -> memref<1x768x768xf32, #tpu.memory_space<vmem>>
        %dma_start3A_98 = tpu.memref_squeeze %dma_start3A_97 : memref<1x768x768xf32, #tpu.memory_space<vmem>> -> memref<768x768xf32, #tpu.memory_space<vmem>>
        %dma_start3A_99 = arith.constant 0 : i32
        %dma_start3A_100 = arith.constant 0 : i32
        %dma_start3A_101 = tpu.memref_slice %arg7[%add3A_92, %dma_start3A_99, %dma_start3A_100] : memref<64x768x768xf32, #tpu.memory_space<hbm>> -> memref<1x768x768xf32, #tpu.memory_space<hbm>>
        %dma_start3A_102 = tpu.memref_squeeze %dma_start3A_101 : memref<1x768x768xf32, #tpu.memory_space<hbm>> -> memref<768x768xf32, #tpu.memory_space<hbm>>
        tpu.enqueue_dma source(%dma_start3A_102 : memref<768x768xf32, #tpu.memory_space<hbm>>) target(%dma_start3A_98 : memref<768x768xf32, #tpu.memory_space<vmem>>) target_semaphore(%dma_start3A_94 : memref<!tpu.dma_semaphore, #tpu.memory_space<semaphore_mem>>)
        %add3A_103 = arith.constant 1 : i32
        %add3A_104 = arith.addi %scan3A_29, %add3A_103 : i32
        %dma_start3A_105 = tpu.memref_slice %arg13[%rem3A_33] : memref<2x!tpu.dma_semaphore, #tpu.memory_space<semaphore_mem>> -> memref<1x!tpu.dma_semaphore, #tpu.memory_space<semaphore_mem>>
        %dma_start3A_106 = tpu.memref_squeeze %dma_start3A_105 : memref<1x!tpu.dma_semaphore, #tpu.memory_space<semaphore_mem>> -> memref<!tpu.dma_semaphore, #tpu.memory_space<semaphore_mem>>
        %dma_start3A_107 = arith.constant 0 : i32
        %dma_start3A_108 = arith.constant 0 : i32
        %dma_start3A_109 = tpu.memref_slice %arg11[%rem3A_33, %dma_start3A_107, %dma_start3A_108] : memref<2x768x768xf32, #tpu.memory_space<vmem>> -> memref<1x768x768xf32, #tpu.memory_space<vmem>>
        %dma_start3A_110 = tpu.memref_squeeze %dma_start3A_109 : memref<1x768x768xf32, #tpu.memory_space<vmem>> -> memref<768x768xf32, #tpu.memory_space<vmem>>
        %dma_start3A_111 = arith.constant 0 : i32
        %dma_start3A_112 = arith.constant 0 : i32
        %dma_start3A_113 = tpu.memref_slice %arg8[%add3A_104, %dma_start3A_111, %dma_start3A_112] : memref<64x768x768xf32, #tpu.memory_space<hbm>> -> memref<1x768x768xf32, #tpu.memory_space<hbm>>
        %dma_start3A_114 = tpu.memref_squeeze %dma_start3A_113 : memref<1x768x768xf32, #tpu.memory_space<hbm>> -> memref<768x768xf32, #tpu.memory_space<hbm>>
        tpu.enqueue_dma source(%dma_start3A_114 : memref<768x768xf32, #tpu.memory_space<hbm>>) target(%dma_start3A_110 : memref<768x768xf32, #tpu.memory_space<vmem>>) target_semaphore(%dma_start3A_106 : memref<!tpu.dma_semaphore, #tpu.memory_space<semaphore_mem>>)
      } else {
      }
      %dma_wait3A = tpu.memref_slice %arg12[%rem3A_30] : memref<2x!tpu.dma_semaphore, #tpu.memory_space<semaphore_mem>> -> memref<1x!tpu.dma_semaphore, #tpu.memory_space<semaphore_mem>>
      %dma_wait3A_38 = tpu.memref_squeeze %dma_wait3A : memref<1x!tpu.dma_semaphore, #tpu.memory_space<semaphore_mem>> -> memref<!tpu.dma_semaphore, #tpu.memory_space<semaphore_mem>>
      %dma_wait3A_39 = arith.constant 0 : i32
      %dma_wait3A_40 = arith.constant 0 : i32
      %dma_wait3A_41 = tpu.memref_slice %arg10[%rem3A_30, %dma_wait3A_39, %dma_wait3A_40] : memref<2x768x768xf32, #tpu.memory_space<vmem>> -> memref<1x768x768xf32, #tpu.memory_space<vmem>>
      %dma_wait3A_42 = tpu.memref_squeeze %dma_wait3A_41 : memref<1x768x768xf32, #tpu.memory_space<vmem>> -> memref<768x768xf32, #tpu.memory_space<vmem>>
      %dma_wait3A_43 = arith.constant 0 : i32
      %dma_wait3A_44 = arith.constant 0 : i32
      %dma_wait3A_45 = tpu.memref_slice %arg7[%scan3A_29, %dma_wait3A_43, %dma_wait3A_44] : memref<64x768x768xf32, #tpu.memory_space<hbm>> -> memref<1x768x768xf32, #tpu.memory_space<hbm>>
      %dma_wait3A_46 = tpu.memref_squeeze %dma_wait3A_45 : memref<1x768x768xf32, #tpu.memory_space<hbm>> -> memref<768x768xf32, #tpu.memory_space<hbm>>
      tpu.wait_dma2 semaphore(%dma_wait3A_38 : memref<!tpu.dma_semaphore, #tpu.memory_space<semaphore_mem>>) src(%dma_wait3A_46 : memref<768x768xf32, #tpu.memory_space<hbm>>) dst(%dma_wait3A_42 : memref<768x768xf32, #tpu.memory_space<vmem>>)
      %dma_wait3A_47 = tpu.memref_slice %arg13[%rem3A_30] : memref<2x!tpu.dma_semaphore, #tpu.memory_space<semaphore_mem>> -> memref<1x!tpu.dma_semaphore, #tpu.memory_space<semaphore_mem>>
      %dma_wait3A_48 = tpu.memref_squeeze %dma_wait3A_47 : memref<1x!tpu.dma_semaphore, #tpu.memory_space<semaphore_mem>> -> memref<!tpu.dma_semaphore, #tpu.memory_space<semaphore_mem>>
      %dma_wait3A_49 = arith.constant 0 : i32
      %dma_wait3A_50 = arith.constant 0 : i32
      %dma_wait3A_51 = tpu.memref_slice %arg11[%rem3A_30, %dma_wait3A_49, %dma_wait3A_50] : memref<2x768x768xf32, #tpu.memory_space<vmem>> -> memref<1x768x768xf32, #tpu.memory_space<vmem>>
      %dma_wait3A_52 = tpu.memref_squeeze %dma_wait3A_51 : memref<1x768x768xf32, #tpu.memory_space<vmem>> -> memref<768x768xf32, #tpu.memory_space<vmem>>
      %dma_wait3A_53 = arith.constant 0 : i32
      %dma_wait3A_54 = arith.constant 0 : i32
      %dma_wait3A_55 = tpu.memref_slice %arg8[%scan3A_29, %dma_wait3A_53, %dma_wait3A_54] : memref<64x768x768xf32, #tpu.memory_space<hbm>> -> memref<1x768x768xf32, #tpu.memory_space<hbm>>
      %dma_wait3A_56 = tpu.memref_squeeze %dma_wait3A_55 : memref<1x768x768xf32, #tpu.memory_space<hbm>> -> memref<768x768xf32, #tpu.memory_space<hbm>>
      tpu.wait_dma2 semaphore(%dma_wait3A_48 : memref<!tpu.dma_semaphore, #tpu.memory_space<semaphore_mem>>) src(%dma_wait3A_56 : memref<768x768xf32, #tpu.memory_space<hbm>>) dst(%dma_wait3A_52 : memref<768x768xf32, #tpu.memory_space<vmem>>)
      %get3A = arith.index_cast %rem3A_30 : i32 to index
      %get3A_57 = arith.constant 0 : index
      %get3A_58 = arith.constant 0 : index
      %get3A_59 = vector.load %arg10[%get3A, %get3A_57, %get3A_58] : memref<2x768x768xf32, #tpu.memory_space<vmem>>, vector<1x768x768xf32>
      %get3A_60 = vector.shape_cast %get3A_59 : vector<1x768x768xf32> to vector<768x768xf32>
      %convert_element_type3A_61 = arith.truncf %get3A_60 : vector<768x768xf32> to vector<768x768xbf16>
      %get3A_62 = arith.index_cast %rem3A_30 : i32 to index
      %get3A_63 = arith.constant 0 : index
      %get3A_64 = arith.constant 0 : index
      %get3A_65 = vector.load %arg11[%get3A_62, %get3A_63, %get3A_64] : memref<2x768x768xf32, #tpu.memory_space<vmem>>, vector<1x768x768xf32>
      %get3A_66 = vector.shape_cast %get3A_65 : vector<1x768x768xf32> to vector<768x768xf32>
      %convert_element_type3A_67 = arith.truncf %get3A_66 : vector<768x768xf32> to vector<768x768xbf16>
      %get3A_68 = arith.index_cast %scan3A_29 : i32 to index
      %get3A_69 = arith.constant 0 : index
      %get3A_70 = arith.constant 0 : index
      %get3A_71 = vector.load %arg5[%get3A_68, %get3A_69, %get3A_70] : memref<64x1x768xf32, #tpu.memory_space<vmem>>, vector<1x1x768xf32>
      %get3A_72 = vector.shape_cast %get3A_71 : vector<1x1x768xf32> to vector<1x768xf32>
      %get3A_73 = arith.index_cast %scan3A_29 : i32 to index
      %get3A_74 = arith.constant 0 : index
      %get3A_75 = arith.constant 0 : index
      %get3A_76 = vector.load %arg6[%get3A_73, %get3A_74, %get3A_75] : memref<64x1x768xf32, #tpu.memory_space<vmem>>, vector<1x1x768xf32>
      %get3A_77 = vector.shape_cast %get3A_76 : vector<1x1x768xf32> to vector<1x768xf32>
      %get3A_78 = arith.index_cast %scan3A_29 : i32 to index
      %get3A_79 = memref.load %arg1[%get3A_78] : memref<64xi32, #tpu.memory_space<smem>>
      %get3A_80 = arith.index_cast %scan3A_29 : i32 to index
      %get3A_81 = memref.load %arg2[%get3A_80] : memref<64xi32, #tpu.memory_space<smem>>
      %while3A = arith.constant 0 : i32
      %while3A_82 = arith.constant 0 : i32
      %while3A_83 = arith.subi %get3A_81, %while3A_82 : i32
      %while3A_84 = arith.addi %while3A_82, %while3A_83 : i32
      %while3A_85 = arith.constant 1 : i32
      %while3A_86 = arith.divsi %while3A_83, %while3A_85 : i32
      %while3A_87 = arith.muli %while3A_86, %while3A_85 : i32
      %while3A_88 = arith.addi %while3A_82, %while3A_87 : i32
      %while3A_89 = arith.constant 1 : i32
      scf.for %while3A_91 = %while3A_82 to %while3A_88 step %while3A_89  : i32 {
        %mul3A = arith.constant 128 : i32
        %mul3A_92 = arith.muli %while3A_91, %mul3A : i32
        %add3A_93 = arith.addi %get3A_79, %mul3A_92 : i32
        %multiple_of3A = tpu.assume_multiple %add3A_93, 32 : i32
        %get3A_94 = arith.index_cast %multiple_of3A : i32 to index
        %get3A_95 = arith.constant 0 : index
        %get3A_96 = vector.load %arg3[%get3A_94, %get3A_95] : memref<4224x768xf32, #tpu.memory_space<vmem>>, vector<128x768xf32>
        %convert_element_type3A_97 = arith.truncf %get3A_96 : vector<128x768xf32> to vector<128x768xbf16>
        %dot_general3A = arith.constant dense<0.000000e+00> : vector<128x768xf32>
        %dot_general3A_98 = tpu.matmul %convert_element_type3A_97, %convert_element_type3A_61, %dot_general3A {dimension_numbers = #tpu.dot_dimension_numbers<[1], [0], [0], [1], [0, 0, 1, 1], [], []>, transpose_lhs_hint = false} : vector<128x768xbf16>, vector<768x768xbf16>, vector<128x768xf32> -> vector<128x768xf32>
        %add3A_99 = vector.broadcast %get3A_72 : vector<1x768xf32> to vector<128x768xf32>
        %add3A_100 = arith.addf %dot_general3A_98, %add3A_99 : vector<128x768xf32>
        %mul3A_101 = arith.constant 5.000000e-01 : f32
        %mul3A_102 = vector.broadcast %mul3A_101 : f32 to vector<128x768xf32>
        %mul3A_103 = arith.mulf %mul3A_102, %add3A_100 : vector<128x768xf32>
        %mul3A_104 = arith.constant 0.707106769 : f32
        %mul3A_105 = vector.broadcast %mul3A_104 : f32 to vector<128x768xf32>
        %mul3A_106 = arith.mulf %add3A_100, %mul3A_105 : vector<128x768xf32>
        %erf3A = math.erf %mul3A_106 : vector<128x768xf32>
        %add3A_107 = arith.constant 1.000000e+00 : f32
        %add3A_108 = vector.broadcast %add3A_107 : f32 to vector<128x768xf32>
        %add3A_109 = arith.addf %add3A_108, %erf3A : vector<128x768xf32>
        %mul3A_110 = arith.mulf %mul3A_103, %add3A_109 : vector<128x768xf32>
        %convert_element_type3A_111 = arith.truncf %mul3A_110 : vector<128x768xf32> to vector<128x768xbf16>
        %dot_general3A_112 = arith.constant dense<0.000000e+00> : vector<128x768xf32>
        %dot_general3A_113 = tpu.matmul %convert_element_type3A_111, %convert_element_type3A_67, %dot_general3A_112 {dimension_numbers = #tpu.dot_dimension_numbers<[1], [0], [0], [1], [0, 0, 1, 1], [], []>, transpose_lhs_hint = false} : vector<128x768xbf16>, vector<768x768xbf16>, vector<128x768xf32> -> vector<128x768xf32>
        %add3A_114 = vector.broadcast %get3A_77 : vector<1x768xf32> to vector<128x768xf32>
        %add3A_115 = arith.addf %dot_general3A_113, %add3A_114 : vector<128x768xf32>
        %get3A_116 = arith.index_cast %multiple_of3A : i32 to index
        %get3A_117 = arith.constant 0 : index
        %get3A_118 = vector.load %arg4[%get3A_116, %get3A_117] : memref<4224x128xf32, #tpu.memory_space<vmem>>, vector<128x1xf32>
        %mul3A_119 = vector.broadcast %get3A_118 : vector<128x1xf32> to vector<128x768xf32>
        %mul3A_120 = arith.mulf %add3A_115, %mul3A_119 : vector<128x768xf32>
        %swap3A = arith.index_cast %multiple_of3A : i32 to index
        %swap3A_121 = arith.constant 0 : index
        %swap3A_122 = vector.load %arg9[%swap3A, %swap3A_121] : memref<4224x768xf32, #tpu.memory_space<vmem>>, vector<128x768xf32>
        tpu.vector_store %arg9[%swap3A, %swap3A_121], %mul3A_120 {strides = array<i32>} : memref<4224x768xf32, #tpu.memory_space<vmem>>, vector<128x768xf32>,
      }
      %while3A_90 = arith.constant 1 : i32
      scf.for %while3A_91 = %while3A_88 to %while3A_84 step %while3A_90  : i32 {
        %mul3A = arith.constant 128 : i32
        %mul3A_92 = arith.muli %while3A_91, %mul3A : i32
        %add3A_93 = arith.addi %get3A_79, %mul3A_92 : i32
        %multiple_of3A = tpu.assume_multiple %add3A_93, 32 : i32
        %get3A_94 = arith.index_cast %multiple_of3A : i32 to index
        %get3A_95 = arith.constant 0 : index
        %get3A_96 = vector.load %arg3[%get3A_94, %get3A_95] : memref<4224x768xf32, #tpu.memory_space<vmem>>, vector<128x768xf32>
        %convert_element_type3A_97 = arith.truncf %get3A_96 : vector<128x768xf32> to vector<128x768xbf16>
        %dot_general3A = arith.constant dense<0.000000e+00> : vector<128x768xf32>
        %dot_general3A_98 = tpu.matmul %convert_element_type3A_97, %convert_element_type3A_61, %dot_general3A {dimension_numbers = #tpu.dot_dimension_numbers<[1], [0], [0], [1], [0, 0, 1, 1], [], []>, transpose_lhs_hint = false} : vector<128x768xbf16>, vector<768x768xbf16>, vector<128x768xf32> -> vector<128x768xf32>
        %add3A_99 = vector.broadcast %get3A_72 : vector<1x768xf32> to vector<128x768xf32>
        %add3A_100 = arith.addf %dot_general3A_98, %add3A_99 : vector<128x768xf32>
        %mul3A_101 = arith.constant 5.000000e-01 : f32
        %mul3A_102 = vector.broadcast %mul3A_101 : f32 to vector<128x768xf32>
        %mul3A_103 = arith.mulf %mul3A_102, %add3A_100 : vector<128x768xf32>
        %mul3A_104 = arith.constant 0.707106769 : f32
        %mul3A_105 = vector.broadcast %mul3A_104 : f32 to vector<128x768xf32>
        %mul3A_106 = arith.mulf %add3A_100, %mul3A_105 : vector<128x768xf32>
        %erf3A = math.erf %mul3A_106 : vector<128x768xf32>
        %add3A_107 = arith.constant 1.000000e+00 : f32
        %add3A_108 = vector.broadcast %add3A_107 : f32 to vector<128x768xf32>
        %add3A_109 = arith.addf %add3A_108, %erf3A : vector<128x768xf32>
        %mul3A_110 = arith.mulf %mul3A_103, %add3A_109 : vector<128x768xf32>
        %convert_element_type3A_111 = arith.truncf %mul3A_110 : vector<128x768xf32> to vector<128x768xbf16>
        %dot_general3A_112 = arith.constant dense<0.000000e+00> : vector<128x768xf32>
        %dot_general3A_113 = tpu.matmul %convert_element_type3A_111, %convert_element_type3A_67, %dot_general3A_112 {dimension_numbers = #tpu.dot_dimension_numbers<[1], [0], [0], [1], [0, 0, 1, 1], [], []>, transpose_lhs_hint = false} : vector<128x768xbf16>, vector<768x768xbf16>, vector<128x768xf32> -> vector<128x768xf32>
        %add3A_114 = vector.broadcast %get3A_77 : vector<1x768xf32> to vector<128x768xf32>
        %add3A_115 = arith.addf %dot_general3A_113, %add3A_114 : vector<128x768xf32>
        %get3A_116 = arith.index_cast %multiple_of3A : i32 to index
        %get3A_117 = arith.constant 0 : index
        %get3A_118 = vector.load %arg4[%get3A_116, %get3A_117] : memref<4224x128xf32, #tpu.memory_space<vmem>>, vector<128x1xf32>
        %mul3A_119 = vector.broadcast %get3A_118 : vector<128x1xf32> to vector<128x768xf32>
        %mul3A_120 = arith.mulf %add3A_115, %mul3A_119 : vector<128x768xf32>
        %swap3A = arith.index_cast %multiple_of3A : i32 to index
        %swap3A_121 = arith.constant 0 : index
        %swap3A_122 = vector.load %arg9[%swap3A, %swap3A_121] : memref<4224x768xf32, #tpu.memory_space<vmem>>, vector<128x768xf32>
        tpu.vector_store %arg9[%swap3A, %swap3A_121], %mul3A_120 {strides = array<i32>} : memref<4224x768xf32, #tpu.memory_space<vmem>>, vector<128x768xf32>,
      }
    }
    %scan3A_28 = arith.constant 64 : i32
    return
  }
  func.func @transform_0(%arg0: i32, %arg1: memref<64xi32, #tpu.memory_space<smem>>, %arg2: memref<64xi32, #tpu.memory_space<smem>>) -> (i32, i32) {
    %c0_i32 = arith.constant 0 : i32
    %c0_i32_0 = arith.constant 0 : i32
    %c0_i32_1 = arith.constant 0 : i32
    return %c0_i32, %c0_i32_0 : i32, i32
  }
  func.func @transform_1(%arg0: i32, %arg1: memref<64xi32, #tpu.memory_space<smem>>, %arg2: memref<64xi32, #tpu.memory_space<smem>>) -> (i32, i32) {
    %c0_i32 = arith.constant 0 : i32
    %c0_i32_0 = arith.constant 0 : i32
    %c0_i32_1 = arith.constant 0 : i32
    return %c0_i32, %c0_i32_0 : i32, i32
  }
  func.func @transform_2(%arg0: i32, %arg1: memref<64xi32, #tpu.memory_space<smem>>, %arg2: memref<64xi32, #tpu.memory_space<smem>>) -> (i32, i32, i32) {
    %c0_i32 = arith.constant 0 : i32
    %c0_i32_0 = arith.constant 0 : i32
    %c0_i32_1 = arith.constant 0 : i32
    %c0_i32_2 = arith.constant 0 : i32
    return %c0_i32, %c0_i32_0, %c0_i32_1 : i32, i32, i32
  }
  func.func @transform_3(%arg0: i32, %arg1: memref<64xi32, #tpu.memory_space<smem>>, %arg2: memref<64xi32, #tpu.memory_space<smem>>) -> (i32, i32, i32) {
    %c0_i32 = arith.constant 0 : i32
    %c0_i32_0 = arith.constant 0 : i32
    %c0_i32_1 = arith.constant 0 : i32
    %c0_i32_2 = arith.constant 0 : i32
    return %c0_i32, %c0_i32_0, %c0_i32_1 : i32, i32, i32
  }
  func.func @transform_6(%arg0: i32, %arg1: memref<64xi32, #tpu.memory_space<smem>>, %arg2: memref<64xi32, #tpu.memory_space<smem>>) -> (i32, i32) {
    %c0_i32 = arith.constant 0 : i32
    %c0_i32_0 = arith.constant 0 : i32
    %c0_i32_1 = arith.constant 0 : i32
    return %c0_i32, %c0_i32_0 : i32, i32
  }
}

</mosaic_0001>

<sc_bundles>
// kernel: kernel.6.cloned.1.call-start
scs
__scs_entry_jumppad:
0x0: {  	(pc) =	sbr.rel $0x88, $3  }
0x1: {  	(tag) =	ssettag $0x0;
	lr =	simm.s32 $0x1  }
0x2: {  	[smem:$0x3F9B] =	sst lr;
	_ =	strace $0xD0000000  }
0x3: {  	_ = 	snop  }
0x4: {  	_ = 	snop  }
0x5: {  	_ = 	snop  }
0x6: {  	_ = 	snop  }
0x7: {  	_ = 	snop  }
__scs_overlays_trampoline_lowered:
0x8: {  	[smem:$0x3FAA] =	sst s0  }
0x9: {  	[smem:$0x3FAB] =	sst s1  }
0xa: {  	[smem:$0x3FAC] =	sst s2  }
0xb: {  	[smem:$0x3FAD] =	sst s3  }
0xc: {  	[smem:$0x3FAE] =	sst s4  }
0xd: {  	[smem:$0x3FAF] =	sst s5  }
0xe: {  	[smem:$0x3FB0] =	sst s6  }
0xf: {  	[smem:$0x3FB1] =	sst s7  }
0x10: {  	[smem:$0x3FB2] =	sst s8  }
0x11: {  	[smem:$0x3FB3] =	sst s9;
	s0 =	simm.s32 @!p0 $0x0  }
0x12: {  	s1 =	sld [smem:$0x3F99];
	s0 =	simm.s32 @p0 $0x1  }
0x13: {  	[smem:$0x3FB4] =	sst s0;
	s0 =	simm.s32 @!p1 $0x0  }
0x14: {  	s2 =	sld [smem:$0x3F98];
	s0 =	simm.s32 @p1 $0x1  }
0x15: {  	[smem:$0x3FB5] =	sst s0;
	s0 =	simm.s32 @!p2 $0x0  }
0x16: {  	s3 =	sld [smem:$0x3FDB];
	s0 =	simm.s32 @p2 $0x1  }
0x17: {  	s4 =	simm.s32 $0x1BF5;
	[smem:$0x3FB7] =	sst s0  }
0x18: {  	s0 =	sld [smem:$0x3F9A];
	_ =	swait.ge [sflag:s4], $0x0  }
0x19: {  	s7 =	sld [smem:$0x3F9B]  }
0x1a: {  	s8 =	sadd.s32 $0xFFFFE003, lr  }
0x1b: {  	s9 =	sadd.s32 $0xFFFFFEF7, lr;
	s5 =	simm.s32 $0xFFFFFFFF;
	p2 =	slt.u32 s8, $0xFFFFF086  }
0x1c: {  	p1 =	slt.u32 s9, $0xF7A;
	s5 =	simm.s32 @!p2 $0x0  }
0x1d: {  	s5 =	simm.s32 @p1 $0x1;
	p0 =	seq.s32 s7, s2  }
0x1e: {  	s7 =	smul.u32 @!p0 $0xF7A, s2;
	p2 =	seq.s32 @!p0 s5, $0x0  }
0x1f: {  	s9 =	smul.u32 $0xF7A, s1;
	s8 =	simm.s32 @!p0 $0x1BF5;
	p2 =	por !p2, p0  }
0x20: {  	[sflag:s8] =	ssyncset.s32 @!p0 $0xFFFFF086;
	s6 =	sadd.s32 @!p0 s3, s7;
	s7 =	simm.s32 @!p0 $0x108  }
0x21: {  	s3 =	sadd.s32 s3, s9;
	s6 =	sadd.s32 @!p0 $0x88, s6;
	s7 =	simm.s32 @p2 $0x1082  }
0x22: {  	[simem:s7], [sflag:s8] =	dma.local @!p0 [hbm:s6], $0xF7A  }
0x23: {  	s9 =	sor.u32 $0xD0000000, s2;
	s6 =	simm.s32 $0x108;
	_ =	swait.ge @!p0 [sflag:s8], $0x0  }
0x24: {  	s3 =	sadd.s32 $0x88, s3;
	s6 =	simm.s32 @!p1 $0x1082;
	[sflag:s4] =	ssyncset.s32 $0xFFFFF086  }
0x25: {  	[simem:s6], [sflag:s4] =	dma.local [hbm:s3], $0xF7A  }
0x26: {  	[smem:$0x3F9B] =	sst s1;
	(tag) =	ssettag s2;
	_ =	strace s9  }
0x27: {  	s1 =	sld [smem:$0x3FAB]  }
0x28: {  	s2 =	sld [smem:$0x3FAC]  }
0x29: {  	s4 =	sld [smem:$0x3FAE]  }
0x2a: {  	p0 =	seq.s32 s5, $0x0;
	s5 =	sld [smem:$0x3FAF]  }
0x2b: {  	s6 =	sld [smem:$0x3FB0]  }
0x2c: {  	s7 =	sld [smem:$0x3FB1]  }
0x2d: {  	s3 =	simm.s32 $0x108;
	s8 =	sld [smem:$0x3FB2]  }
0x2e: {  	s3 =	simm.s32 @!p0 $0x1082;
	s9 =	sld [smem:$0x3FB3]  }
0x2f: {  	lr =	sadd.s32 s0, s3;
	s0 =	sld [smem:$0x3FAA]  }
0x30: {  	s3 =	sld [smem:$0x3FAD]  }
0x31: {  	[smem:$0x3FB6] =	sst s10  }
0x32: {  	s10 =	sld [smem:$0x3FB4];
	_ =	sdelay $0x3  }
0x33: {  	p0 =	seq.s32 s10, $0x1;
	s10 =	sld [smem:$0x3FB6];
	_ =	sdelay $0x3  }
0x34: {  	[smem:$0x3FB6] =	sst s10  }
0x35: {  	s10 =	sld [smem:$0x3FB5];
	_ =	sdelay $0x3  }
0x36: {  	p1 =	seq.s32 s10, $0x1;
	s10 =	sld [smem:$0x3FB6];
	_ =	sdelay $0x3  }
0x37: {  	[smem:$0x3FB6] =	sst s10  }
0x38: {  	s10 =	sld [smem:$0x3FB7]  }
0x39: {  	_ = 	snop;
	(pc) =	sbr.ind lr, $3  }
0x3a: {  	_ = 	snop  }
0x3b: {  	_ = 	snop  }
0x3c: {  	p2 =	seq.s32 s10, $0x1;
	s10 =	sld [smem:$0x3FB6]  }
0x3d: {  	_ =	shalt  }
0x3e: {  	_ =	shalt  }
0x3f: {  	_ =	shalt  }
0x40: {  	_ =	shalt  }
0x41: {  	_ =	shalt  }
0x42: {  	_ =	shalt  }
0x43: {  	_ =	shalt  }
0x44: {  	_ =	shalt  }
0x45: {  	_ =	shalt  }
0x46: {  	_ =	shalt  }
0x47: {  	_ =	shalt  }
0x48: {  	_ =	shalt  }
0x49: {  	_ =	shalt  }
0x4a: {  	_ =	shalt  }
0x4b: {  	_ =	shalt  }
0x4c: {  	_ =	shalt  }
0x4d: {  	_ =	shalt  }
0x4e: {  	_ =	shalt  }
0x4f: {  	_ =	shalt  }
0x50: {  	_ =	shalt  }
0x51: {  	_ =	shalt  }
0x52: {  	_ =	shalt  }
0x53: {  	_ =	shalt  }
0x54: {  	_ =	shalt  }
0x55: {  	_ =	shalt  }
0x56: {  	_ =	shalt  }
0x57: {  	_ =	shalt  }
0x58: {  	_ =	shalt  }
0x59: {  	_ =	shalt  }
0x5a: {  	_ =	shalt  }
0x5b: {  	_ =	shalt  }
0x5c: {  	_ =	shalt  }
0x5d: {  	_ =	shalt  }
0x5e: {  	_ =	shalt  }
0x5f: {  	_ =	shalt  }
0x60: {  	_ =	shalt  }
0x61: {  	_ =	shalt  }
0x62: {  	_ =	shalt  }
0x63: {  	_ =	shalt  }
0x64: {  	_ =	shalt  }
0x65: {  	_ =	shalt  }
0x66: {  	_ =	shalt  }
0x67: {  	_ =	shalt  }
0x68: {  	_ =	shalt  }
0x69: {  	_ =	shalt  }
0x6a: {  	_ =	shalt  }
0x6b: {  	_ =	shalt  }
0x6c: {  	_ =	shalt  }
0x6d: {  	_ =	shalt  }
0x6e: {  	_ =	shalt  }
0x6f: {  	_ =	shalt  }
0x70: {  	_ =	shalt  }
0x71: {  	_ =	shalt  }
0x72: {  	_ =	shalt  }
0x73: {  	_ =	shalt  }
0x74: {  	_ =	shalt  }
0x75: {  	_ =	shalt  }
0x76: {  	_ =	shalt  }
0x77: {  	_ =	shalt  }
0x78: {  	_ =	shalt  }
0x79: {  	_ =	shalt  }
0x7a: {  	_ =	shalt  }
0x7b: {  	_ =	shalt  }
0x7c: {  	_ =	shalt  }
0x7d: {  	_ =	shalt  }
0x7e: {  	_ =	shalt  }
0x7f: {  	_ =	shalt  }
0x80: {  	_ =	shalt  }
0x81: {  	_ =	shalt  }
0x82: {  	_ =	shalt  }
0x83: {  	_ =	shalt  }
0x84: {  	_ =	shalt  }
0x85: {  	_ =	shalt  }
0x86: {  	_ =	shalt  }
0x87: {  	_ =	shalt  }
.Lfunc_end0:
.L_simem_size_0:
called_computation_lowered:
.L_overlay_start_0:
0x88: {  	s2 =	sld [smem:$0x3FD9]  }
0x89: {  	s3 =	sld [smem:$0x3FFE];
	_ =	sdelay $0x1  }
0x8a: {  	s1 =	srdreg.scid  }
0x8b: {  	s0 =	sand.u32 $0x1, s1  }
0x8c: {  	s17 =	sshll.u32 s0, $0xA;
	s2 =	sadd.s32 s3, s2  }
0x8d: {  	s2 =	sadd.s32 s2, s17  }
0x8e: {  	[smem:$0x3FC2] =	sst s2  }
0x8f: {  	_ = 	snop  }
0x90: {  	s2 =	sld [smem:$0x3FD0];
	(tm) =	ssettm $0x1  }
0x91: {  	s18 =	sld [smem:$0x3FFB];
	_ =	sdelay $0x3  }
0x92: {  	_ =	strace s18  }
0x93: {  	s3 =	sld [smem:$0x3FFC];
	_ =	sdelay $0x3  }
0x94: {  	_ =	strace s3  }
0x95: {  	s3 =	sld [smem:$0x3FFD];
	_ =	sdelay $0x3  }
0x96: {  	_ =	strace s3  }
0x97: {  	_ =	strace $0x8FFFFFFF  }
0x98: {  	s19 =	sld [smem:$0x3FDB];
	_ =	sdelay $0x1  }
0x99: {  	s4 =	simm.s32 $_scs_section_size  }
0x9a: {  	s5 =	simm.s32 $_size__tile_overlayer_lowered;
	s6 =	simm.s32 $_tile_overlayer_lowered  }
0x9b: {  	s22 =	simm.s32 $0x1BFF;
	s21 =	sshll.u32 s6, $0x1;
	s3 =	sadd.s32 s4, s19  }
0x9c: {  	s7 =	simm.s32 $0x0;
	s20 =	sshll.u32 s5, $0x1;
	s5 =	sadd.s32 s21, s3  }
0x9d: {  	[timem:s7], [sflag:s22] =	dma.local [hbm:s5], s20  }
0x9e: {  	_ =	swait.ge [sflag:s22], s20  }
0x9f: {  	s4 =	ssub.s32 $0x0, s20;
	[sflag:s22] =	ssyncset.done $0x0  }
0xa0: {  	[sflag:s22] =	ssyncadd.s32 s4;
	_ =	sdelay $0x1  }
0xa1: {  	s23 =	simm.s32 $0x1B8B  }
0xa2: {  	_ =	swait.ge [sflag:s23], $0x1  }
0xa3: {  	[sflag:s23] =	ssyncset.done $0x0  }
0xa4: {  	s25 =	simm.s32 $0x1B8E;
	s24 =	sld [smem:$0x3FFE];
	[sflag:s23] =	ssyncadd.s32 $0xFFFFFFFF  }
0xa5: {  	s26 =	simm.s32 $execute0_lowered;
	[smem:$0x3FD2] =	sst s25  }
0xa6: {  	s5 =	sshll.u32 s26, $0x1;
	_ =	strace $0x80000046;
	[dreg:$0x1] =	wrdreg $0xFFFFFFFF  }
0xa7: {  	s28 =	simm.s32 $_size_execute0_lowered;
	s3 =	sadd.s32 s3, s5;
	[dreg:$0x0] =	wrdreg $0x0  }
0xa8: {  	s5 =	sshll.u32 s28, $0x1;
	[dreg:$0x2] =	wrdreg s3  }
0xa9: {  	[dreg:$0x3] =	wrdreg s5  }
0xaa: {  	[dreg:$0x4] =	wrdreg $0xC0  }
0xab: {  	_ =	task [dreg:s7], $0x5FFFF  }
0xac: {  	[dreg:$0x1] =	wrdreg $0xFFFFFFFF  }
0xad: {  	[dreg:$0x0] =	wrdreg $0x60  }
0xae: {  	[dreg:$0x2] =	wrdreg s2  }
0xaf: {  	[dreg:$0x3] =	wrdreg s24  }
0xb0: {  	[dreg:$0x4] =	wrdreg $0x9  }
0xb1: {  	_ =	task.clear_ibuf [dreg:s7], $0x5FFFF;
	_ =	strace $0x90000046  }
0xb2: {  	s29 =	simm.s32 $0x9;
	_ =	strace $0x80000052  }
0xb3: {  	_ =	swait.ge [sflag:s29], $0x1  }
0xb4: {  	[sflag:s29] =	ssyncadd.s32 $0xFFFFFFFF  }
0xb5: {  	_ =	strace $0x90000052  }
0xb6: {  	_ =	sfence  }
0xb7: {  	s30 =	sld [smem:$0x0];
	_ =	sdelay $0x2  }
0xb8: {  	s31 =	sshll.u32 s1, $0xD;
	s1 =	sshrl.u32 s1, $0x2  }
0xb9: {  	s3 =	sand.u32 $0x4000, s31;
	s1 =	sadd.s32 s1, s30  }
0xba: {  	s0 =	sor.u32 s3, s0;
	s1 =	sshll.u32 s1, $0x11  }
0xbb: {  	s0 =	sor.u32 s1, s0  }
0xbc: {  	s0 =	sadd.s32 $0x8F2B, s0  }
0xbd: {  	[sflag:s0] =	ssyncadd.remote.s32 $0x1  }
0xbe: {  	_ =	sfence.sel $0xFFFF  }
0xbf: {  	[dreg:$0x0] =	wrdreg $0xFFFFFFFF;
	(pc) =	sbr.abs _section_cstart, $3  }
0xc0: {  	[dreg:$0x1] =	wrdreg $0xFFFFFFFF  }
0xc1: {  	_ =	task.clear_ibuf [dreg:s7], $0x2FFFF;
	_ =	strace $0x9FFFFFFF  }
0xc2: {  	(tm) =	ssettm $0x7FFFFFFF  }
0xc3: {  	_ =	shalt  }
tec
execute0_lowered:
.L_overlay_start_1:
0x0: {  	(tag) =	ssettag $0x1  }
0x1: {  	s3 =	rddreg [dreg:$0x0]  }
0x2: {  	s0 =	srdreg.scid;
	s4 =	rddreg [dreg:$0x1]  }
0x3: {  	s2 =	simm.s32 $0x0;
	s6 =	sand.u32 $0x1, s0;
	s0 =	rddreg [dreg:$0x2]  }
0x4: {  	[smem:$0x7FF] =	sst s2;
	s10 =	sadd.s32 $0x6D400, s4  }
0x5: {  	s15 =	simm.s32 $0x18000;
	_ =	strace $0x80000047;
	[dreg:$0x3] =	wrdreg s10  }
0x6: {  	s16 =	simm.s32 $0x800;
	[dreg:$0x8] =	wrdreg s15  }
0x7: {  	s17 =	simm.s32 $0xC00;
	[dreg:$0x9] =	wrdreg s16  }
0x8: {  	s18 =	simm.s32 $0x1400;
	[dreg:$0xa] =	wrdreg s17  }
0x9: {  	s19 =	simm.s32 $0x1800;
	[dreg:$0xb] =	wrdreg s18  }
0xa: {  	s20 =	simm.s32 $0x2000;
	[dreg:$0xc] =	wrdreg s19  }
0xb: {  	s21 =	simm.s32 $0x2400;
	[dreg:$0xd] =	wrdreg s20  }
0xc: {  	s23 =	simm.s32 $0x2C00;
	[dreg:$0xe] =	wrdreg s21  }
0xd: {  	s25 =	simm.s32 $0x3000;
	[dreg:$0xf] =	wrdreg s23  }
0xe: {  	s26 =	simm.s32 $0x3800;
	[dreg:$0x10] =	wrdreg s25  }
0xf: {  	s28 =	simm.s32 $0x3C00;
	[dreg:$0x11] =	wrdreg s26  }
0x10: {  	s1 =	stileid.u32;
	s29 =	simm.s32 $0x4400;
	[dreg:$0x12] =	wrdreg s28  }
0x11: {  	s30 =	simm.s32 $0x4800;
	s31 =	simm.s32 $0x5000;
	[dreg:$0x13] =	wrdreg s29  }
0x12: {  	s5 =	sshll.u32 s6, $0x4;
	s22 =	ssub.s32 $0x2, s6;
	[dreg:$0x14] =	wrdreg s30  }
0x13: {  	p0 =	sne.s32 s6, $0x0;
	s6 =	simm.s32 $0x1;
	[dreg:$0x15] =	wrdreg s31  }
0x14: {  	s10 =	simm.s32 $0x6000;
	s15 =	simm.s32 $0x8000;
	s16 =	simm.s32 $0x8400  }
0x15: {  	s17 =	simm.s32 $0x8C00;
	s18 =	simm.s32 $0x9000;
	s19 =	simm.s32 $0x9800  }
0x16: {  	s20 =	simm.s32 $0x9C00;
	s21 =	simm.s32 $0xA400;
	s23 =	simm.s32 $0xB000  }
0x17: {  	s25 =	simm.s32 $0xBC00;
	s26 =	simm.s32 $0x5;
	s5 =	sor.u32 s1, s5  }
0x18: {  	s7 =	smin.u32 s5, $0x10;
	s9 =	smul.u32 $0x1800, s5;
	s5 =	sshll.u32 s5, $0x4  }
0x19: {  	s24 =	sshrl.u32 s22, $0x1;
	s8 =	sshll.u32 s7, $0xB;
	s5 =	sadd.s32 s5, s4  }
0x1a: {  	s7 =	sshll.u32 s7, $0x4;
	s8 =	sadd.s32 s8, s4;
	s3 =	sadd.s32 s3, s9  }
0x1b: {  	s11 =	sadd.s32 $0xA200, s5;
	s12 =	sadd.s32 s7, s4;
	s7 =	ssub.s32 s22, s24  }
0x1c: {  	s9 =	simm.s32 $0x5C00;
	s22 =	simm.s32 $0xA800;
	[dreg:$0x4] =	wrdreg s3  }
0x1d: {  	s24 =	simm.s32 $0xB400;
	[dreg:$0x5] =	wrdreg s11;
	s13 =	sadd.s32 $0x2000, s8  }
0x1e: {  	s14 =	sadd.s32 $0xA000, s12;
	s3 =	sadd.s32 $0xA400, s4;
	s4 =	sadd.s32 $0xA500, s4  }
0x1f: {  	v2 =	vlaneseq.u32;
	s5 =	smax.u32 s7, $0x1;
	s7 =	simm.s32 $0x3;
	s8 =	simm.s32 $0x5400  }
0x20: {  	vm0 =	vmmov $0xffff;
	vm1 =	vmmov $0xff;
	v1 =	vshrl.u32 v2, $0x3;
	s11 =	simm.s32 $0x6800;
	s12 =	simm.s32 $0x6C00;
	[dreg:$0x6] =	wrdreg s13  }
0x21: {  	v0 =	vand.u32 $0x7, v2;
	v2 =	vor.u32 $0x8, v2;
	v1 =	vmul.u32 $0x8, v1;
	[dreg:$0x7] =	wrdreg s14;
	s13 =	simm.s32 $0x7400;
	s14 =	simm.s32 $0x7800  }
.LBB2_1:
0x22: {  	_ =	strace $0x80000048  }
0x23: {  	s28 =	rddreg [dreg:$0x4]  }
0x24: {  	s29 =	rddreg [dreg:$0x5]  }
0x25: {  	[tilespmem:s2], [sflag:$0x1] =	stream.linear.gather [hbm4b:s28+s2], $0xC000, $0x200038;
	[tilespmem:$0x18100] =	vst v63  }
0x26: {  	s30 =	rddreg [dreg:$0x8]  }
0x27: {  	[tilespmem:s30], [sflag:$0x3] =	stream.linear.gather [hbm4b:s29+s2], $0x80, $0x200038;
	[tilespmem:$0x18100] =	vst v63  }
0x28: {  	_ =	strace $0x90000048  }
0x29: {  	_ =	strace $0x80000049  }
0x2a: {  	_ =	swait.ge [sflag:s6], $0xC000  }
0x2b: {  	[sflag:s6] =	ssyncset.done $0x0  }
0x2c: {  	[sflag:s6] =	ssyncadd.s32 $0xFFFF4000  }
0x2d: {  	_ =	strace $0x90000049  }
0x2e: {  	_ =	strace $0x8000004A  }
0x2f: {  	_ =	swait.ge [sflag:s7], $0x80  }
0x30: {  	[sflag:s7] =	ssyncset.done $0x0  }
0x31: {  	[sflag:s7] =	ssyncadd.s32 $0xFFFFFF80  }
0x32: {  	_ =	strace $0x9000004A  }
0x33: {  	_ =	strace $0x8000004B  }
0x34: {  	v3 =	vld [tilespmem:$0x18000];
	_ =	sdelay $0x4  }
0x35: {  	v4 =	vshrl.u32 v3, $0x3  }
0x36: {  	v4 =	vmul.u32 $0x18, v4  }
0x37: {  	v3 =	vand.u32 $0x7, v3  }
0x38: {  	v3 =	vor.u32 v3, v4  }
0x39: {  	v4 =	vperm.xlane v3, v0;
	_ =	sdelay $0x1  }
0x3a: {  	v4 =	vadd.s32 v1, v4;
	_ =	sdelay $0x1  }
0x3b: {  	v3 =	vperm.xlane v3, v2;
	_ =	sdelay $0x1  }
0x3c: {  	v3 =	vadd.s32 v1, v3  }
0x3d: {  	[hbm4b:s3+s2] =	stream.indirect_vreg.scatter [tilespmem:s2], [sflag:$0x5], $0x80, v4, vm0, $0x2000b8;
	[tilespmem:$0x18100] =	vst v63  }
0x3e: {  	s31 =	rddreg [dreg:$0x9]  }
0x3f: {  	[hbm4b:s4+s2] =	stream.indirect_vreg.scatter [tilespmem:s31], [sflag:$0x5], $0x80, v4, vm1, $0x2000b8;
	[tilespmem:$0x18100] =	vst v63  }
0x40: {  	s30 =	rddreg [dreg:$0xa]  }
0x41: {  	[hbm4b:s3+s2] =	stream.indirect_vreg.scatter [tilespmem:s30], [sflag:$0x5], $0x80, v3, vm0, $0x2000b8;
	[tilespmem:$0x18100] =	vst v63  }
0x42: {  	s31 =	rddreg [dreg:$0xb]  }
0x43: {  	[hbm4b:s4+s2] =	stream.indirect_vreg.scatter [tilespmem:s31], [sflag:$0x5], $0x80, v3, vm1, $0x2000b8;
	[tilespmem:$0x18100] =	vst v63  }
0x44: {  	v3 =	vld [tilespmem:$0x18010];
	_ =	sdelay $0x4  }
0x45: {  	v57 =	vshrl.u32 v3, $0x3  }
0x46: {  	v4 =	vmul.u32 $0x18, v57  }
0x47: {  	v3 =	vand.u32 $0x7, v3  }
0x48: {  	v3 =	vor.u32 v3, v4  }
0x49: {  	v4 =	vperm.xlane v3, v0;
	_ =	sdelay $0x1  }
0x4a: {  	v4 =	vadd.s32 v1, v4;
	_ =	sdelay $0x1  }
0x4b: {  	v3 =	vperm.xlane v3, v2;
	_ =	sdelay $0x1  }
0x4c: {  	s30 =	rddreg [dreg:$0xc];
	v3 =	vadd.s32 v1, v3  }
0x4d: {  	[hbm4b:s3+s2] =	stream.indirect_vreg.scatter [tilespmem:s30], [sflag:$0x5], $0x80, v4, vm0, $0x2000b8;
	[tilespmem:$0x18100] =	vst v63  }
0x4e: {  	s31 =	rddreg [dreg:$0xd]  }
0x4f: {  	[hbm4b:s4+s2] =	stream.indirect_vreg.scatter [tilespmem:s31], [sflag:$0x5], $0x80, v4, vm1, $0x2000b8;
	[tilespmem:$0x18100] =	vst v63  }
0x50: {  	s30 =	rddreg [dreg:$0xe]  }
0x51: {  	[hbm4b:s3+s2] =	stream.indirect_vreg.scatter [tilespmem:s30], [sflag:$0x5], $0x80, v3, vm0, $0x2000b8;
	[tilespmem:$0x18100] =	vst v63  }
0x52: {  	s31 =	rddreg [dreg:$0xf]  }
0x53: {  	[hbm4b:s4+s2] =	stream.indirect_vreg.scatter [tilespmem:s31], [sflag:$0x5], $0x80, v3, vm1, $0x2000b8;
	[tilespmem:$0x18100] =	vst v63  }
0x54: {  	v3 =	vld [tilespmem:$0x18020];
	_ =	sdelay $0x4  }
0x55: {  	v58 =	vshrl.u32 v3, $0x3  }
0x56: {  	v4 =	vmul.u32 $0x18, v58  }
0x57: {  	v3 =	vand.u32 $0x7, v3  }
0x58: {  	v3 =	vor.u32 v3, v4  }
0x59: {  	v4 =	vperm.xlane v3, v0;
	_ =	sdelay $0x1  }
0x5a: {  	v4 =	vadd.s32 v1, v4;
	_ =	sdelay $0x1  }
0x5b: {  	v3 =	vperm.xlane v3, v2;
	_ =	sdelay $0x1  }
0x5c: {  	s30 =	rddreg [dreg:$0x10];
	v3 =	vadd.s32 v1, v3  }
0x5d: {  	[hbm4b:s3+s2] =	stream.indirect_vreg.scatter [tilespmem:s30], [sflag:$0x5], $0x80, v4, vm0, $0x2000b8;
	[tilespmem:$0x18100] =	vst v63  }
0x5e: {  	s31 =	rddreg [dreg:$0x11]  }
0x5f: {  	[hbm4b:s4+s2] =	stream.indirect_vreg.scatter [tilespmem:s31], [sflag:$0x5], $0x80, v4, vm1, $0x2000b8;
	[tilespmem:$0x18100] =	vst v63  }
0x60: {  	s30 =	rddreg [dreg:$0x12]  }
0x61: {  	[hbm4b:s3+s2] =	stream.indirect_vreg.scatter [tilespmem:s30], [sflag:$0x5], $0x80, v3, vm0, $0x2000b8;
	[tilespmem:$0x18100] =	vst v63  }
0x62: {  	s31 =	rddreg [dreg:$0x13]  }
0x63: {  	[hbm4b:s4+s2] =	stream.indirect_vreg.scatter [tilespmem:s31], [sflag:$0x5], $0x80, v3, vm1, $0x2000b8;
	[tilespmem:$0x18100] =	vst v63  }
0x64: {  	v3 =	vld [tilespmem:$0x18030];
	_ =	sdelay $0x4  }
0x65: {  	v59 =	vshrl.u32 v3, $0x3  }
0x66: {  	v4 =	vmul.u32 $0x18, v59  }
0x67: {  	v3 =	vand.u32 $0x7, v3  }
0x68: {  	v3 =	vor.u32 v3, v4  }
0x69: {  	v4 =	vperm.xlane v3, v0;
	_ =	sdelay $0x1  }
0x6a: {  	v4 =	vadd.s32 v1, v4;
	_ =	sdelay $0x1  }
0x6b: {  	v3 =	vperm.xlane v3, v2;
	_ =	sdelay $0x1  }
0x6c: {  	s30 =	rddreg [dreg:$0x14];
	v3 =	vadd.s32 v1, v3  }
0x6d: {  	[hbm4b:s3+s2] =	stream.indirect_vreg.scatter [tilespmem:s30], [sflag:$0x5], $0x80, v4, vm0, $0x2000b8;
	[tilespmem:$0x18100] =	vst v63  }
0x6e: {  	s31 =	rddreg [dreg:$0x15]  }
0x6f: {  	[hbm4b:s4+s2] =	stream.indirect_vreg.scatter [tilespmem:s31], [sflag:$0x5], $0x80, v4, vm1, $0x2000b8;
	[tilespmem:$0x18100] =	vst v63  }
0x70: {  	_ = 	snop  }
0x71: {  	[hbm4b:s3+s2] =	stream.indirect_vreg.scatter [tilespmem:s8], [sflag:$0x5], $0x80, v3, vm0, $0x2000b8;
	[tilespmem:$0x18100] =	vst v63  }
0x72: {  	_ = 	snop  }
0x73: {  	[hbm4b:s4+s2] =	stream.indirect_vreg.scatter [tilespmem:s9], [sflag:$0x5], $0x80, v3, vm1, $0x2000b8;
	[tilespmem:$0x18100] =	vst v63  }
0x74: {  	v3 =	vld [tilespmem:$0x18040];
	_ =	sdelay $0x4  }
0x75: {  	v60 =	vshrl.u32 v3, $0x3  }
0x76: {  	v4 =	vmul.u32 $0x18, v60  }
0x77: {  	v3 =	vand.u32 $0x7, v3  }
0x78: {  	v3 =	vor.u32 v3, v4  }
0x79: {  	v4 =	vperm.xlane v3, v0;
	_ =	sdelay $0x1  }
0x7a: {  	v4 =	vadd.s32 v1, v4;
	_ =	sdelay $0x1  }
0x7b: {  	v3 =	vperm.xlane v3, v2;
	_ =	sdelay $0x1  }
0x7c: {  	v3 =	vadd.s32 v1, v3  }
0x7d: {  	[hbm4b:s3+s2] =	stream.indirect_vreg.scatter [tilespmem:s10], [sflag:$0x5], $0x80, v4, vm0, $0x2000b8;
	[tilespmem:$0x18100] =	vst v63  }
0x7e: {  	_ = 	snop  }
0x7f: {  	[hbm4b:s4+s2] =	stream.indirect_vreg.scatter [tilespmem:s11], [sflag:$0x5], $0x80, v4, vm1, $0x2000b8;
	[tilespmem:$0x18100] =	vst v63  }
0x80: {  	_ = 	snop  }
0x81: {  	[hbm4b:s3+s2] =	stream.indirect_vreg.scatter [tilespmem:s12], [sflag:$0x5], $0x80, v3, vm0, $0x2000b8;
	[tilespmem:$0x18100] =	vst v63  }
0x82: {  	_ = 	snop  }
0x83: {  	[hbm4b:s4+s2] =	stream.indirect_vreg.scatter [tilespmem:s13], [sflag:$0x5], $0x80, v3, vm1, $0x2000b8;
	[tilespmem:$0x18100] =	vst v63  }
0x84: {  	v3 =	vld [tilespmem:$0x18050];
	_ =	sdelay $0x4  }
0x85: {  	v61 =	vshrl.u32 v3, $0x3  }
0x86: {  	v4 =	vmul.u32 $0x18, v61  }
0x87: {  	v3 =	vand.u32 $0x7, v3  }
0x88: {  	v3 =	vor.u32 v3, v4  }
0x89: {  	v4 =	vperm.xlane v3, v0;
	_ =	sdelay $0x1  }
0x8a: {  	v4 =	vadd.s32 v1, v4;
	_ =	sdelay $0x1  }
0x8b: {  	v3 =	vperm.xlane v3, v2;
	_ =	sdelay $0x1  }
0x8c: {  	v3 =	vadd.s32 v1, v3  }
0x8d: {  	[hbm4b:s3+s2] =	stream.indirect_vreg.scatter [tilespmem:s14], [sflag:$0x5], $0x80, v4, vm0, $0x2000b8;
	[tilespmem:$0x18100] =	vst v63  }
0x8e: {  	_ = 	snop  }
0x8f: {  	[hbm4b:s4+s2] =	stream.indirect_vreg.scatter [tilespmem:s15], [sflag:$0x5], $0x80, v4, vm1, $0x2000b8;
	[tilespmem:$0x18100] =	vst v63  }
0x90: {  	_ = 	snop  }
0x91: {  	[hbm4b:s3+s2] =	stream.indirect_vreg.scatter [tilespmem:s16], [sflag:$0x5], $0x80, v3, vm0, $0x2000b8;
	[tilespmem:$0x18100] =	vst v63  }
0x92: {  	_ = 	snop  }
0x93: {  	[hbm4b:s4+s2] =	stream.indirect_vreg.scatter [tilespmem:s17], [sflag:$0x5], $0x80, v3, vm1, $0x2000b8;
	[tilespmem:$0x18100] =	vst v63  }
0x94: {  	v3 =	vld [tilespmem:$0x18060];
	_ =	sdelay $0x4  }
0x95: {  	v62 =	vshrl.u32 v3, $0x3  }
0x96: {  	v4 =	vmul.u32 $0x18, v62  }
0x97: {  	v3 =	vand.u32 $0x7, v3  }
0x98: {  	v3 =	vor.u32 v3, v4  }
0x99: {  	v4 =	vperm.xlane v3, v0;
	_ =	sdelay $0x1  }
0x9a: {  	v4 =	vadd.s32 v1, v4;
	_ =	sdelay $0x1  }
0x9b: {  	v3 =	vperm.xlane v3, v2;
	_ =	sdelay $0x1  }
0x9c: {  	v3 =	vadd.s32 v1, v3  }
0x9d: {  	[hbm4b:s3+s2] =	stream.indirect_vreg.scatter [tilespmem:s18], [sflag:$0x5], $0x80, v4, vm0, $0x2000b8;
	[tilespmem:$0x18100] =	vst v63  }
0x9e: {  	_ = 	snop  }
0x9f: {  	[hbm4b:s4+s2] =	stream.indirect_vreg.scatter [tilespmem:s19], [sflag:$0x5], $0x80, v4, vm1, $0x2000b8;
	[tilespmem:$0x18100] =	vst v63  }
0xa0: {  	_ = 	snop  }
0xa1: {  	[hbm4b:s3+s2] =	stream.indirect_vreg.scatter [tilespmem:s20], [sflag:$0x5], $0x80, v3, vm0, $0x2000b8;
	[tilespmem:$0x18100] =	vst v63  }
0xa2: {  	_ = 	snop  }
0xa3: {  	[hbm4b:s4+s2] =	stream.indirect_vreg.scatter [tilespmem:s21], [sflag:$0x5], $0x80, v3, vm1, $0x2000b8;
	[tilespmem:$0x18100] =	vst v63  }
0xa4: {  	v3 =	vld [tilespmem:$0x18070];
	_ =	sdelay $0x4  }
0xa5: {  	v63 =	vshrl.u32 v3, $0x3  }
0xa6: {  	v4 =	vmul.u32 $0x18, v63  }
0xa7: {  	v3 =	vand.u32 $0x7, v3  }
0xa8: {  	v3 =	vor.u32 v3, v4  }
0xa9: {  	v4 =	vperm.xlane v3, v0;
	_ =	sdelay $0x1  }
0xaa: {  	v4 =	vadd.s32 v1, v4;
	_ =	sdelay $0x1  }
0xab: {  	v3 =	vperm.xlane v3, v2;
	_ =	sdelay $0x1  }
0xac: {  	v3 =	vadd.s32 v1, v3  }
0xad: {  	[hbm4b:s3+s2] =	stream.indirect_vreg.scatter [tilespmem:s22], [sflag:$0x5], $0x80, v4, vm0, $0x2000b8;
	[tilespmem:$0x18100] =	vst v63  }
0xae: {  	_ = 	snop  }
0xaf: {  	[hbm4b:s4+s2] =	stream.indirect_vreg.scatter [tilespmem:s23], [sflag:$0x5], $0x80, v4, vm1, $0x2000b8;
	[tilespmem:$0x18100] =	vst v63  }
0xb0: {  	_ = 	snop  }
0xb1: {  	[hbm4b:s3+s2] =	stream.indirect_vreg.scatter [tilespmem:s24], [sflag:$0x5], $0x80, v3, vm0, $0x2000b8;
	[tilespmem:$0x18100] =	vst v63  }
0xb2: {  	_ = 	snop  }
0xb3: {  	[hbm4b:s4+s2] =	stream.indirect_vreg.scatter [tilespmem:s25], [sflag:$0x5], $0x80, v3, vm1, $0x2000b8;
	[tilespmem:$0x18100] =	vst v63  }
0xb4: {  	_ =	swait.ge [sflag:s26], $0xC000  }
0xb5: {  	[sflag:s26] =	ssyncset.done $0x0  }
0xb6: {  	[sflag:s26] =	ssyncadd.s32 $0xFFFF4000  }
0xb7: {  	_ =	strace $0x9000004B  }
0xb8: {  	_ =	strace @!p0 $0x8000004C  }
0xb9: {  	s29 =	simm.s32 @!p0 $0x0;
	s28 =	rddreg [dreg:$0x6]  }
0xba: {  	[tilespmem:s29], [sflag:$0x1] =	stream.linear.gather @!p0 [hbm4b:s28+s29], $0x4000, $0x200038;
	[tilespmem:$0x18100] =	vst v63  }
0xbb: {  	s30 =	rddreg [dreg:$0x7];
	s28 =	simm.s32 @!p0 $0x8000  }
0xbc: {  	[tilespmem:s28], [sflag:$0x3] =	stream.linear.gather @!p0 [hbm4b:s30+s29], $0x80, $0x200038;
	[tilespmem:$0x18100] =	vst v63  }
0xbd: {  	_ =	strace @!p0 $0x9000004C  }
0xbe: {  	s30 =	simm.s32 @!p0 $0x1;
	_ =	strace @!p0 $0x8000004F  }
0xbf: {  	_ =	swait.ge @!p0 [sflag:s30], $0x4000  }
0xc0: {  	[sflag:s30] =	ssyncset.done @!p0 $0x0  }
0xc1: {  	[sflag:s30] =	ssyncadd.s32 @!p0 $0xFFFFC000  }
0xc2: {  	_ =	strace @!p0 $0x9000004F  }
0xc3: {  	s30 =	simm.s32 @!p0 $0x3;
	_ =	strace @!p0 $0x80000050  }
0xc4: {  	_ =	swait.ge @!p0 [sflag:s30], $0x80  }
0xc5: {  	[sflag:s30] =	ssyncset.done @!p0 $0x0  }
0xc6: {  	[sflag:s30] =	ssyncadd.s32 @!p0 $0xFFFFFF80  }
0xc7: {  	_ =	strace @!p0 $0x90000050  }
0xc8: {  	s5 =	sadd.s32 $0xFFFFFFFF, s5;
	_ =	strace @!p0 $0x80000051  }
0xc9: {  	p1 =	sne.s32 s5, $0x0;
	s31 =	simm.s32 @!p0 $0x80;
	s30 =	rddreg [dreg:$0x3]  }
0xca: {  	[hbm4b:s30+s31] =	stream.indirect.scatter @!p0 [tilespmem:s29], [sflag:$0x5], $0x80, s28, s31, $0x2000b8;
	[tilespmem:$0x18100] =	vst v63  }
.Ltmp0:
0xcb: {  	s28 =	simm.s32 @!p0 $0x5;
	(pc) =	sbr.rel @p1 .LBB2_1-.Ltmp0, $4  }
0xcc: {  	_ =	swait.ge @!p0 [sflag:s28], $0x4000  }
0xcd: {  	[sflag:s28] =	ssyncset.done @!p0 $0x0  }
0xce: {  	[sflag:s28] =	ssyncadd.s32 @!p0 $0xFFFFC000  }
0xcf: {  	_ =	strace @!p0 $0x90000051  }
0xd0: {  	_ =	sfence.sel $0x180000  }
0xd1: {  	[bflag:$0x0] =	sbarrier.arrive $0xFFFF  }
0xd2: {  	p0 =	sne.s32 s1, $0x0;
	_ =	strace $0x90000047  }
0xd3: {  	s0 =	sadd.s32 @!p0 $0x100000, s0;
	[bflag:$0x2] =	sbarrier.arrive $0xFFFF  }
0xd4: {  	[sflag:s0] =	ssyncadd.tile.s32 @!p0 $0x1;
	_ =	shalt  }
.Lfunc_end2:
_tile_overlayer_lowered:
.L_overlay_start_2:
0xd5: {  	(tag) =	ssettag $0x2  }
0xd6: {  	s0 =	rddreg [dreg:$0x0];
	s2 =	stileid.u32  }
0xd7: {  	s1 =	rddreg [dreg:$0x1];
	p0 =	sne.s32 s2, $0x0  }
0xd8: {  	s3 =	rddreg [dreg:$0x2];
	[bflag:$0x3] =	sbarrier.arrive $0xFFFF;
	s2 =	simm.s32 @!p0 $0x1C01  }
0xd9: {  	[timem:s3], [sflag:s2] =	dma.local @!p0 [hbm:s0], s1  }
0xda: {  	s0 =	simm.s32 @!p0 $0x1  }
0xdb: {  	_ =	swait.ge @!p0 [sflag:s0], s1  }
0xdc: {  	s1 =	ssub.s32 @!p0 $0x0, s1;
	[sflag:s0] =	ssyncset.done @!p0 $0x0  }
0xdd: {  	[sflag:s0] =	ssyncadd.s32 @!p0 s1  }
0xde: {  	[bflag:$0x3] =	sbarrier.arrive $0xFFFF  }
0xdf: {  	_ =	shalt  }

// kernel: kernel.9.cloned.1.call-start
scs
__scs_entry_jumppad:
0x0: {  	(pc) =	sbr.rel $0x88, $3  }
0x1: {  	(tag) =	ssettag $0x0;
	lr =	simm.s32 $0x1  }
0x2: {  	[smem:$0x3F9B] =	sst lr;
	_ =	strace $0xD0000000  }
0x3: {  	_ = 	snop  }
0x4: {  	_ = 	snop  }
0x5: {  	_ = 	snop  }
0x6: {  	_ = 	snop  }
0x7: {  	_ = 	snop  }
__scs_overlays_trampoline_lowered:
0x8: {  	[smem:$0x3FAA] =	sst s0  }
0x9: {  	[smem:$0x3FAB] =	sst s1  }
0xa: {  	[smem:$0x3FAC] =	sst s2  }
0xb: {  	[smem:$0x3FAD] =	sst s3  }
0xc: {  	[smem:$0x3FAE] =	sst s4  }
0xd: {  	[smem:$0x3FAF] =	sst s5  }
0xe: {  	[smem:$0x3FB0] =	sst s6  }
0xf: {  	[smem:$0x3FB1] =	sst s7  }
0x10: {  	[smem:$0x3FB2] =	sst s8  }
0x11: {  	[smem:$0x3FB3] =	sst s9;
	s0 =	simm.s32 @!p0 $0x0  }
0x12: {  	s1 =	sld [smem:$0x3F99];
	s0 =	simm.s32 @p0 $0x1  }
0x13: {  	[smem:$0x3FB4] =	sst s0;
	s0 =	simm.s32 @!p1 $0x0  }
0x14: {  	s2 =	sld [smem:$0x3F98];
	s0 =	simm.s32 @p1 $0x1  }
0x15: {  	[smem:$0x3FB5] =	sst s0;
	s0 =	simm.s32 @!p2 $0x0  }
0x16: {  	s3 =	sld [smem:$0x3FDB];
	s0 =	simm.s32 @p2 $0x1  }
0x17: {  	s4 =	simm.s32 $0x1BF5;
	[smem:$0x3FB7] =	sst s0  }
0x18: {  	s0 =	sld [smem:$0x3F9A];
	_ =	swait.ge [sflag:s4], $0x0  }
0x19: {  	s7 =	sld [smem:$0x3F9B]  }
0x1a: {  	s8 =	sadd.s32 $0xFFFFE003, lr  }
0x1b: {  	s9 =	sadd.s32 $0xFFFFFEF7, lr;
	s5 =	simm.s32 $0xFFFFFFFF;
	p2 =	slt.u32 s8, $0xFFFFF086  }
0x1c: {  	p1 =	slt.u32 s9, $0xF7A;
	s5 =	simm.s32 @!p2 $0x0  }
0x1d: {  	s5 =	simm.s32 @p1 $0x1;
	p0 =	seq.s32 s7, s2  }
0x1e: {  	s7 =	smul.u32 @!p0 $0xF7A, s2;
	p2 =	seq.s32 @!p0 s5, $0x0  }
0x1f: {  	s9 =	smul.u32 $0xF7A, s1;
	s8 =	simm.s32 @!p0 $0x1BF5;
	p2 =	por !p2, p0  }
0x20: {  	[sflag:s8] =	ssyncset.s32 @!p0 $0xFFFFF086;
	s6 =	sadd.s32 @!p0 s3, s7;
	s7 =	simm.s32 @!p0 $0x108  }
0x21: {  	s3 =	sadd.s32 s3, s9;
	s6 =	sadd.s32 @!p0 $0x88, s6;
	s7 =	simm.s32 @p2 $0x1082  }
0x22: {  	[simem:s7], [sflag:s8] =	dma.local @!p0 [hbm:s6], $0xF7A  }
0x23: {  	s9 =	sor.u32 $0xD0000000, s2;
	s6 =	simm.s32 $0x108;
	_ =	swait.ge @!p0 [sflag:s8], $0x0  }
0x24: {  	s3 =	sadd.s32 $0x88, s3;
	s6 =	simm.s32 @!p1 $0x1082;
	[sflag:s4] =	ssyncset.s32 $0xFFFFF086  }
0x25: {  	[simem:s6], [sflag:s4] =	dma.local [hbm:s3], $0xF7A  }
0x26: {  	[smem:$0x3F9B] =	sst s1;
	(tag) =	ssettag s2;
	_ =	strace s9  }
0x27: {  	s1 =	sld [smem:$0x3FAB]  }
0x28: {  	s2 =	sld [smem:$0x3FAC]  }
0x29: {  	s4 =	sld [smem:$0x3FAE]  }
0x2a: {  	p0 =	seq.s32 s5, $0x0;
	s5 =	sld [smem:$0x3FAF]  }
0x2b: {  	s6 =	sld [smem:$0x3FB0]  }
0x2c: {  	s7 =	sld [smem:$0x3FB1]  }
0x2d: {  	s3 =	simm.s32 $0x108;
	s8 =	sld [smem:$0x3FB2]  }
0x2e: {  	s3 =	simm.s32 @!p0 $0x1082;
	s9 =	sld [smem:$0x3FB3]  }
0x2f: {  	lr =	sadd.s32 s0, s3;
	s0 =	sld [smem:$0x3FAA]  }
0x30: {  	s3 =	sld [smem:$0x3FAD]  }
0x31: {  	[smem:$0x3FB6] =	sst s10  }
0x32: {  	s10 =	sld [smem:$0x3FB4];
	_ =	sdelay $0x3  }
0x33: {  	p0 =	seq.s32 s10, $0x1;
	s10 =	sld [smem:$0x3FB6];
	_ =	sdelay $0x3  }
0x34: {  	[smem:$0x3FB6] =	sst s10  }
0x35: {  	s10 =	sld [smem:$0x3FB5];
	_ =	sdelay $0x3  }
0x36: {  	p1 =	seq.s32 s10, $0x1;
	s10 =	sld [smem:$0x3FB6];
	_ =	sdelay $0x3  }
0x37: {  	[smem:$0x3FB6] =	sst s10  }
0x38: {  	s10 =	sld [smem:$0x3FB7]  }
0x39: {  	_ = 	snop;
	(pc) =	sbr.ind lr, $3  }
0x3a: {  	_ = 	snop  }
0x3b: {  	_ = 	snop  }
0x3c: {  	p2 =	seq.s32 s10, $0x1;
	s10 =	sld [smem:$0x3FB6]  }
0x3d: {  	_ =	shalt  }
0x3e: {  	_ =	shalt  }
0x3f: {  	_ =	shalt  }
0x40: {  	_ =	shalt  }
0x41: {  	_ =	shalt  }
0x42: {  	_ =	shalt  }
0x43: {  	_ =	shalt  }
0x44: {  	_ =	shalt  }
0x45: {  	_ =	shalt  }
0x46: {  	_ =	shalt  }
0x47: {  	_ =	shalt  }
0x48: {  	_ =	shalt  }
0x49: {  	_ =	shalt  }
0x4a: {  	_ =	shalt  }
0x4b: {  	_ =	shalt  }
0x4c: {  	_ =	shalt  }
0x4d: {  	_ =	shalt  }
0x4e: {  	_ =	shalt  }
0x4f: {  	_ =	shalt  }
0x50: {  	_ =	shalt  }
0x51: {  	_ =	shalt  }
0x52: {  	_ =	shalt  }
0x53: {  	_ =	shalt  }
0x54: {  	_ =	shalt  }
0x55: {  	_ =	shalt  }
0x56: {  	_ =	shalt  }
0x57: {  	_ =	shalt  }
0x58: {  	_ =	shalt  }
0x59: {  	_ =	shalt  }
0x5a: {  	_ =	shalt  }
0x5b: {  	_ =	shalt  }
0x5c: {  	_ =	shalt  }
0x5d: {  	_ =	shalt  }
0x5e: {  	_ =	shalt  }
0x5f: {  	_ =	shalt  }
0x60: {  	_ =	shalt  }
0x61: {  	_ =	shalt  }
0x62: {  	_ =	shalt  }
0x63: {  	_ =	shalt  }
0x64: {  	_ =	shalt  }
0x65: {  	_ =	shalt  }
0x66: {  	_ =	shalt  }
0x67: {  	_ =	shalt  }
0x68: {  	_ =	shalt  }
0x69: {  	_ =	shalt  }
0x6a: {  	_ =	shalt  }
0x6b: {  	_ =	shalt  }
0x6c: {  	_ =	shalt  }
0x6d: {  	_ =	shalt  }
0x6e: {  	_ =	shalt  }
0x6f: {  	_ =	shalt  }
0x70: {  	_ =	shalt  }
0x71: {  	_ =	shalt  }
0x72: {  	_ =	shalt  }
0x73: {  	_ =	shalt  }
0x74: {  	_ =	shalt  }
0x75: {  	_ =	shalt  }
0x76: {  	_ =	shalt  }
0x77: {  	_ =	shalt  }
0x78: {  	_ =	shalt  }
0x79: {  	_ =	shalt  }
0x7a: {  	_ =	shalt  }
0x7b: {  	_ =	shalt  }
0x7c: {  	_ =	shalt  }
0x7d: {  	_ =	shalt  }
0x7e: {  	_ =	shalt  }
0x7f: {  	_ =	shalt  }
0x80: {  	_ =	shalt  }
0x81: {  	_ =	shalt  }
0x82: {  	_ =	shalt  }
0x83: {  	_ =	shalt  }
0x84: {  	_ =	shalt  }
0x85: {  	_ =	shalt  }
0x86: {  	_ =	shalt  }
0x87: {  	_ =	shalt  }
.Lfunc_end0:
.L_simem_size_0:
called_computation.1_lowered:
.L_overlay_start_0:
0x88: {  	s2 =	sld [smem:$0x3FD9]  }
0x89: {  	s3 =	sld [smem:$0x3FFE];
	_ =	sdelay $0x1  }
0x8a: {  	s1 =	srdreg.scid  }
0x8b: {  	s0 =	sand.u32 $0x1, s1  }
0x8c: {  	s16 =	sshll.u32 s0, $0xA;
	s2 =	sadd.s32 s3, s2  }
0x8d: {  	s2 =	sadd.s32 s2, s16  }
0x8e: {  	[smem:$0x3FC2] =	sst s2  }
0x8f: {  	_ = 	snop  }
0x90: {  	(tm) =	ssettm $0x1  }
0x91: {  	s17 =	sld [smem:$0x3FFB];
	_ =	sdelay $0x3  }
0x92: {  	_ =	strace s17  }
0x93: {  	s2 =	sld [smem:$0x3FFC];
	_ =	sdelay $0x3  }
0x94: {  	_ =	strace s2  }
0x95: {  	s2 =	sld [smem:$0x3FFD];
	_ =	sdelay $0x3  }
0x96: {  	_ =	strace s2  }
0x97: {  	_ =	strace $0x8FFFFFFF  }
0x98: {  	s18 =	sld [smem:$0x3FDB];
	_ =	sdelay $0x1  }
0x99: {  	s19 =	simm.s32 $_scs_section_size  }
0x9a: {  	s4 =	simm.s32 $_size__tile_overlayer_lowered;
	s5 =	simm.s32 $_tile_overlayer_lowered  }
0x9b: {  	s22 =	simm.s32 $0x1BFF;
	s21 =	sshll.u32 s5, $0x1;
	s2 =	sadd.s32 s19, s18  }
0x9c: {  	s6 =	simm.s32 $0x0;
	s20 =	sshll.u32 s4, $0x1;
	s4 =	sadd.s32 s21, s2  }
0x9d: {  	[timem:s6], [sflag:s22] =	dma.local [hbm:s4], s20  }
0x9e: {  	_ =	swait.ge [sflag:s22], s20  }
0x9f: {  	s3 =	ssub.s32 $0x0, s20;
	[sflag:s22] =	ssyncset.done $0x0  }
0xa0: {  	[sflag:s22] =	ssyncadd.s32 s3;
	_ =	sdelay $0x1  }
0xa1: {  	s23 =	simm.s32 $0x1B8B  }
0xa2: {  	_ =	swait.ge [sflag:s23], $0x1  }
0xa3: {  	[sflag:s23] =	ssyncset.done $0x0  }
0xa4: {  	s25 =	simm.s32 $0x1B8E;
	s24 =	sld [smem:$0x3FFE];
	[sflag:s23] =	ssyncadd.s32 $0xFFFFFFFF  }
0xa5: {  	s26 =	simm.s32 $execute0_lowered;
	[smem:$0x3FD2] =	sst s25  }
0xa6: {  	s4 =	sshll.u32 s26, $0x1;
	_ =	strace $0x80000053;
	[dreg:$0x1] =	wrdreg $0xFFFFFFFF  }
0xa7: {  	s28 =	simm.s32 $_size_execute0_lowered;
	s2 =	sadd.s32 s2, s4;
	[dreg:$0x0] =	wrdreg $0x0  }
0xa8: {  	s4 =	sshll.u32 s28, $0x1;
	[dreg:$0x2] =	wrdreg s2  }
0xa9: {  	[dreg:$0x3] =	wrdreg s4  }
0xaa: {  	[dreg:$0x4] =	wrdreg $0xC0  }
0xab: {  	_ =	task [dreg:s6], $0x5FFFF  }
0xac: {  	[dreg:$0x1] =	wrdreg $0xFFFFFFFF  }
0xad: {  	[dreg:$0x0] =	wrdreg $0x60  }
0xae: {  	[dreg:$0x2] =	wrdreg s24  }
0xaf: {  	[dreg:$0x3] =	wrdreg $0x9  }
0xb0: {  	_ =	task.clear_ibuf [dreg:s6], $0x4FFFF;
	_ =	strace $0x90000053  }
0xb1: {  	s29 =	simm.s32 $0x9;
	_ =	strace $0x8000005A  }
0xb2: {  	_ =	swait.ge [sflag:s29], $0x1  }
0xb3: {  	[sflag:s29] =	ssyncadd.s32 $0xFFFFFFFF  }
0xb4: {  	_ =	strace $0x9000005A  }
0xb5: {  	_ =	sfence  }
0xb6: {  	s30 =	sld [smem:$0x0];
	_ =	sdelay $0x2  }
0xb7: {  	s31 =	sshll.u32 s1, $0xD;
	s1 =	sshrl.u32 s1, $0x2  }
0xb8: {  	s3 =	sand.u32 $0x4000, s31;
	s1 =	sadd.s32 s1, s30  }
0xb9: {  	s0 =	sor.u32 s3, s0;
	s1 =	sshll.u32 s1, $0x11  }
0xba: {  	s0 =	sor.u32 s1, s0  }
0xbb: {  	s0 =	sadd.s32 $0x8F2B, s0  }
0xbc: {  	[sflag:s0] =	ssyncadd.remote.s32 $0x1  }
0xbd: {  	_ =	sfence.sel $0xFFFF  }
0xbe: {  	[dreg:$0x0] =	wrdreg $0xFFFFFFFF;
	(pc) =	sbr.abs _section_cstart, $3  }
0xbf: {  	[dreg:$0x1] =	wrdreg $0xFFFFFFFF  }
0xc0: {  	_ =	task.clear_ibuf [dreg:s6], $0x2FFFF;
	_ =	strace $0x9FFFFFFF  }
0xc1: {  	(tm) =	ssettm $0x7FFFFFFF  }
tec
execute0_lowered:
.L_overlay_start_1:
0x0: {  	(tag) =	ssettag $0x1  }
0x1: {  	s1 =	srdreg.scid  }
0x2: {  	s0 =	stileid.u32;
	s4 =	rddreg [dreg:$0x0]  }
0x3: {  	s18 =	simm.s32 $0x900;
	s19 =	simm.s32 $0xD00;
	s20 =	simm.s32 $0x1500  }
0x4: {  	s21 =	simm.s32 $0x1900;
	s22 =	simm.s32 $0x2100;
	s23 =	simm.s32 $0x2500  }
0x5: {  	s24 =	simm.s32 $0x2D00;
	s25 =	simm.s32 $0x3100;
	s1 =	sand.u32 $0x1, s1  }
0x6: {  	s26 =	simm.s32 $0x3900;
	s3 =	sshll.u32 s0, $0x4;
	s2 =	sshll.u32 s1, $0x8  }
0x7: {  	s7 =	simm.s32 $0x100;
	s3 =	sor.u32 s3, s2;
	s2 =	simm.s32 $0x0  }
0x8: {  	s9 =	simm.s32 $0x4500;
	s10 =	simm.s32 $0x4900;
	[smem:$0x7FF] =	sst s2  }
0x9: {  	s11 =	simm.s32 $0x5100;
	_ =	strace $0x80000054;
	[dreg:$0x4] =	wrdreg s18  }
0xa: {  	s12 =	simm.s32 $0x5500;
	s13 =	simm.s32 $0x5D00;
	[dreg:$0x5] =	wrdreg s19  }
0xb: {  	s14 =	simm.s32 $0x6100;
	s15 =	simm.s32 $0x6900;
	[dreg:$0x6] =	wrdreg s20  }
0xc: {  	s16 =	simm.s32 $0x6D00;
	s28 =	simm.s32 $0xB100;
	[dreg:$0x7] =	wrdreg s21  }
0xd: {  	s29 =	simm.s32 $0xB500;
	s30 =	simm.s32 $0xBD00;
	[dreg:$0x8] =	wrdreg s22  }
0xe: {  	s31 =	simm.s32 $0x5;
	s1 =	ssub.s32 $0x2, s1;
	[dreg:$0x9] =	wrdreg s23  }
0xf: {  	s6 =	sshrl.u32 s1, $0x1;
	s5 =	smul.u32 $0x180, s3;
	[dreg:$0xa] =	wrdreg s24  }
0x10: {  	s3 =	sadd.s32 s3, s4;
	s1 =	ssub.s32 s1, s6;
	[dreg:$0xb] =	wrdreg s25  }
0x11: {  	s6 =	simm.s32 $0x1;
	s3 =	sadd.s32 $0xA200, s3;
	[dreg:$0xc] =	wrdreg s26  }
0x12: {  	s18 =	simm.s32 $0x7900;
	s19 =	simm.s32 $0x8100;
	s20 =	simm.s32 $0x8500  }
0x13: {  	s21 =	simm.s32 $0x8D00;
	s22 =	simm.s32 $0x9100;
	s23 =	simm.s32 $0x9900  }
0x14: {  	s24 =	simm.s32 $0x9D00;
	s25 =	simm.s32 $0xA500;
	s26 =	simm.s32 $0xA900  }
0x15: {  	v2 =	vlaneseq.u32;
	s5 =	sadd.s32 s5, s4;
	[dreg:$0x2] =	wrdreg s3;
	s3 =	sadd.s32 $0xA400, s4  }
0x16: {  	vm0 =	vmmov $0xffff;
	vm1 =	vmmov $0xff;
	v1 =	vshrl.u32 v2, $0x3;
	s4 =	sadd.s32 $0xA500, s4;
	s17 =	sadd.s32 $0x6D400, s5;
	s5 =	smax.u32 s1, $0x1  }
0x17: {  	v0 =	vand.u32 $0x7, v2;
	v2 =	vor.u32 $0x8, v2;
	v1 =	vmul.u32 $0x8, v1;
	s1 =	simm.s32 $0x3;
	[dreg:$0x3] =	wrdreg s17;
	s17 =	simm.s32 $0x7500  }
.LBB2_1:
0x18: {  	_ =	strace $0x80000055  }
0x19: {  	s0 =	rddreg [dreg:$0x2]  }
0x1a: {  	[tilespmem:s2], [sflag:$0x1] =	stream.linear.gather [hbm4b:s0+s2], $0x80, $0x200038;
	[tilespmem:$0x18100] =	vst v63  }
0x1b: {  	_ =	strace $0x90000055  }
0x1c: {  	_ =	strace $0x80000056  }
0x1d: {  	_ =	swait.ge [sflag:s6], $0x80  }
0x1e: {  	[sflag:s6] =	ssyncset.done $0x0  }
0x1f: {  	[sflag:s6] =	ssyncadd.s32 $0xFFFFFF80  }
0x20: {  	_ =	strace $0x90000056  }
0x21: {  	_ =	strace $0x80000057  }
0x22: {  	v3 =	vld [tilespmem:$0x0];
	_ =	sdelay $0x4  }
0x23: {  	v4 =	vshrl.u32 v3, $0x3  }
0x24: {  	v4 =	vmul.u32 $0x18, v4  }
0x25: {  	v3 =	vand.u32 $0x7, v3  }
0x26: {  	v3 =	vor.u32 v3, v4  }
0x27: {  	v4 =	vperm.xlane v3, v0;
	_ =	sdelay $0x1  }
0x28: {  	v4 =	vadd.s32 v1, v4;
	_ =	sdelay $0x1  }
0x29: {  	v3 =	vperm.xlane v3, v2;
	_ =	sdelay $0x1  }
0x2a: {  	v3 =	vadd.s32 v1, v3  }
0x2b: {  	[tilespmem:s7], [sflag:$0x5] =	stream.indirect_vreg.gather [hbm4b:s3+s2], $0x80, v4, vm0, $0x2000b8;
	[tilespmem:$0x18100] =	vst v63  }
0x2c: {  	s0 =	rddreg [dreg:$0x4]  }
0x2d: {  	[tilespmem:s0], [sflag:$0x5] =	stream.indirect_vreg.gather [hbm4b:s4+s2], $0x80, v4, vm1, $0x2000b8;
	[tilespmem:$0x18100] =	vst v63  }
0x2e: {  	s8 =	rddreg [dreg:$0x5]  }
0x2f: {  	[tilespmem:s8], [sflag:$0x5] =	stream.indirect_vreg.gather [hbm4b:s3+s2], $0x80, v3, vm0, $0x2000b8;
	[tilespmem:$0x18100] =	vst v63  }
0x30: {  	s0 =	rddreg [dreg:$0x6]  }
0x31: {  	[tilespmem:s0], [sflag:$0x5] =	stream.indirect_vreg.gather [hbm4b:s4+s2], $0x80, v3, vm1, $0x2000b8;
	[tilespmem:$0x18100] =	vst v63  }
0x32: {  	v3 =	vld [tilespmem:$0x10];
	_ =	sdelay $0x4  }
0x33: {  	v57 =	vshrl.u32 v3, $0x3  }
0x34: {  	v4 =	vmul.u32 $0x18, v57  }
0x35: {  	v3 =	vand.u32 $0x7, v3  }
0x36: {  	v3 =	vor.u32 v3, v4  }
0x37: {  	v4 =	vperm.xlane v3, v0;
	_ =	sdelay $0x1  }
0x38: {  	v4 =	vadd.s32 v1, v4;
	_ =	sdelay $0x1  }
0x39: {  	v3 =	vperm.xlane v3, v2;
	_ =	sdelay $0x1  }
0x3a: {  	s0 =	rddreg [dreg:$0x7];
	v3 =	vadd.s32 v1, v3  }
0x3b: {  	[tilespmem:s0], [sflag:$0x5] =	stream.indirect_vreg.gather [hbm4b:s3+s2], $0x80, v4, vm0, $0x2000b8;
	[tilespmem:$0x18100] =	vst v63  }
0x3c: {  	s8 =	rddreg [dreg:$0x8]  }
0x3d: {  	[tilespmem:s8], [sflag:$0x5] =	stream.indirect_vreg.gather [hbm4b:s4+s2], $0x80, v4, vm1, $0x2000b8;
	[tilespmem:$0x18100] =	vst v63  }
0x3e: {  	s0 =	rddreg [dreg:$0x9]  }
0x3f: {  	[tilespmem:s0], [sflag:$0x5] =	stream.indirect_vreg.gather [hbm4b:s3+s2], $0x80, v3, vm0, $0x2000b8;
	[tilespmem:$0x18100] =	vst v63  }
0x40: {  	s8 =	rddreg [dreg:$0xa]  }
0x41: {  	[tilespmem:s8], [sflag:$0x5] =	stream.indirect_vreg.gather [hbm4b:s4+s2], $0x80, v3, vm1, $0x2000b8;
	[tilespmem:$0x18100] =	vst v63  }
0x42: {  	v3 =	vld [tilespmem:$0x20];
	_ =	sdelay $0x4  }
0x43: {  	v58 =	vshrl.u32 v3, $0x3  }
0x44: {  	v4 =	vmul.u32 $0x18, v58  }
0x45: {  	v3 =	vand.u32 $0x7, v3  }
0x46: {  	v3 =	vor.u32 v3, v4  }
0x47: {  	v4 =	vperm.xlane v3, v0;
	_ =	sdelay $0x1  }
0x48: {  	v4 =	vadd.s32 v1, v4;
	_ =	sdelay $0x1  }
0x49: {  	v3 =	vperm.xlane v3, v2;
	_ =	sdelay $0x1  }
0x4a: {  	s0 =	rddreg [dreg:$0xb];
	v3 =	vadd.s32 v1, v3  }
0x4b: {  	[tilespmem:s0], [sflag:$0x5] =	stream.indirect_vreg.gather [hbm4b:s3+s2], $0x80, v4, vm0, $0x2000b8;
	[tilespmem:$0x18100] =	vst v63  }
0x4c: {  	s8 =	rddreg [dreg:$0xc]  }
0x4d: {  	[tilespmem:s8], [sflag:$0x5] =	stream.indirect_vreg.gather [hbm4b:s4+s2], $0x80, v4, vm1, $0x2000b8;
	[tilespmem:$0x18100] =	vst v63  }
0x4e: {  	s8 =	simm.s32 $0x3D00  }
0x4f: {  	[tilespmem:s8], [sflag:$0x5] =	stream.indirect_vreg.gather [hbm4b:s3+s2], $0x80, v3, vm0, $0x2000b8;
	[tilespmem:$0x18100] =	vst v63  }
0x50: {  	_ = 	snop  }
0x51: {  	[tilespmem:s9], [sflag:$0x5] =	stream.indirect_vreg.gather [hbm4b:s4+s2], $0x80, v3, vm1, $0x2000b8;
	[tilespmem:$0x18100] =	vst v63  }
0x52: {  	v3 =	vld [tilespmem:$0x30];
	_ =	sdelay $0x4  }
0x53: {  	v59 =	vshrl.u32 v3, $0x3  }
0x54: {  	v4 =	vmul.u32 $0x18, v59  }
0x55: {  	v3 =	vand.u32 $0x7, v3  }
0x56: {  	v3 =	vor.u32 v3, v4  }
0x57: {  	v4 =	vperm.xlane v3, v0;
	_ =	sdelay $0x1  }
0x58: {  	v4 =	vadd.s32 v1, v4;
	_ =	sdelay $0x1  }
0x59: {  	v3 =	vperm.xlane v3, v2;
	_ =	sdelay $0x1  }
0x5a: {  	v3 =	vadd.s32 v1, v3  }
0x5b: {  	[tilespmem:s10], [sflag:$0x5] =	stream.indirect_vreg.gather [hbm4b:s3+s2], $0x80, v4, vm0, $0x2000b8;
	[tilespmem:$0x18100] =	vst v63  }
0x5c: {  	_ = 	snop  }
0x5d: {  	[tilespmem:s11], [sflag:$0x5] =	stream.indirect_vreg.gather [hbm4b:s4+s2], $0x80, v4, vm1, $0x2000b8;
	[tilespmem:$0x18100] =	vst v63  }
0x5e: {  	_ = 	snop  }
0x5f: {  	[tilespmem:s12], [sflag:$0x5] =	stream.indirect_vreg.gather [hbm4b:s3+s2], $0x80, v3, vm0, $0x2000b8;
	[tilespmem:$0x18100] =	vst v63  }
0x60: {  	_ = 	snop  }
0x61: {  	[tilespmem:s13], [sflag:$0x5] =	stream.indirect_vreg.gather [hbm4b:s4+s2], $0x80, v3, vm1, $0x2000b8;
	[tilespmem:$0x18100] =	vst v63  }
0x62: {  	v3 =	vld [tilespmem:$0x40];
	_ =	sdelay $0x4  }
0x63: {  	v60 =	vshrl.u32 v3, $0x3  }
0x64: {  	v4 =	vmul.u32 $0x18, v60  }
0x65: {  	v3 =	vand.u32 $0x7, v3  }
0x66: {  	v3 =	vor.u32 v3, v4  }
0x67: {  	v4 =	vperm.xlane v3, v0;
	_ =	sdelay $0x1  }
0x68: {  	v4 =	vadd.s32 v1, v4;
	_ =	sdelay $0x1  }
0x69: {  	v3 =	vperm.xlane v3, v2;
	_ =	sdelay $0x1  }
0x6a: {  	v3 =	vadd.s32 v1, v3  }
0x6b: {  	[tilespmem:s14], [sflag:$0x5] =	stream.indirect_vreg.gather [hbm4b:s3+s2], $0x80, v4, vm0, $0x2000b8;
	[tilespmem:$0x18100] =	vst v63  }
0x6c: {  	_ = 	snop  }
0x6d: {  	[tilespmem:s15], [sflag:$0x5] =	stream.indirect_vreg.gather [hbm4b:s4+s2], $0x80, v4, vm1, $0x2000b8;
	[tilespmem:$0x18100] =	vst v63  }
0x6e: {  	_ = 	snop  }
0x6f: {  	[tilespmem:s16], [sflag:$0x5] =	stream.indirect_vreg.gather [hbm4b:s3+s2], $0x80, v3, vm0, $0x2000b8;
	[tilespmem:$0x18100] =	vst v63  }
0x70: {  	_ = 	snop  }
0x71: {  	[tilespmem:s17], [sflag:$0x5] =	stream.indirect_vreg.gather [hbm4b:s4+s2], $0x80, v3, vm1, $0x2000b8;
	[tilespmem:$0x18100] =	vst v63  }
0x72: {  	v3 =	vld [tilespmem:$0x50];
	_ =	sdelay $0x4  }
0x73: {  	v61 =	vshrl.u32 v3, $0x3  }
0x74: {  	v4 =	vmul.u32 $0x18, v61  }
0x75: {  	v3 =	vand.u32 $0x7, v3  }
0x76: {  	v3 =	vor.u32 v3, v4  }
0x77: {  	v4 =	vperm.xlane v3, v0;
	_ =	sdelay $0x1  }
0x78: {  	v4 =	vadd.s32 v1, v4;
	_ =	sdelay $0x1  }
0x79: {  	v3 =	vperm.xlane v3, v2;
	_ =	sdelay $0x1  }
0x7a: {  	v3 =	vadd.s32 v1, v3  }
0x7b: {  	[tilespmem:s18], [sflag:$0x5] =	stream.indirect_vreg.gather [hbm4b:s3+s2], $0x80, v4, vm0, $0x2000b8;
	[tilespmem:$0x18100] =	vst v63  }
0x7c: {  	_ = 	snop  }
0x7d: {  	[tilespmem:s19], [sflag:$0x5] =	stream.indirect_vreg.gather [hbm4b:s4+s2], $0x80, v4, vm1, $0x2000b8;
	[tilespmem:$0x18100] =	vst v63  }
0x7e: {  	_ = 	snop  }
0x7f: {  	[tilespmem:s20], [sflag:$0x5] =	stream.indirect_vreg.gather [hbm4b:s3+s2], $0x80, v3, vm0, $0x2000b8;
	[tilespmem:$0x18100] =	vst v63  }
0x80: {  	_ = 	snop  }
0x81: {  	[tilespmem:s21], [sflag:$0x5] =	stream.indirect_vreg.gather [hbm4b:s4+s2], $0x80, v3, vm1, $0x2000b8;
	[tilespmem:$0x18100] =	vst v63  }
0x82: {  	v3 =	vld [tilespmem:$0x60];
	_ =	sdelay $0x4  }
0x83: {  	v62 =	vshrl.u32 v3, $0x3  }
0x84: {  	v4 =	vmul.u32 $0x18, v62  }
0x85: {  	v3 =	vand.u32 $0x7, v3  }
0x86: {  	v3 =	vor.u32 v3, v4  }
0x87: {  	v4 =	vperm.xlane v3, v0;
	_ =	sdelay $0x1  }
0x88: {  	v4 =	vadd.s32 v1, v4;
	_ =	sdelay $0x1  }
0x89: {  	v3 =	vperm.xlane v3, v2;
	_ =	sdelay $0x1  }
0x8a: {  	v3 =	vadd.s32 v1, v3  }
0x8b: {  	[tilespmem:s22], [sflag:$0x5] =	stream.indirect_vreg.gather [hbm4b:s3+s2], $0x80, v4, vm0, $0x2000b8;
	[tilespmem:$0x18100] =	vst v63  }
0x8c: {  	_ = 	snop  }
0x8d: {  	[tilespmem:s23], [sflag:$0x5] =	stream.indirect_vreg.gather [hbm4b:s4+s2], $0x80, v4, vm1, $0x2000b8;
	[tilespmem:$0x18100] =	vst v63  }
0x8e: {  	_ = 	snop  }
0x8f: {  	[tilespmem:s24], [sflag:$0x5] =	stream.indirect_vreg.gather [hbm4b:s3+s2], $0x80, v3, vm0, $0x2000b8;
	[tilespmem:$0x18100] =	vst v63  }
0x90: {  	_ = 	snop  }
0x91: {  	[tilespmem:s25], [sflag:$0x5] =	stream.indirect_vreg.gather [hbm4b:s4+s2], $0x80, v3, vm1, $0x2000b8;
	[tilespmem:$0x18100] =	vst v63  }
0x92: {  	v3 =	vld [tilespmem:$0x70];
	_ =	sdelay $0x4  }
0x93: {  	v63 =	vshrl.u32 v3, $0x3  }
0x94: {  	v4 =	vmul.u32 $0x18, v63  }
0x95: {  	v3 =	vand.u32 $0x7, v3  }
0x96: {  	v3 =	vor.u32 v3, v4  }
0x97: {  	v4 =	vperm.xlane v3, v0;
	_ =	sdelay $0x1  }
0x98: {  	v4 =	vadd.s32 v1, v4;
	_ =	sdelay $0x1  }
0x99: {  	v3 =	vperm.xlane v3, v2;
	_ =	sdelay $0x1  }
0x9a: {  	v3 =	vadd.s32 v1, v3  }
0x9b: {  	[tilespmem:s26], [sflag:$0x5] =	stream.indirect_vreg.gather [hbm4b:s3+s2], $0x80, v4, vm0, $0x2000b8;
	[tilespmem:$0x18100] =	vst v63  }
0x9c: {  	_ = 	snop  }
0x9d: {  	[tilespmem:s28], [sflag:$0x5] =	stream.indirect_vreg.gather [hbm4b:s4+s2], $0x80, v4, vm1, $0x2000b8;
	[tilespmem:$0x18100] =	vst v63  }
0x9e: {  	_ = 	snop  }
0x9f: {  	[tilespmem:s29], [sflag:$0x5] =	stream.indirect_vreg.gather [hbm4b:s3+s2], $0x80, v3, vm0, $0x2000b8;
	[tilespmem:$0x18100] =	vst v63  }
0xa0: {  	_ = 	snop  }
0xa1: {  	[tilespmem:s30], [sflag:$0x5] =	stream.indirect_vreg.gather [hbm4b:s4+s2], $0x80, v3, vm1, $0x2000b8;
	[tilespmem:$0x18100] =	vst v63  }
0xa2: {  	_ =	swait.ge [sflag:s31], $0xC000  }
0xa3: {  	[sflag:s31] =	ssyncset.done $0x0  }
0xa4: {  	[sflag:s31] =	ssyncadd.s32 $0xFFFF4000  }
0xa5: {  	_ =	strace $0x90000057  }
0xa6: {  	_ =	strace $0x80000058  }
0xa7: {  	s8 =	rddreg [dreg:$0x3]  }
0xa8: {  	[hbm4b:s8+s2] =	stream.linear.scatter [tilespmem:s7], [sflag:$0x3], $0xC000, $0x200038;
	[tilespmem:$0x18100] =	vst v63  }
0xa9: {  	p0 =	sne.s32 s5, $0x1;
	_ =	strace $0x90000058  }
.Ltmp0:
0xaa: {  	_ =	strace $0x80000059;
	(pc) =	sbr.rel @p0 .LBB2_1-.Ltmp0, $4  }
0xab: {  	_ =	swait.ge [sflag:s1], $0xC000  }
0xac: {  	[sflag:s1] =	ssyncset.done $0x0  }
0xad: {  	[sflag:s1] =	ssyncadd.s32 $0xFFFF4000  }
0xae: {  	s5 =	sadd.s32 $0xFFFFFFFF, s5;
	_ =	strace $0x90000059  }
0xaf: {  	_ =	sfence.sel $0x180000  }
0xb0: {  	[bflag:$0x0] =	sbarrier.arrive $0xFFFF  }
0xb1: {  	_ =	strace $0x90000054  }
0xb2: {  	s0 =	stileid.u32;
	[bflag:$0x2] =	sbarrier.arrive $0xFFFF  }
0xb3: {  	p0 =	sne.s32 s0, $0x0;
	s0 =	rddreg [dreg:$0x1]  }
0xb4: {  	s0 =	sadd.s32 @!p0 $0x100000, s0  }
0xb5: {  	[sflag:s0] =	ssyncadd.tile.s32 @!p0 $0x1;
	_ =	shalt  }
.Lfunc_end2:
_tile_overlayer_lowered:
.L_overlay_start_2:
0xb6: {  	(tag) =	ssettag $0x2  }
0xb7: {  	s0 =	rddreg [dreg:$0x0];
	s2 =	stileid.u32  }
0xb8: {  	s1 =	rddreg [dreg:$0x1];
	p0 =	sne.s32 s2, $0x0  }
0xb9: {  	s3 =	rddreg [dreg:$0x2];
	[bflag:$0x3] =	sbarrier.arrive $0xFFFF;
	s2 =	simm.s32 @!p0 $0x1C01  }
0xba: {  	[timem:s3], [sflag:s2] =	dma.local @!p0 [hbm:s0], s1  }
0xbb: {  	s0 =	simm.s32 @!p0 $0x1  }
0xbc: {  	_ =	swait.ge @!p0 [sflag:s0], s1  }
0xbd: {  	s1 =	ssub.s32 @!p0 $0x0, s1;
	[sflag:s0] =	ssyncset.done @!p0 $0x0  }
0xbe: {  	[sflag:s0] =	ssyncadd.s32 @!p0 s1  }
0xbf: {  	[bflag:$0x3] =	sbarrier.arrive $0xFFFF  }
0xc0: {  	_ =	shalt  }

</sc_bundles>
